<compile_context>
chip_gen: v7x
topology: tpu7x:2x2x1
jax: 0.10.2.dev20260603
libtpu: 0.0.44.dev20260713+nightly
codegen_flags: <defaults>
</compile_context>

<pallas_src>
import functools

import jax
import jax.numpy as jnp
from jax import lax
from jax.experimental import pallas as pl
from jax.experimental.pallas import tpu as pltpu
from jax.experimental.pallas import tpu_sc as plsc

B, L, H, W, C = 16, 4096, 512, 512, 32
HID = H // 2

NC, NS, LANES = 2, 16, 16
NW = NC * NS
CW = 64

NSPLIT = 2
BSL = B // NSPLIT

CS_CH = 512
MLP_BLK = 512


def _cumsum_body(x_ref, out_ref, carry_ref):
    c = pl.program_id(1)

    @pl.when(c == 0)
    def _():
        carry_ref[...] = jnp.zeros_like(carry_ref)

    x = x_ref[0]
    inc = x
    k = 1
    while k < CS_CH:
        inc = inc + jnp.concatenate(
            [jnp.zeros((k, H), jnp.float32), inc[:-k]], axis=0)
        k *= 2
    out_ref[0] = carry_ref[...] + (inc - x)
    carry_ref[...] = carry_ref[...] + inc[CS_CH - 1:CS_CH, :]


def _prefix_table(x, nb, b0):
    return pl.pallas_call(
        _cumsum_body,
        grid=(nb, L // CS_CH),
        in_specs=[pl.BlockSpec((1, CS_CH, H), lambda b, c: (b + b0, c, 0))],
        out_specs=pl.BlockSpec((1, CS_CH, H), lambda b, c: (b, c, 0)),
        out_shape=jax.ShapeDtypeStruct((nb, L, H), jnp.float32),
        scratch_shapes=[pltpu.VMEM((1, H), jnp.float32)],
    )(x)


def _make_sc_pool_body(wpt, nchunk):
    def body(table, s_hbm, e_hbm, pooled_hbm, inv_hbm, mask_hbm,
             s_v, e_v, idx_s, idx_e, inv_v, mask_v,
             rows_s, rows_e, pooled_v, sem_s, sem_e):
        wid = lax.axis_index("s") * NC + lax.axis_index("c")
        base = wid * wpt
        brow = (base // W) * L

        pltpu.sync_copy(s_hbm.at[pl.ds(base, wpt)], s_v)
        pltpu.sync_copy(e_hbm.at[pl.ds(base, wpt)], e_v)

        for g in range(wpt // LANES):
            sl = pl.ds(g * LANES, LANES)
            vs = s_v[sl]
            ve = e_v[sl]
            valid = vs < ve
            cnt = jnp.where(valid, ve - vs, 1).astype(jnp.float32)
            inv_v[sl] = 1.0 / cnt
            mask_v[sl] = jnp.where(valid, 1.0, 0.0)
            c0, r0 = divmod(g * LANES, CW)
            idx_s[c0, pl.ds(r0, LANES)] = vs + brow
            idx_e[c0, pl.ds(r0, LANES)] = ve + brow

        pltpu.sync_copy(inv_v, inv_hbm.at[pl.ds(base, wpt)])
        pltpu.sync_copy(mask_v, mask_hbm.at[pl.ds(base, wpt)])

        for c in range(nchunk):
            cp_s = pltpu.async_copy(table.at[idx_s.at[c]], rows_s, sem_s)
            cp_e = pltpu.async_copy(table.at[idx_e.at[c]], rows_e, sem_e)
            cp_s.wait()
            cp_e.wait()

            def word(i, carry):
                def hchunk(k, carry2):
                    hs = pl.ds(k * LANES, LANES)
                    pooled_v[i, hs] = rows_e[i, hs] - rows_s[i, hs]
                    return carry2
                return lax.fori_loop(0, H // LANES, hchunk, carry)

            lax.fori_loop(0, CW, word, 0)
            pltpu.sync_copy(pooled_v, pooled_hbm.at[pl.ds(base + c * CW, CW)])
    return body


def _sc_pool(table, s_flat, e_flat):
    total = s_flat.shape[0]
    wpt = total // NW
    nchunk = wpt // CW
    mesh = plsc.VectorSubcoreMesh(core_axis_name="c", subcore_axis_name="s",
                                  num_cores=NC, num_subcores=NS)
    fn = functools.partial(
        pl.kernel,
        out_type=(jax.ShapeDtypeStruct((total, H), jnp.float32),
                  jax.ShapeDtypeStruct((total,), jnp.float32),
                  jax.ShapeDtypeStruct((total,), jnp.float32)),
        mesh=mesh,
        scratch_types=[
            pltpu.VMEM((wpt,), jnp.int32),
            pltpu.VMEM((wpt,), jnp.int32),
            pltpu.VMEM((nchunk, CW), jnp.int32),
            pltpu.VMEM((nchunk, CW), jnp.int32),
            pltpu.VMEM((wpt,), jnp.float32),
            pltpu.VMEM((wpt,), jnp.float32),
            pltpu.VMEM((CW, H), jnp.float32),
            pltpu.VMEM((CW, H), jnp.float32),
            pltpu.VMEM((CW, H), jnp.float32),
            pltpu.SemaphoreType.DMA,
            pltpu.SemaphoreType.DMA,
        ],
    )(_make_sc_pool_body(wpt, nchunk))
    return fn(table, s_flat, e_flat)


def _mlp_body(p_ref, inv_ref, w1_ref, b1_ref, w2_ref, b2_ref, out_ref):
    p = p_ref[...] * inv_ref[...]
    h = jnp.dot(p, w1_ref[...], preferred_element_type=jnp.float32)
    h = h + b1_ref[...]
    h = 0.5 * h * (1.0 + lax.erf(h * (2.0 ** -0.5)))
    o = jnp.dot(h, w2_ref[...], preferred_element_type=jnp.float32)
    out_ref[...] = o + b2_ref[...]


def _mlp(pooled_sum, inv, w1, b1, w2, b2):
    total = pooled_sum.shape[0]
    return pl.pallas_call(
        _mlp_body,
        grid=(total // MLP_BLK,),
        in_specs=[
            pl.BlockSpec((MLP_BLK, H), lambda i: (i, 0)),
            pl.BlockSpec((MLP_BLK, 1), lambda i: (i, 0)),
            pl.BlockSpec((H, HID), lambda i: (0, 0)),
            pl.BlockSpec((1, HID), lambda i: (0, 0)),
            pl.BlockSpec((HID, C), lambda i: (0, 0)),
            pl.BlockSpec((1, C), lambda i: (0, 0)),
        ],
        out_specs=pl.BlockSpec((MLP_BLK, C), lambda i: (i, 0)),
        out_shape=jax.ShapeDtypeStruct((total, C), jnp.float32),
    )(pooled_sum, inv, w1, b1, w2, b2)


def kernel(encoder_output, word_offsets, W1, b1, W2, b2):
    b1r = b1.reshape(1, HID)
    b2r = b2.reshape(1, C)
    pooled_parts, inv_parts, mask_parts = [], [], []
    for i in range(NSPLIT):
        wo = word_offsets[i * BSL:(i + 1) * BSL]
        table = _prefix_table(encoder_output, BSL, i * BSL).reshape(BSL * L, H)
        pooled_sum, inv, mask = _sc_pool(
            table, wo[..., 0].reshape(BSL * W), wo[..., 1].reshape(BSL * W))
        pooled_parts.append(pooled_sum)
        inv_parts.append(inv)
        mask_parts.append(mask)
    logits_parts = [
        _mlp(p, iv.reshape(-1, 1), W1, b1r, W2, b2r)
        for p, iv in zip(pooled_parts, inv_parts)
    ]
    logits = jnp.concatenate(logits_parts, axis=0)
    mask = jnp.concatenate(mask_parts, axis=0)
    return logits.reshape(B, W, C), mask.reshape(B, W)

# --- scband reference (transcript-rebuilt; emitter-appended) ---
"""Pipeline reference for scband-irab-head-66898410602527 (READ-ONLY COPY).

The authoritative reference and input builder live on the scoring server;
editing this copy changes nothing except your own understanding.
"""

import jax, jax.numpy as jnp
import numpy as np


def setup_inputs(seed: int = 0) -> dict:
    key = jax.random.key(seed)
    k1, k2, k3, k4 = jax.random.split(key, 4)
    B, L, H, W, C = 16, 4096, 512, 512, 32
    encoder_output = jax.random.normal(k1, (B, L, H), dtype=jnp.float32)
    word_offsets = jnp.sort(jax.random.randint(k2, (B, W, 2), 0, L), axis=-1).astype(jnp.int32)
    W1 = jax.random.normal(k3, (H, H // 2), dtype=jnp.float32) * (1.0 / np.sqrt(H))
    b1 = jnp.zeros((H // 2,), dtype=jnp.float32)
    W2 = jax.random.normal(k4, (H // 2, C), dtype=jnp.float32) * (1.0 / np.sqrt(H // 2))
    b2 = jnp.zeros((C,), dtype=jnp.float32)
    return {"encoder_output": encoder_output, "word_offsets": word_offsets,
            "W1": W1, "b1": b1, "W2": W2, "b2": b2}


def reference(encoder_output, word_offsets, W1, b1, W2, b2):
    # Faithful translation of IrabHead.forward (eval mode, dropout = identity).
    # Per-word mean pooling over [s, e) spans implemented via prefix sums + gather,
    # which is mathematically identical to encoder_output[b, s:e].mean(0).
    B, L, H = encoder_output.shape
    Wn = word_offsets.shape[1]
    s = word_offsets[..., 0]
    e = word_offsets[..., 1]
    valid = (s < L) & (e <= L) & (s < e)
    zero = jnp.zeros((B, 1, H), dtype=encoder_output.dtype)
    cs = jnp.concatenate([zero, jnp.cumsum(encoder_output, axis=1)], axis=1)  # (B, L+1, H)
    e_idx = jnp.broadcast_to(e[:, :, None], (B, Wn, H))
    s_idx = jnp.broadcast_to(s[:, :, None], (B, Wn, H))
    span_sum = jnp.take_along_axis(cs, e_idx, axis=1) - jnp.take_along_axis(cs, s_idx, axis=1)
    counts = jnp.where(valid, e - s, 1).astype(encoder_output.dtype)
    pooled = jnp.where(valid[:, :, None], span_sum / counts[:, :, None], 0.0)
    # proj: Linear -> GELU (exact, matching torch default) -> Dropout(eval) -> Linear
    h = jax.nn.gelu(pooled @ W1 + b1, approximate=False)
    logits = h @ W2 + b2
    mask = valid.astype(jnp.float32)
    return (logits, mask)

if __name__ == "__main__":
    import jax
    _d = setup_inputs()
    print(jax.jit(kernel)(*tuple(_d.values())))

</pallas_src>

<mosaic_0001>
#map = affine_map<(d0, d1) -> (0, 0)>
#map1 = affine_map<(d0, d1) -> (0)>
module attributes {stable_mosaic.version = 14 : i64} {
  func.func @body(%arg0: i32, %arg1: i32, %arg2: memref<32768x512xf32, #tpu.memory_space<hbm>>, %arg3: memref<4096xi32, #tpu.memory_space<hbm>>, %arg4: memref<4096xi32, #tpu.memory_space<hbm>>, %arg5: memref<4096x512xf32, #tpu.memory_space<hbm>>, %arg6: memref<4096xf32, #tpu.memory_space<hbm>>, %arg7: memref<4096xf32, #tpu.memory_space<hbm>>, %arg8: memref<128xi32, #tpu.memory_space<vmem>>, %arg9: memref<128xi32, #tpu.memory_space<vmem>>, %arg10: memref<2x64xi32, #tpu.memory_space<vmem>>, %arg11: memref<2x64xi32, #tpu.memory_space<vmem>>, %arg12: memref<128xf32, #tpu.memory_space<vmem>>, %arg13: memref<128xf32, #tpu.memory_space<vmem>>, %arg14: memref<64x512xf32, #tpu.memory_space<vmem>>, %arg15: memref<64x512xf32, #tpu.memory_space<vmem>>, %arg16: memref<64x512xf32, #tpu.memory_space<vmem>>, %arg17: memref<!tpu.dma_semaphore, #tpu.memory_space<semaphore_mem>>, %arg18: memref<!tpu.dma_semaphore, #tpu.memory_space<semaphore_mem>>) attributes {dimension_semantics = [#tpu.dimension_semantics<core_parallel>, #tpu.dimension_semantics<subcore_parallel>], iteration_bounds = array<i64: 2, 16>, scalar_prefetch = 0 : i64, scratch_operands = 11 : i64, tpu.core_type = #tpu.core_type<sc_vector_subcore>, window_params = [{transform_indices = #map}, {transform_indices = #map1}, {transform_indices = #map1}, {transform_indices = #map}, {transform_indices = #map1}, {transform_indices = #map1}]} {
    %mul3A = arith.constant 2 : i32
    %mul3A_0 = arith.muli %arg1, %mul3A : i32
    %add3A = arith.addi %mul3A_0, %arg0 : i32
    %mul3A_1 = arith.constant 128 : i32
    %mul3A_2 = arith.muli %add3A, %mul3A_1 : i32
    %jit3A = arith.constant 512 : i32
    %div3A = arith.divsi %mul3A_2, %jit3A : i32
    %sign3A = arith.constant 0 : i32
    %sign3A_3 = arith.cmpi sgt, %mul3A_2, %sign3A : i32
    %sign3A_4 = arith.extui %sign3A_3 : i1 to i32
    %sign3A_5 = arith.constant 0 : i32
    %sign3A_6 = arith.cmpi slt, %mul3A_2, %sign3A_5 : i32
    %sign3A_7 = arith.extui %sign3A_6 : i1 to i32
    %sign3A_8 = arith.subi %sign3A_4, %sign3A_7 : i32
    %sign3A_9 = arith.constant 0 : i32
    %sign3A_10 = arith.cmpi sgt, %jit3A, %sign3A_9 : i32
    %sign3A_11 = arith.extui %sign3A_10 : i1 to i32
    %sign3A_12 = arith.constant 0 : i32
    %sign3A_13 = arith.cmpi slt, %jit3A, %sign3A_12 : i32
    %sign3A_14 = arith.extui %sign3A_13 : i1 to i32
    %sign3A_15 = arith.subi %sign3A_11, %sign3A_14 : i32
    %ne3A = arith.cmpi ne, %sign3A_8, %sign3A_15 : i32
    %rem3A = arith.remsi %mul3A_2, %jit3A : i32
    %ne3A_16 = arith.constant 0 : i32
    %ne3A_17 = arith.cmpi ne, %rem3A, %ne3A_16 : i32
    %and3A = arith.andi %ne3A, %ne3A_17 : i1
    %sub3A = arith.constant 1 : i32
    %sub3A_18 = arith.subi %div3A, %sub3A : i32
    %select_n3A = arith.select %and3A, %sub3A_18, %div3A : i32
    %mul3A_19 = arith.constant 4096 : i32
    %mul3A_20 = arith.muli %select_n3A, %mul3A_19 : i32
    "tpu.region"() ({
      %run_scoped3A = tpu.sem_alloc : memref<!tpu.dma_semaphore, #tpu.memory_space<semaphore_mem>>
      %dma_start3A_437 = tpu.memref_slice %arg3[%mul3A_2] : memref<4096xi32, #tpu.memory_space<hbm>> -> memref<128xi32, #tpu.memory_space<hbm>>
      %dma_start3A_438 = tpu.memref_slice %arg3[%mul3A_2] : memref<4096xi32, #tpu.memory_space<hbm>> -> memref<128xi32, #tpu.memory_space<hbm>>
      tpu.enqueue_dma source(%dma_start3A_438 : memref<128xi32, #tpu.memory_space<hbm>>) target(%arg8 : memref<128xi32, #tpu.memory_space<vmem>>) target_semaphore(%run_scoped3A : memref<!tpu.dma_semaphore, #tpu.memory_space<semaphore_mem>>)
      %dma_wait3A_439 = tpu.memref_slice %arg3[%mul3A_2] : memref<4096xi32, #tpu.memory_space<hbm>> -> memref<128xi32, #tpu.memory_space<hbm>>
      %dma_wait3A_440 = tpu.memref_slice %arg3[%mul3A_2] : memref<4096xi32, #tpu.memory_space<hbm>> -> memref<128xi32, #tpu.memory_space<hbm>>
      tpu.wait_dma2 semaphore(%run_scoped3A : memref<!tpu.dma_semaphore, #tpu.memory_space<semaphore_mem>>) src(%dma_wait3A_440 : memref<128xi32, #tpu.memory_space<hbm>>) dst(%arg8 : memref<128xi32, #tpu.memory_space<vmem>>)
      tpu.yield
    }) : () -> ()
    "tpu.region"() ({
      %run_scoped3A = tpu.sem_alloc : memref<!tpu.dma_semaphore, #tpu.memory_space<semaphore_mem>>
      %dma_start3A_437 = tpu.memref_slice %arg4[%mul3A_2] : memref<4096xi32, #tpu.memory_space<hbm>> -> memref<128xi32, #tpu.memory_space<hbm>>
      %dma_start3A_438 = tpu.memref_slice %arg4[%mul3A_2] : memref<4096xi32, #tpu.memory_space<hbm>> -> memref<128xi32, #tpu.memory_space<hbm>>
      tpu.enqueue_dma source(%dma_start3A_438 : memref<128xi32, #tpu.memory_space<hbm>>) target(%arg9 : memref<128xi32, #tpu.memory_space<vmem>>) target_semaphore(%run_scoped3A : memref<!tpu.dma_semaphore, #tpu.memory_space<semaphore_mem>>)
      %dma_wait3A_439 = tpu.memref_slice %arg4[%mul3A_2] : memref<4096xi32, #tpu.memory_space<hbm>> -> memref<128xi32, #tpu.memory_space<hbm>>
      %dma_wait3A_440 = tpu.memref_slice %arg4[%mul3A_2] : memref<4096xi32, #tpu.memory_space<hbm>> -> memref<128xi32, #tpu.memory_space<hbm>>
      tpu.wait_dma2 semaphore(%run_scoped3A : memref<!tpu.dma_semaphore, #tpu.memory_space<semaphore_mem>>) src(%dma_wait3A_440 : memref<128xi32, #tpu.memory_space<hbm>>) dst(%arg9 : memref<128xi32, #tpu.memory_space<vmem>>)
      tpu.yield
    }) : () -> ()
    %get3A = arith.constant 0 : index
    %get3A_21 = tpu.vector_load %arg8[%get3A] {strides = array<i32>} : memref<128xi32, #tpu.memory_space<vmem>>, vector<16xi32>,
    %get3A_22 = vector.shape_cast %get3A_21 : vector<16xi32> to vector<16xi32>
    %get3A_23 = arith.constant 0 : index
    %get3A_24 = tpu.vector_load %arg9[%get3A_23] {strides = array<i32>} : memref<128xi32, #tpu.memory_space<vmem>>, vector<16xi32>,
    %get3A_25 = vector.shape_cast %get3A_24 : vector<16xi32> to vector<16xi32>
    %lt3A = arith.cmpi slt, %get3A_22, %get3A_25 : vector<16xi32>
    %sub3A_26 = arith.subi %get3A_25, %get3A_22 : vector<16xi32>
    %jit3A_27 = arith.constant 1 : i32
    %broadcast_in_dim3A = vector.broadcast %jit3A_27 : i32 to vector<16xi32>
    %select_n3A_28 = arith.select %lt3A, %sub3A_26, %broadcast_in_dim3A : vector<16xi1>, vector<16xi32>
    %convert_element_type3A = arith.sitofp %select_n3A_28 : vector<16xi32> to vector<16xf32>
    %div3A_29 = arith.constant 1.000000e+00 : f32
    %div3A_30 = vector.broadcast %div3A_29 : f32 to vector<16xf32>
    %div3A_31 = arith.divf %div3A_30, %convert_element_type3A : vector<16xf32>
    %swap3A = arith.constant 0 : index
    %swap3A_32 = tpu.vector_load %arg12[%swap3A] {strides = array<i32>} : memref<128xf32, #tpu.memory_space<vmem>>, vector<16xf32>,
    %swap3A_33 = vector.shape_cast %swap3A_32 : vector<16xf32> to vector<16xf32>
    %swap3A_34 = vector.shape_cast %div3A_31 : vector<16xf32> to vector<16xf32>
    tpu.vector_store %arg12[%swap3A], %swap3A_34 {strides = array<i32>} : memref<128xf32, #tpu.memory_space<vmem>>, vector<16xf32>,
    %jit3A_35 = arith.constant 1.000000e+00 : f32
    %jit3A_36 = arith.constant 0.000000e+00 : f32
    %broadcast_in_dim3A_37 = vector.broadcast %jit3A_35 : f32 to vector<16xf32>
    %broadcast_in_dim3A_38 = vector.broadcast %jit3A_36 : f32 to vector<16xf32>
    %select_n3A_39 = arith.select %lt3A, %broadcast_in_dim3A_37, %broadcast_in_dim3A_38 : vector<16xi1>, vector<16xf32>
    %swap3A_40 = arith.constant 0 : index
    %swap3A_41 = tpu.vector_load %arg13[%swap3A_40] {strides = array<i32>} : memref<128xf32, #tpu.memory_space<vmem>>, vector<16xf32>,
    %swap3A_42 = vector.shape_cast %swap3A_41 : vector<16xf32> to vector<16xf32>
    %swap3A_43 = vector.shape_cast %select_n3A_39 : vector<16xf32> to vector<16xf32>
    tpu.vector_store %arg13[%swap3A_40], %swap3A_43 {strides = array<i32>} : memref<128xf32, #tpu.memory_space<vmem>>, vector<16xf32>,
    %add3A_44 = vector.broadcast %mul3A_20 : i32 to vector<16xi32>
    %add3A_45 = arith.addi %get3A_22, %add3A_44 : vector<16xi32>
    %swap3A_46 = arith.constant 0 : i32
    %swap3A_47 = arith.index_cast %swap3A_46 : i32 to index
    %swap3A_48 = arith.constant 0 : index
    %swap3A_49 = tpu.vector_load %arg10[%swap3A_47, %swap3A_48] {strides = array<i32>} : memref<2x64xi32, #tpu.memory_space<vmem>>, vector<1x16xi32>,
    %swap3A_50 = vector.shape_cast %swap3A_49 : vector<1x16xi32> to vector<16xi32>
    %swap3A_51 = vector.shape_cast %add3A_45 : vector<16xi32> to vector<1x16xi32>
    tpu.vector_store %arg10[%swap3A_47, %swap3A_48], %swap3A_51 {strides = array<i32>} : memref<2x64xi32, #tpu.memory_space<vmem>>, vector<1x16xi32>,
    %add3A_52 = vector.broadcast %mul3A_20 : i32 to vector<16xi32>
    %add3A_53 = arith.addi %get3A_25, %add3A_52 : vector<16xi32>
    %swap3A_54 = arith.constant 0 : i32
    %swap3A_55 = arith.index_cast %swap3A_54 : i32 to index
    %swap3A_56 = arith.constant 0 : index
    %swap3A_57 = tpu.vector_load %arg11[%swap3A_55, %swap3A_56] {strides = array<i32>} : memref<2x64xi32, #tpu.memory_space<vmem>>, vector<1x16xi32>,
    %swap3A_58 = vector.shape_cast %swap3A_57 : vector<1x16xi32> to vector<16xi32>
    %swap3A_59 = vector.shape_cast %add3A_53 : vector<16xi32> to vector<1x16xi32>
    tpu.vector_store %arg11[%swap3A_55, %swap3A_56], %swap3A_59 {strides = array<i32>} : memref<2x64xi32, #tpu.memory_space<vmem>>, vector<1x16xi32>,
    %get3A_60 = arith.constant 16 : index
    %get3A_61 = tpu.vector_load %arg8[%get3A_60] {strides = array<i32>} : memref<128xi32, #tpu.memory_space<vmem>>, vector<16xi32>,
    %get3A_62 = vector.shape_cast %get3A_61 : vector<16xi32> to vector<16xi32>
    %get3A_63 = arith.constant 16 : index
    %get3A_64 = tpu.vector_load %arg9[%get3A_63] {strides = array<i32>} : memref<128xi32, #tpu.memory_space<vmem>>, vector<16xi32>,
    %get3A_65 = vector.shape_cast %get3A_64 : vector<16xi32> to vector<16xi32>
    %lt3A_66 = arith.cmpi slt, %get3A_62, %get3A_65 : vector<16xi32>
    %sub3A_67 = arith.subi %get3A_65, %get3A_62 : vector<16xi32>
    %jit3A_68 = arith.constant 1 : i32
    %broadcast_in_dim3A_69 = vector.broadcast %jit3A_68 : i32 to vector<16xi32>
    %select_n3A_70 = arith.select %lt3A_66, %sub3A_67, %broadcast_in_dim3A_69 : vector<16xi1>, vector<16xi32>
    %convert_element_type3A_71 = arith.sitofp %select_n3A_70 : vector<16xi32> to vector<16xf32>
    %div3A_72 = arith.constant 1.000000e+00 : f32
    %div3A_73 = vector.broadcast %div3A_72 : f32 to vector<16xf32>
    %div3A_74 = arith.divf %div3A_73, %convert_element_type3A_71 : vector<16xf32>
    %swap3A_75 = arith.constant 16 : index
    %swap3A_76 = tpu.vector_load %arg12[%swap3A_75] {strides = array<i32>} : memref<128xf32, #tpu.memory_space<vmem>>, vector<16xf32>,
    %swap3A_77 = vector.shape_cast %swap3A_76 : vector<16xf32> to vector<16xf32>
    %swap3A_78 = vector.shape_cast %div3A_74 : vector<16xf32> to vector<16xf32>
    tpu.vector_store %arg12[%swap3A_75], %swap3A_78 {strides = array<i32>} : memref<128xf32, #tpu.memory_space<vmem>>, vector<16xf32>,
    %jit3A_79 = arith.constant 1.000000e+00 : f32
    %jit3A_80 = arith.constant 0.000000e+00 : f32
    %broadcast_in_dim3A_81 = vector.broadcast %jit3A_79 : f32 to vector<16xf32>
    %broadcast_in_dim3A_82 = vector.broadcast %jit3A_80 : f32 to vector<16xf32>
    %select_n3A_83 = arith.select %lt3A_66, %broadcast_in_dim3A_81, %broadcast_in_dim3A_82 : vector<16xi1>, vector<16xf32>
    %swap3A_84 = arith.constant 16 : index
    %swap3A_85 = tpu.vector_load %arg13[%swap3A_84] {strides = array<i32>} : memref<128xf32, #tpu.memory_space<vmem>>, vector<16xf32>,
    %swap3A_86 = vector.shape_cast %swap3A_85 : vector<16xf32> to vector<16xf32>
    %swap3A_87 = vector.shape_cast %select_n3A_83 : vector<16xf32> to vector<16xf32>
    tpu.vector_store %arg13[%swap3A_84], %swap3A_87 {strides = array<i32>} : memref<128xf32, #tpu.memory_space<vmem>>, vector<16xf32>,
    %add3A_88 = vector.broadcast %mul3A_20 : i32 to vector<16xi32>
    %add3A_89 = arith.addi %get3A_62, %add3A_88 : vector<16xi32>
    %swap3A_90 = arith.constant 0 : i32
    %swap3A_91 = arith.index_cast %swap3A_90 : i32 to index
    %swap3A_92 = arith.constant 16 : index
    %swap3A_93 = tpu.vector_load %arg10[%swap3A_91, %swap3A_92] {strides = array<i32>} : memref<2x64xi32, #tpu.memory_space<vmem>>, vector<1x16xi32>,
    %swap3A_94 = vector.shape_cast %swap3A_93 : vector<1x16xi32> to vector<16xi32>
    %swap3A_95 = vector.shape_cast %add3A_89 : vector<16xi32> to vector<1x16xi32>
    tpu.vector_store %arg10[%swap3A_91, %swap3A_92], %swap3A_95 {strides = array<i32>} : memref<2x64xi32, #tpu.memory_space<vmem>>, vector<1x16xi32>,
    %add3A_96 = vector.broadcast %mul3A_20 : i32 to vector<16xi32>
    %add3A_97 = arith.addi %get3A_65, %add3A_96 : vector<16xi32>
    %swap3A_98 = arith.constant 0 : i32
    %swap3A_99 = arith.index_cast %swap3A_98 : i32 to index
    %swap3A_100 = arith.constant 16 : index
    %swap3A_101 = tpu.vector_load %arg11[%swap3A_99, %swap3A_100] {strides = array<i32>} : memref<2x64xi32, #tpu.memory_space<vmem>>, vector<1x16xi32>,
    %swap3A_102 = vector.shape_cast %swap3A_101 : vector<1x16xi32> to vector<16xi32>
    %swap3A_103 = vector.shape_cast %add3A_97 : vector<16xi32> to vector<1x16xi32>
    tpu.vector_store %arg11[%swap3A_99, %swap3A_100], %swap3A_103 {strides = array<i32>} : memref<2x64xi32, #tpu.memory_space<vmem>>, vector<1x16xi32>,
    %get3A_104 = arith.constant 32 : index
    %get3A_105 = tpu.vector_load %arg8[%get3A_104] {strides = array<i32>} : memref<128xi32, #tpu.memory_space<vmem>>, vector<16xi32>,
    %get3A_106 = vector.shape_cast %get3A_105 : vector<16xi32> to vector<16xi32>
    %get3A_107 = arith.constant 32 : index
    %get3A_108 = tpu.vector_load %arg9[%get3A_107] {strides = array<i32>} : memref<128xi32, #tpu.memory_space<vmem>>, vector<16xi32>,
    %get3A_109 = vector.shape_cast %get3A_108 : vector<16xi32> to vector<16xi32>
    %lt3A_110 = arith.cmpi slt, %get3A_106, %get3A_109 : vector<16xi32>
    %sub3A_111 = arith.subi %get3A_109, %get3A_106 : vector<16xi32>
    %jit3A_112 = arith.constant 1 : i32
    %broadcast_in_dim3A_113 = vector.broadcast %jit3A_112 : i32 to vector<16xi32>
    %select_n3A_114 = arith.select %lt3A_110, %sub3A_111, %broadcast_in_dim3A_113 : vector<16xi1>, vector<16xi32>
    %convert_element_type3A_115 = arith.sitofp %select_n3A_114 : vector<16xi32> to vector<16xf32>
    %div3A_116 = arith.constant 1.000000e+00 : f32
    %div3A_117 = vector.broadcast %div3A_116 : f32 to vector<16xf32>
    %div3A_118 = arith.divf %div3A_117, %convert_element_type3A_115 : vector<16xf32>
    %swap3A_119 = arith.constant 32 : index
    %swap3A_120 = tpu.vector_load %arg12[%swap3A_119] {strides = array<i32>} : memref<128xf32, #tpu.memory_space<vmem>>, vector<16xf32>,
    %swap3A_121 = vector.shape_cast %swap3A_120 : vector<16xf32> to vector<16xf32>
    %swap3A_122 = vector.shape_cast %div3A_118 : vector<16xf32> to vector<16xf32>
    tpu.vector_store %arg12[%swap3A_119], %swap3A_122 {strides = array<i32>} : memref<128xf32, #tpu.memory_space<vmem>>, vector<16xf32>,
    %jit3A_123 = arith.constant 1.000000e+00 : f32
    %jit3A_124 = arith.constant 0.000000e+00 : f32
    %broadcast_in_dim3A_125 = vector.broadcast %jit3A_123 : f32 to vector<16xf32>
    %broadcast_in_dim3A_126 = vector.broadcast %jit3A_124 : f32 to vector<16xf32>
    %select_n3A_127 = arith.select %lt3A_110, %broadcast_in_dim3A_125, %broadcast_in_dim3A_126 : vector<16xi1>, vector<16xf32>
    %swap3A_128 = arith.constant 32 : index
    %swap3A_129 = tpu.vector_load %arg13[%swap3A_128] {strides = array<i32>} : memref<128xf32, #tpu.memory_space<vmem>>, vector<16xf32>,
    %swap3A_130 = vector.shape_cast %swap3A_129 : vector<16xf32> to vector<16xf32>
    %swap3A_131 = vector.shape_cast %select_n3A_127 : vector<16xf32> to vector<16xf32>
    tpu.vector_store %arg13[%swap3A_128], %swap3A_131 {strides = array<i32>} : memref<128xf32, #tpu.memory_space<vmem>>, vector<16xf32>,
    %add3A_132 = vector.broadcast %mul3A_20 : i32 to vector<16xi32>
    %add3A_133 = arith.addi %get3A_106, %add3A_132 : vector<16xi32>
    %swap3A_134 = arith.constant 0 : i32
    %swap3A_135 = arith.index_cast %swap3A_134 : i32 to index
    %swap3A_136 = arith.constant 32 : index
    %swap3A_137 = tpu.vector_load %arg10[%swap3A_135, %swap3A_136] {strides = array<i32>} : memref<2x64xi32, #tpu.memory_space<vmem>>, vector<1x16xi32>,
    %swap3A_138 = vector.shape_cast %swap3A_137 : vector<1x16xi32> to vector<16xi32>
    %swap3A_139 = vector.shape_cast %add3A_133 : vector<16xi32> to vector<1x16xi32>
    tpu.vector_store %arg10[%swap3A_135, %swap3A_136], %swap3A_139 {strides = array<i32>} : memref<2x64xi32, #tpu.memory_space<vmem>>, vector<1x16xi32>,
    %add3A_140 = vector.broadcast %mul3A_20 : i32 to vector<16xi32>
    %add3A_141 = arith.addi %get3A_109, %add3A_140 : vector<16xi32>
    %swap3A_142 = arith.constant 0 : i32
    %swap3A_143 = arith.index_cast %swap3A_142 : i32 to index
    %swap3A_144 = arith.constant 32 : index
    %swap3A_145 = tpu.vector_load %arg11[%swap3A_143, %swap3A_144] {strides = array<i32>} : memref<2x64xi32, #tpu.memory_space<vmem>>, vector<1x16xi32>,
    %swap3A_146 = vector.shape_cast %swap3A_145 : vector<1x16xi32> to vector<16xi32>
    %swap3A_147 = vector.shape_cast %add3A_141 : vector<16xi32> to vector<1x16xi32>
    tpu.vector_store %arg11[%swap3A_143, %swap3A_144], %swap3A_147 {strides = array<i32>} : memref<2x64xi32, #tpu.memory_space<vmem>>, vector<1x16xi32>,
    %get3A_148 = arith.constant 48 : index
    %get3A_149 = tpu.vector_load %arg8[%get3A_148] {strides = array<i32>} : memref<128xi32, #tpu.memory_space<vmem>>, vector<16xi32>,
    %get3A_150 = vector.shape_cast %get3A_149 : vector<16xi32> to vector<16xi32>
    %get3A_151 = arith.constant 48 : index
    %get3A_152 = tpu.vector_load %arg9[%get3A_151] {strides = array<i32>} : memref<128xi32, #tpu.memory_space<vmem>>, vector<16xi32>,
    %get3A_153 = vector.shape_cast %get3A_152 : vector<16xi32> to vector<16xi32>
    %lt3A_154 = arith.cmpi slt, %get3A_150, %get3A_153 : vector<16xi32>
    %sub3A_155 = arith.subi %get3A_153, %get3A_150 : vector<16xi32>
    %jit3A_156 = arith.constant 1 : i32
    %broadcast_in_dim3A_157 = vector.broadcast %jit3A_156 : i32 to vector<16xi32>
    %select_n3A_158 = arith.select %lt3A_154, %sub3A_155, %broadcast_in_dim3A_157 : vector<16xi1>, vector<16xi32>
    %convert_element_type3A_159 = arith.sitofp %select_n3A_158 : vector<16xi32> to vector<16xf32>
    %div3A_160 = arith.constant 1.000000e+00 : f32
    %div3A_161 = vector.broadcast %div3A_160 : f32 to vector<16xf32>
    %div3A_162 = arith.divf %div3A_161, %convert_element_type3A_159 : vector<16xf32>
    %swap3A_163 = arith.constant 48 : index
    %swap3A_164 = tpu.vector_load %arg12[%swap3A_163] {strides = array<i32>} : memref<128xf32, #tpu.memory_space<vmem>>, vector<16xf32>,
    %swap3A_165 = vector.shape_cast %swap3A_164 : vector<16xf32> to vector<16xf32>
    %swap3A_166 = vector.shape_cast %div3A_162 : vector<16xf32> to vector<16xf32>
    tpu.vector_store %arg12[%swap3A_163], %swap3A_166 {strides = array<i32>} : memref<128xf32, #tpu.memory_space<vmem>>, vector<16xf32>,
    %jit3A_167 = arith.constant 1.000000e+00 : f32
    %jit3A_168 = arith.constant 0.000000e+00 : f32
    %broadcast_in_dim3A_169 = vector.broadcast %jit3A_167 : f32 to vector<16xf32>
    %broadcast_in_dim3A_170 = vector.broadcast %jit3A_168 : f32 to vector<16xf32>
    %select_n3A_171 = arith.select %lt3A_154, %broadcast_in_dim3A_169, %broadcast_in_dim3A_170 : vector<16xi1>, vector<16xf32>
    %swap3A_172 = arith.constant 48 : index
    %swap3A_173 = tpu.vector_load %arg13[%swap3A_172] {strides = array<i32>} : memref<128xf32, #tpu.memory_space<vmem>>, vector<16xf32>,
    %swap3A_174 = vector.shape_cast %swap3A_173 : vector<16xf32> to vector<16xf32>
    %swap3A_175 = vector.shape_cast %select_n3A_171 : vector<16xf32> to vector<16xf32>
    tpu.vector_store %arg13[%swap3A_172], %swap3A_175 {strides = array<i32>} : memref<128xf32, #tpu.memory_space<vmem>>, vector<16xf32>,
    %add3A_176 = vector.broadcast %mul3A_20 : i32 to vector<16xi32>
    %add3A_177 = arith.addi %get3A_150, %add3A_176 : vector<16xi32>
    %swap3A_178 = arith.constant 0 : i32
    %swap3A_179 = arith.index_cast %swap3A_178 : i32 to index
    %swap3A_180 = arith.constant 48 : index
    %swap3A_181 = tpu.vector_load %arg10[%swap3A_179, %swap3A_180] {strides = array<i32>} : memref<2x64xi32, #tpu.memory_space<vmem>>, vector<1x16xi32>,
    %swap3A_182 = vector.shape_cast %swap3A_181 : vector<1x16xi32> to vector<16xi32>
    %swap3A_183 = vector.shape_cast %add3A_177 : vector<16xi32> to vector<1x16xi32>
    tpu.vector_store %arg10[%swap3A_179, %swap3A_180], %swap3A_183 {strides = array<i32>} : memref<2x64xi32, #tpu.memory_space<vmem>>, vector<1x16xi32>,
    %add3A_184 = vector.broadcast %mul3A_20 : i32 to vector<16xi32>
    %add3A_185 = arith.addi %get3A_153, %add3A_184 : vector<16xi32>
    %swap3A_186 = arith.constant 0 : i32
    %swap3A_187 = arith.index_cast %swap3A_186 : i32 to index
    %swap3A_188 = arith.constant 48 : index
    %swap3A_189 = tpu.vector_load %arg11[%swap3A_187, %swap3A_188] {strides = array<i32>} : memref<2x64xi32, #tpu.memory_space<vmem>>, vector<1x16xi32>,
    %swap3A_190 = vector.shape_cast %swap3A_189 : vector<1x16xi32> to vector<16xi32>
    %swap3A_191 = vector.shape_cast %add3A_185 : vector<16xi32> to vector<1x16xi32>
    tpu.vector_store %arg11[%swap3A_187, %swap3A_188], %swap3A_191 {strides = array<i32>} : memref<2x64xi32, #tpu.memory_space<vmem>>, vector<1x16xi32>,
    %get3A_192 = arith.constant 64 : index
    %get3A_193 = tpu.vector_load %arg8[%get3A_192] {strides = array<i32>} : memref<128xi32, #tpu.memory_space<vmem>>, vector<16xi32>,
    %get3A_194 = vector.shape_cast %get3A_193 : vector<16xi32> to vector<16xi32>
    %get3A_195 = arith.constant 64 : index
    %get3A_196 = tpu.vector_load %arg9[%get3A_195] {strides = array<i32>} : memref<128xi32, #tpu.memory_space<vmem>>, vector<16xi32>,
    %get3A_197 = vector.shape_cast %get3A_196 : vector<16xi32> to vector<16xi32>
    %lt3A_198 = arith.cmpi slt, %get3A_194, %get3A_197 : vector<16xi32>
    %sub3A_199 = arith.subi %get3A_197, %get3A_194 : vector<16xi32>
    %jit3A_200 = arith.constant 1 : i32
    %broadcast_in_dim3A_201 = vector.broadcast %jit3A_200 : i32 to vector<16xi32>
    %select_n3A_202 = arith.select %lt3A_198, %sub3A_199, %broadcast_in_dim3A_201 : vector<16xi1>, vector<16xi32>
    %convert_element_type3A_203 = arith.sitofp %select_n3A_202 : vector<16xi32> to vector<16xf32>
    %div3A_204 = arith.constant 1.000000e+00 : f32
    %div3A_205 = vector.broadcast %div3A_204 : f32 to vector<16xf32>
    %div3A_206 = arith.divf %div3A_205, %convert_element_type3A_203 : vector<16xf32>
    %swap3A_207 = arith.constant 64 : index
    %swap3A_208 = tpu.vector_load %arg12[%swap3A_207] {strides = array<i32>} : memref<128xf32, #tpu.memory_space<vmem>>, vector<16xf32>,
    %swap3A_209 = vector.shape_cast %swap3A_208 : vector<16xf32> to vector<16xf32>
    %swap3A_210 = vector.shape_cast %div3A_206 : vector<16xf32> to vector<16xf32>
    tpu.vector_store %arg12[%swap3A_207], %swap3A_210 {strides = array<i32>} : memref<128xf32, #tpu.memory_space<vmem>>, vector<16xf32>,
    %jit3A_211 = arith.constant 1.000000e+00 : f32
    %jit3A_212 = arith.constant 0.000000e+00 : f32
    %broadcast_in_dim3A_213 = vector.broadcast %jit3A_211 : f32 to vector<16xf32>
    %broadcast_in_dim3A_214 = vector.broadcast %jit3A_212 : f32 to vector<16xf32>
    %select_n3A_215 = arith.select %lt3A_198, %broadcast_in_dim3A_213, %broadcast_in_dim3A_214 : vector<16xi1>, vector<16xf32>
    %swap3A_216 = arith.constant 64 : index
    %swap3A_217 = tpu.vector_load %arg13[%swap3A_216] {strides = array<i32>} : memref<128xf32, #tpu.memory_space<vmem>>, vector<16xf32>,
    %swap3A_218 = vector.shape_cast %swap3A_217 : vector<16xf32> to vector<16xf32>
    %swap3A_219 = vector.shape_cast %select_n3A_215 : vector<16xf32> to vector<16xf32>
    tpu.vector_store %arg13[%swap3A_216], %swap3A_219 {strides = array<i32>} : memref<128xf32, #tpu.memory_space<vmem>>, vector<16xf32>,
    %add3A_220 = vector.broadcast %mul3A_20 : i32 to vector<16xi32>
    %add3A_221 = arith.addi %get3A_194, %add3A_220 : vector<16xi32>
    %swap3A_222 = arith.constant 1 : i32
    %swap3A_223 = arith.index_cast %swap3A_222 : i32 to index
    %swap3A_224 = arith.constant 0 : index
    %swap3A_225 = tpu.vector_load %arg10[%swap3A_223, %swap3A_224] {strides = array<i32>} : memref<2x64xi32, #tpu.memory_space<vmem>>, vector<1x16xi32>,
    %swap3A_226 = vector.shape_cast %swap3A_225 : vector<1x16xi32> to vector<16xi32>
    %swap3A_227 = vector.shape_cast %add3A_221 : vector<16xi32> to vector<1x16xi32>
    tpu.vector_store %arg10[%swap3A_223, %swap3A_224], %swap3A_227 {strides = array<i32>} : memref<2x64xi32, #tpu.memory_space<vmem>>, vector<1x16xi32>,
    %add3A_228 = vector.broadcast %mul3A_20 : i32 to vector<16xi32>
    %add3A_229 = arith.addi %get3A_197, %add3A_228 : vector<16xi32>
    %swap3A_230 = arith.constant 1 : i32
    %swap3A_231 = arith.index_cast %swap3A_230 : i32 to index
    %swap3A_232 = arith.constant 0 : index
    %swap3A_233 = tpu.vector_load %arg11[%swap3A_231, %swap3A_232] {strides = array<i32>} : memref<2x64xi32, #tpu.memory_space<vmem>>, vector<1x16xi32>,
    %swap3A_234 = vector.shape_cast %swap3A_233 : vector<1x16xi32> to vector<16xi32>
    %swap3A_235 = vector.shape_cast %add3A_229 : vector<16xi32> to vector<1x16xi32>
    tpu.vector_store %arg11[%swap3A_231, %swap3A_232], %swap3A_235 {strides = array<i32>} : memref<2x64xi32, #tpu.memory_space<vmem>>, vector<1x16xi32>,
    %get3A_236 = arith.constant 80 : index
    %get3A_237 = tpu.vector_load %arg8[%get3A_236] {strides = array<i32>} : memref<128xi32, #tpu.memory_space<vmem>>, vector<16xi32>,
    %get3A_238 = vector.shape_cast %get3A_237 : vector<16xi32> to vector<16xi32>
    %get3A_239 = arith.constant 80 : index
    %get3A_240 = tpu.vector_load %arg9[%get3A_239] {strides = array<i32>} : memref<128xi32, #tpu.memory_space<vmem>>, vector<16xi32>,
    %get3A_241 = vector.shape_cast %get3A_240 : vector<16xi32> to vector<16xi32>
    %lt3A_242 = arith.cmpi slt, %get3A_238, %get3A_241 : vector<16xi32>
    %sub3A_243 = arith.subi %get3A_241, %get3A_238 : vector<16xi32>
    %jit3A_244 = arith.constant 1 : i32
    %broadcast_in_dim3A_245 = vector.broadcast %jit3A_244 : i32 to vector<16xi32>
    %select_n3A_246 = arith.select %lt3A_242, %sub3A_243, %broadcast_in_dim3A_245 : vector<16xi1>, vector<16xi32>
    %convert_element_type3A_247 = arith.sitofp %select_n3A_246 : vector<16xi32> to vector<16xf32>
    %div3A_248 = arith.constant 1.000000e+00 : f32
    %div3A_249 = vector.broadcast %div3A_248 : f32 to vector<16xf32>
    %div3A_250 = arith.divf %div3A_249, %convert_element_type3A_247 : vector<16xf32>
    %swap3A_251 = arith.constant 80 : index
    %swap3A_252 = tpu.vector_load %arg12[%swap3A_251] {strides = array<i32>} : memref<128xf32, #tpu.memory_space<vmem>>, vector<16xf32>,
    %swap3A_253 = vector.shape_cast %swap3A_252 : vector<16xf32> to vector<16xf32>
    %swap3A_254 = vector.shape_cast %div3A_250 : vector<16xf32> to vector<16xf32>
    tpu.vector_store %arg12[%swap3A_251], %swap3A_254 {strides = array<i32>} : memref<128xf32, #tpu.memory_space<vmem>>, vector<16xf32>,
    %jit3A_255 = arith.constant 1.000000e+00 : f32
    %jit3A_256 = arith.constant 0.000000e+00 : f32
    %broadcast_in_dim3A_257 = vector.broadcast %jit3A_255 : f32 to vector<16xf32>
    %broadcast_in_dim3A_258 = vector.broadcast %jit3A_256 : f32 to vector<16xf32>
    %select_n3A_259 = arith.select %lt3A_242, %broadcast_in_dim3A_257, %broadcast_in_dim3A_258 : vector<16xi1>, vector<16xf32>
    %swap3A_260 = arith.constant 80 : index
    %swap3A_261 = tpu.vector_load %arg13[%swap3A_260] {strides = array<i32>} : memref<128xf32, #tpu.memory_space<vmem>>, vector<16xf32>,
    %swap3A_262 = vector.shape_cast %swap3A_261 : vector<16xf32> to vector<16xf32>
    %swap3A_263 = vector.shape_cast %select_n3A_259 : vector<16xf32> to vector<16xf32>
    tpu.vector_store %arg13[%swap3A_260], %swap3A_263 {strides = array<i32>} : memref<128xf32, #tpu.memory_space<vmem>>, vector<16xf32>,
    %add3A_264 = vector.broadcast %mul3A_20 : i32 to vector<16xi32>
    %add3A_265 = arith.addi %get3A_238, %add3A_264 : vector<16xi32>
    %swap3A_266 = arith.constant 1 : i32
    %swap3A_267 = arith.index_cast %swap3A_266 : i32 to index
    %swap3A_268 = arith.constant 16 : index
    %swap3A_269 = tpu.vector_load %arg10[%swap3A_267, %swap3A_268] {strides = array<i32>} : memref<2x64xi32, #tpu.memory_space<vmem>>, vector<1x16xi32>,
    %swap3A_270 = vector.shape_cast %swap3A_269 : vector<1x16xi32> to vector<16xi32>
    %swap3A_271 = vector.shape_cast %add3A_265 : vector<16xi32> to vector<1x16xi32>
    tpu.vector_store %arg10[%swap3A_267, %swap3A_268], %swap3A_271 {strides = array<i32>} : memref<2x64xi32, #tpu.memory_space<vmem>>, vector<1x16xi32>,
    %add3A_272 = vector.broadcast %mul3A_20 : i32 to vector<16xi32>
    %add3A_273 = arith.addi %get3A_241, %add3A_272 : vector<16xi32>
    %swap3A_274 = arith.constant 1 : i32
    %swap3A_275 = arith.index_cast %swap3A_274 : i32 to index
    %swap3A_276 = arith.constant 16 : index
    %swap3A_277 = tpu.vector_load %arg11[%swap3A_275, %swap3A_276] {strides = array<i32>} : memref<2x64xi32, #tpu.memory_space<vmem>>, vector<1x16xi32>,
    %swap3A_278 = vector.shape_cast %swap3A_277 : vector<1x16xi32> to vector<16xi32>
    %swap3A_279 = vector.shape_cast %add3A_273 : vector<16xi32> to vector<1x16xi32>
    tpu.vector_store %arg11[%swap3A_275, %swap3A_276], %swap3A_279 {strides = array<i32>} : memref<2x64xi32, #tpu.memory_space<vmem>>, vector<1x16xi32>,
    %get3A_280 = arith.constant 96 : index
    %get3A_281 = tpu.vector_load %arg8[%get3A_280] {strides = array<i32>} : memref<128xi32, #tpu.memory_space<vmem>>, vector<16xi32>,
    %get3A_282 = vector.shape_cast %get3A_281 : vector<16xi32> to vector<16xi32>
    %get3A_283 = arith.constant 96 : index
    %get3A_284 = tpu.vector_load %arg9[%get3A_283] {strides = array<i32>} : memref<128xi32, #tpu.memory_space<vmem>>, vector<16xi32>,
    %get3A_285 = vector.shape_cast %get3A_284 : vector<16xi32> to vector<16xi32>
    %lt3A_286 = arith.cmpi slt, %get3A_282, %get3A_285 : vector<16xi32>
    %sub3A_287 = arith.subi %get3A_285, %get3A_282 : vector<16xi32>
    %jit3A_288 = arith.constant 1 : i32
    %broadcast_in_dim3A_289 = vector.broadcast %jit3A_288 : i32 to vector<16xi32>
    %select_n3A_290 = arith.select %lt3A_286, %sub3A_287, %broadcast_in_dim3A_289 : vector<16xi1>, vector<16xi32>
    %convert_element_type3A_291 = arith.sitofp %select_n3A_290 : vector<16xi32> to vector<16xf32>
    %div3A_292 = arith.constant 1.000000e+00 : f32
    %div3A_293 = vector.broadcast %div3A_292 : f32 to vector<16xf32>
    %div3A_294 = arith.divf %div3A_293, %convert_element_type3A_291 : vector<16xf32>
    %swap3A_295 = arith.constant 96 : index
    %swap3A_296 = tpu.vector_load %arg12[%swap3A_295] {strides = array<i32>} : memref<128xf32, #tpu.memory_space<vmem>>, vector<16xf32>,
    %swap3A_297 = vector.shape_cast %swap3A_296 : vector<16xf32> to vector<16xf32>
    %swap3A_298 = vector.shape_cast %div3A_294 : vector<16xf32> to vector<16xf32>
    tpu.vector_store %arg12[%swap3A_295], %swap3A_298 {strides = array<i32>} : memref<128xf32, #tpu.memory_space<vmem>>, vector<16xf32>,
    %jit3A_299 = arith.constant 1.000000e+00 : f32
    %jit3A_300 = arith.constant 0.000000e+00 : f32
    %broadcast_in_dim3A_301 = vector.broadcast %jit3A_299 : f32 to vector<16xf32>
    %broadcast_in_dim3A_302 = vector.broadcast %jit3A_300 : f32 to vector<16xf32>
    %select_n3A_303 = arith.select %lt3A_286, %broadcast_in_dim3A_301, %broadcast_in_dim3A_302 : vector<16xi1>, vector<16xf32>
    %swap3A_304 = arith.constant 96 : index
    %swap3A_305 = tpu.vector_load %arg13[%swap3A_304] {strides = array<i32>} : memref<128xf32, #tpu.memory_space<vmem>>, vector<16xf32>,
    %swap3A_306 = vector.shape_cast %swap3A_305 : vector<16xf32> to vector<16xf32>
    %swap3A_307 = vector.shape_cast %select_n3A_303 : vector<16xf32> to vector<16xf32>
    tpu.vector_store %arg13[%swap3A_304], %swap3A_307 {strides = array<i32>} : memref<128xf32, #tpu.memory_space<vmem>>, vector<16xf32>,
    %add3A_308 = vector.broadcast %mul3A_20 : i32 to vector<16xi32>
    %add3A_309 = arith.addi %get3A_282, %add3A_308 : vector<16xi32>
    %swap3A_310 = arith.constant 1 : i32
    %swap3A_311 = arith.index_cast %swap3A_310 : i32 to index
    %swap3A_312 = arith.constant 32 : index
    %swap3A_313 = tpu.vector_load %arg10[%swap3A_311, %swap3A_312] {strides = array<i32>} : memref<2x64xi32, #tpu.memory_space<vmem>>, vector<1x16xi32>,
    %swap3A_314 = vector.shape_cast %swap3A_313 : vector<1x16xi32> to vector<16xi32>
    %swap3A_315 = vector.shape_cast %add3A_309 : vector<16xi32> to vector<1x16xi32>
    tpu.vector_store %arg10[%swap3A_311, %swap3A_312], %swap3A_315 {strides = array<i32>} : memref<2x64xi32, #tpu.memory_space<vmem>>, vector<1x16xi32>,
    %add3A_316 = vector.broadcast %mul3A_20 : i32 to vector<16xi32>
    %add3A_317 = arith.addi %get3A_285, %add3A_316 : vector<16xi32>
    %swap3A_318 = arith.constant 1 : i32
    %swap3A_319 = arith.index_cast %swap3A_318 : i32 to index
    %swap3A_320 = arith.constant 32 : index
    %swap3A_321 = tpu.vector_load %arg11[%swap3A_319, %swap3A_320] {strides = array<i32>} : memref<2x64xi32, #tpu.memory_space<vmem>>, vector<1x16xi32>,
    %swap3A_322 = vector.shape_cast %swap3A_321 : vector<1x16xi32> to vector<16xi32>
    %swap3A_323 = vector.shape_cast %add3A_317 : vector<16xi32> to vector<1x16xi32>
    tpu.vector_store %arg11[%swap3A_319, %swap3A_320], %swap3A_323 {strides = array<i32>} : memref<2x64xi32, #tpu.memory_space<vmem>>, vector<1x16xi32>,
    %get3A_324 = arith.constant 112 : index
    %get3A_325 = tpu.vector_load %arg8[%get3A_324] {strides = array<i32>} : memref<128xi32, #tpu.memory_space<vmem>>, vector<16xi32>,
    %get3A_326 = vector.shape_cast %get3A_325 : vector<16xi32> to vector<16xi32>
    %get3A_327 = arith.constant 112 : index
    %get3A_328 = tpu.vector_load %arg9[%get3A_327] {strides = array<i32>} : memref<128xi32, #tpu.memory_space<vmem>>, vector<16xi32>,
    %get3A_329 = vector.shape_cast %get3A_328 : vector<16xi32> to vector<16xi32>
    %lt3A_330 = arith.cmpi slt, %get3A_326, %get3A_329 : vector<16xi32>
    %sub3A_331 = arith.subi %get3A_329, %get3A_326 : vector<16xi32>
    %jit3A_332 = arith.constant 1 : i32
    %broadcast_in_dim3A_333 = vector.broadcast %jit3A_332 : i32 to vector<16xi32>
    %select_n3A_334 = arith.select %lt3A_330, %sub3A_331, %broadcast_in_dim3A_333 : vector<16xi1>, vector<16xi32>
    %convert_element_type3A_335 = arith.sitofp %select_n3A_334 : vector<16xi32> to vector<16xf32>
    %div3A_336 = arith.constant 1.000000e+00 : f32
    %div3A_337 = vector.broadcast %div3A_336 : f32 to vector<16xf32>
    %div3A_338 = arith.divf %div3A_337, %convert_element_type3A_335 : vector<16xf32>
    %swap3A_339 = arith.constant 112 : index
    %swap3A_340 = tpu.vector_load %arg12[%swap3A_339] {strides = array<i32>} : memref<128xf32, #tpu.memory_space<vmem>>, vector<16xf32>,
    %swap3A_341 = vector.shape_cast %swap3A_340 : vector<16xf32> to vector<16xf32>
    %swap3A_342 = vector.shape_cast %div3A_338 : vector<16xf32> to vector<16xf32>
    tpu.vector_store %arg12[%swap3A_339], %swap3A_342 {strides = array<i32>} : memref<128xf32, #tpu.memory_space<vmem>>, vector<16xf32>,
    %jit3A_343 = arith.constant 1.000000e+00 : f32
    %jit3A_344 = arith.constant 0.000000e+00 : f32
    %broadcast_in_dim3A_345 = vector.broadcast %jit3A_343 : f32 to vector<16xf32>
    %broadcast_in_dim3A_346 = vector.broadcast %jit3A_344 : f32 to vector<16xf32>
    %select_n3A_347 = arith.select %lt3A_330, %broadcast_in_dim3A_345, %broadcast_in_dim3A_346 : vector<16xi1>, vector<16xf32>
    %swap3A_348 = arith.constant 112 : index
    %swap3A_349 = tpu.vector_load %arg13[%swap3A_348] {strides = array<i32>} : memref<128xf32, #tpu.memory_space<vmem>>, vector<16xf32>,
    %swap3A_350 = vector.shape_cast %swap3A_349 : vector<16xf32> to vector<16xf32>
    %swap3A_351 = vector.shape_cast %select_n3A_347 : vector<16xf32> to vector<16xf32>
    tpu.vector_store %arg13[%swap3A_348], %swap3A_351 {strides = array<i32>} : memref<128xf32, #tpu.memory_space<vmem>>, vector<16xf32>,
    %add3A_352 = vector.broadcast %mul3A_20 : i32 to vector<16xi32>
    %add3A_353 = arith.addi %get3A_326, %add3A_352 : vector<16xi32>
    %swap3A_354 = arith.constant 1 : i32
    %swap3A_355 = arith.index_cast %swap3A_354 : i32 to index
    %swap3A_356 = arith.constant 48 : index
    %swap3A_357 = tpu.vector_load %arg10[%swap3A_355, %swap3A_356] {strides = array<i32>} : memref<2x64xi32, #tpu.memory_space<vmem>>, vector<1x16xi32>,
    %swap3A_358 = vector.shape_cast %swap3A_357 : vector<1x16xi32> to vector<16xi32>
    %swap3A_359 = vector.shape_cast %add3A_353 : vector<16xi32> to vector<1x16xi32>
    tpu.vector_store %arg10[%swap3A_355, %swap3A_356], %swap3A_359 {strides = array<i32>} : memref<2x64xi32, #tpu.memory_space<vmem>>, vector<1x16xi32>,
    %add3A_360 = vector.broadcast %mul3A_20 : i32 to vector<16xi32>
    %add3A_361 = arith.addi %get3A_329, %add3A_360 : vector<16xi32>
    %swap3A_362 = arith.constant 1 : i32
    %swap3A_363 = arith.index_cast %swap3A_362 : i32 to index
    %swap3A_364 = arith.constant 48 : index
    %swap3A_365 = tpu.vector_load %arg11[%swap3A_363, %swap3A_364] {strides = array<i32>} : memref<2x64xi32, #tpu.memory_space<vmem>>, vector<1x16xi32>,
    %swap3A_366 = vector.shape_cast %swap3A_365 : vector<1x16xi32> to vector<16xi32>
    %swap3A_367 = vector.shape_cast %add3A_361 : vector<16xi32> to vector<1x16xi32>
    tpu.vector_store %arg11[%swap3A_363, %swap3A_364], %swap3A_367 {strides = array<i32>} : memref<2x64xi32, #tpu.memory_space<vmem>>, vector<1x16xi32>,
    "tpu.region"() ({
      %run_scoped3A = tpu.sem_alloc : memref<!tpu.dma_semaphore, #tpu.memory_space<semaphore_mem>>
      %dma_start3A_437 = tpu.memref_slice %arg6[%mul3A_2] : memref<4096xf32, #tpu.memory_space<hbm>> -> memref<128xf32, #tpu.memory_space<hbm>>
      %dma_start3A_438 = tpu.memref_slice %arg6[%mul3A_2] : memref<4096xf32, #tpu.memory_space<hbm>> -> memref<128xf32, #tpu.memory_space<hbm>>
      tpu.enqueue_dma source(%arg12 : memref<128xf32, #tpu.memory_space<vmem>>) target(%dma_start3A_438 : memref<128xf32, #tpu.memory_space<hbm>>) target_semaphore(%run_scoped3A : memref<!tpu.dma_semaphore, #tpu.memory_space<semaphore_mem>>)
      %dma_wait3A_439 = tpu.memref_slice %arg6[%mul3A_2] : memref<4096xf32, #tpu.memory_space<hbm>> -> memref<128xf32, #tpu.memory_space<hbm>>
      %dma_wait3A_440 = tpu.memref_slice %arg6[%mul3A_2] : memref<4096xf32, #tpu.memory_space<hbm>> -> memref<128xf32, #tpu.memory_space<hbm>>
      tpu.wait_dma2 semaphore(%run_scoped3A : memref<!tpu.dma_semaphore, #tpu.memory_space<semaphore_mem>>) src(%arg12 : memref<128xf32, #tpu.memory_space<vmem>>) dst(%dma_wait3A_440 : memref<128xf32, #tpu.memory_space<hbm>>)
      tpu.yield
    }) : () -> ()
    "tpu.region"() ({
      %run_scoped3A = tpu.sem_alloc : memref<!tpu.dma_semaphore, #tpu.memory_space<semaphore_mem>>
      %dma_start3A_437 = tpu.memref_slice %arg7[%mul3A_2] : memref<4096xf32, #tpu.memory_space<hbm>> -> memref<128xf32, #tpu.memory_space<hbm>>
      %dma_start3A_438 = tpu.memref_slice %arg7[%mul3A_2] : memref<4096xf32, #tpu.memory_space<hbm>> -> memref<128xf32, #tpu.memory_space<hbm>>
      tpu.enqueue_dma source(%arg13 : memref<128xf32, #tpu.memory_space<vmem>>) target(%dma_start3A_438 : memref<128xf32, #tpu.memory_space<hbm>>) target_semaphore(%run_scoped3A : memref<!tpu.dma_semaphore, #tpu.memory_space<semaphore_mem>>)
      %dma_wait3A_439 = tpu.memref_slice %arg7[%mul3A_2] : memref<4096xf32, #tpu.memory_space<hbm>> -> memref<128xf32, #tpu.memory_space<hbm>>
      %dma_wait3A_440 = tpu.memref_slice %arg7[%mul3A_2] : memref<4096xf32, #tpu.memory_space<hbm>> -> memref<128xf32, #tpu.memory_space<hbm>>
      tpu.wait_dma2 semaphore(%run_scoped3A : memref<!tpu.dma_semaphore, #tpu.memory_space<semaphore_mem>>) src(%arg13 : memref<128xf32, #tpu.memory_space<vmem>>) dst(%dma_wait3A_440 : memref<128xf32, #tpu.memory_space<hbm>>)
      tpu.yield
    }) : () -> ()
    %dma_start3A = arith.constant 0 : i32
    %dma_start3A_368 = arith.constant 0 : i32
    %dma_start3A_369 = tpu.memref_slice %arg10[%dma_start3A, %dma_start3A_368] : memref<2x64xi32, #tpu.memory_space<vmem>> -> memref<1x64xi32, #tpu.memory_space<vmem>>
    %dma_start3A_370 = tpu.memref_squeeze %dma_start3A_369 : memref<1x64xi32, #tpu.memory_space<vmem>> -> memref<64xi32, #tpu.memory_space<vmem>>
    %dma_start3A_371 = arith.constant 0 : i32
    %dma_start3A_372 = arith.constant 0 : i32
    %dma_start3A_373 = tpu.memref_slice %arg2[%dma_start3A_371, %dma_start3A_372] : memref<32768x512xf32, #tpu.memory_space<hbm>> -> memref<32768x512xf32, #tpu.memory_space<hbm>>
    tpu.enqueue_indirect_dma source(%dma_start3A_373 : memref<32768x512xf32, #tpu.memory_space<hbm>>) target(%arg14 : memref<64x512xf32, #tpu.memory_space<vmem>>) offsets(%dma_start3A_370 : memref<64xi32, #tpu.memory_space<vmem>>) semaphore(%arg17 : memref<!tpu.dma_semaphore, #tpu.memory_space<semaphore_mem>>)
    %dma_start3A_374 = arith.constant 0 : i32
    %dma_start3A_375 = arith.constant 0 : i32
    %dma_start3A_376 = tpu.memref_slice %arg11[%dma_start3A_374, %dma_start3A_375] : memref<2x64xi32, #tpu.memory_space<vmem>> -> memref<1x64xi32, #tpu.memory_space<vmem>>
    %dma_start3A_377 = tpu.memref_squeeze %dma_start3A_376 : memref<1x64xi32, #tpu.memory_space<vmem>> -> memref<64xi32, #tpu.memory_space<vmem>>
    %dma_start3A_378 = arith.constant 0 : i32
    %dma_start3A_379 = arith.constant 0 : i32
    %dma_start3A_380 = tpu.memref_slice %arg2[%dma_start3A_378, %dma_start3A_379] : memref<32768x512xf32, #tpu.memory_space<hbm>> -> memref<32768x512xf32, #tpu.memory_space<hbm>>
    tpu.enqueue_indirect_dma source(%dma_start3A_380 : memref<32768x512xf32, #tpu.memory_space<hbm>>) target(%arg15 : memref<64x512xf32, #tpu.memory_space<vmem>>) offsets(%dma_start3A_377 : memref<64xi32, #tpu.memory_space<vmem>>) semaphore(%arg18 : memref<!tpu.dma_semaphore, #tpu.memory_space<semaphore_mem>>)
    %dma_wait3A = arith.constant 0 : i32
    %dma_wait3A_381 = arith.constant 0 : i32
    %dma_wait3A_382 = tpu.memref_slice %arg10[%dma_wait3A, %dma_wait3A_381] : memref<2x64xi32, #tpu.memory_space<vmem>> -> memref<1x64xi32, #tpu.memory_space<vmem>>
    %dma_wait3A_383 = tpu.memref_squeeze %dma_wait3A_382 : memref<1x64xi32, #tpu.memory_space<vmem>> -> memref<64xi32, #tpu.memory_space<vmem>>
    %dma_wait3A_384 = arith.constant 0 : i32
    %dma_wait3A_385 = arith.constant 0 : i32
    %dma_wait3A_386 = tpu.memref_slice %arg2[%dma_wait3A_384, %dma_wait3A_385] : memref<32768x512xf32, #tpu.memory_space<hbm>> -> memref<32768x512xf32, #tpu.memory_space<hbm>>
    tpu.wait_indirect_dma semaphore(%arg17 : memref<!tpu.dma_semaphore, #tpu.memory_space<semaphore_mem>>) src(%dma_wait3A_386 : memref<32768x512xf32, #tpu.memory_space<hbm>>) dst(%arg14 : memref<64x512xf32, #tpu.memory_space<vmem>>)
    %dma_wait3A_387 = arith.constant 0 : i32
    %dma_wait3A_388 = arith.constant 0 : i32
    %dma_wait3A_389 = tpu.memref_slice %arg11[%dma_wait3A_387, %dma_wait3A_388] : memref<2x64xi32, #tpu.memory_space<vmem>> -> memref<1x64xi32, #tpu.memory_space<vmem>>
    %dma_wait3A_390 = tpu.memref_squeeze %dma_wait3A_389 : memref<1x64xi32, #tpu.memory_space<vmem>> -> memref<64xi32, #tpu.memory_space<vmem>>
    %dma_wait3A_391 = arith.constant 0 : i32
    %dma_wait3A_392 = arith.constant 0 : i32
    %dma_wait3A_393 = tpu.memref_slice %arg2[%dma_wait3A_391, %dma_wait3A_392] : memref<32768x512xf32, #tpu.memory_space<hbm>> -> memref<32768x512xf32, #tpu.memory_space<hbm>>
    tpu.wait_indirect_dma semaphore(%arg18 : memref<!tpu.dma_semaphore, #tpu.memory_space<semaphore_mem>>) src(%dma_wait3A_393 : memref<32768x512xf32, #tpu.memory_space<hbm>>) dst(%arg15 : memref<64x512xf32, #tpu.memory_space<vmem>>)
    %scan3A = arith.constant 0 : i32
    %scan3A_394 = arith.constant 0 : i32
    %scan3A_395 = arith.constant 64 : i32
    %scan3A_396 = arith.addi %scan3A_394, %scan3A_395 : i32
    %scan3A_397 = arith.constant 1 : i32
    scf.for %scan3A_437 = %scan3A_394 to %scan3A_396 step %scan3A_397  : i32 {
      %scan3A_438 = arith.constant 0 : i32
      %scan3A_439 = arith.constant 32 : i32
      %scan3A_440 = arith.addi %scan3A_438, %scan3A_439 : i32
      %scan3A_441 = arith.constant 1 : i32
      scf.for %scan3A_443 = %scan3A_438 to %scan3A_440 step %scan3A_441  : i32 {
        %mul3A_444 = arith.constant 16 : i32
        %mul3A_445 = arith.muli %scan3A_443, %mul3A_444 : i32
        %get3A_446 = arith.index_cast %scan3A_437 : i32 to index
        %get3A_447 = arith.index_cast %mul3A_445 : i32 to index
        %get3A_448 = tpu.vector_load %arg15[%get3A_446, %get3A_447] {strides = array<i32>} : memref<64x512xf32, #tpu.memory_space<vmem>>, vector<1x16xf32>,
        %get3A_449 = vector.shape_cast %get3A_448 : vector<1x16xf32> to vector<16xf32>
        %get3A_450 = arith.index_cast %scan3A_437 : i32 to index
        %get3A_451 = arith.index_cast %mul3A_445 : i32 to index
        %get3A_452 = tpu.vector_load %arg14[%get3A_450, %get3A_451] {strides = array<i32>} : memref<64x512xf32, #tpu.memory_space<vmem>>, vector<1x16xf32>,
        %get3A_453 = vector.shape_cast %get3A_452 : vector<1x16xf32> to vector<16xf32>
        %sub3A_454 = arith.subf %get3A_449, %get3A_453 : vector<16xf32>
        %swap3A_455 = arith.index_cast %scan3A_437 : i32 to index
        %swap3A_456 = arith.index_cast %mul3A_445 : i32 to index
        %swap3A_457 = tpu.vector_load %arg16[%swap3A_455, %swap3A_456] {strides = array<i32>} : memref<64x512xf32, #tpu.memory_space<vmem>>, vector<1x16xf32>,
        %swap3A_458 = vector.shape_cast %swap3A_457 : vector<1x16xf32> to vector<16xf32>
        %swap3A_459 = vector.shape_cast %sub3A_454 : vector<16xf32> to vector<1x16xf32>
        tpu.vector_store %arg16[%swap3A_455, %swap3A_456], %swap3A_459 {strides = array<i32>} : memref<64x512xf32, #tpu.memory_space<vmem>>, vector<1x16xf32>,
      }
      %scan3A_442 = arith.constant 32 : i32
    }
    %scan3A_398 = arith.constant 64 : i32
    %add3A_399 = arith.constant 0 : i32
    %add3A_400 = arith.addi %mul3A_2, %add3A_399 : i32
    "tpu.region"() ({
      %run_scoped3A = tpu.sem_alloc : memref<!tpu.dma_semaphore, #tpu.memory_space<semaphore_mem>>
      %dma_start3A_437 = arith.constant 0 : i32
      %dma_start3A_438 = tpu.memref_slice %arg5[%add3A_400, %dma_start3A_437] : memref<4096x512xf32, #tpu.memory_space<hbm>> -> memref<64x512xf32, #tpu.memory_space<hbm>>
      %dma_start3A_439 = arith.constant 0 : i32
      %dma_start3A_440 = tpu.memref_slice %arg5[%add3A_400, %dma_start3A_439] : memref<4096x512xf32, #tpu.memory_space<hbm>> -> memref<64x512xf32, #tpu.memory_space<hbm>>
      tpu.enqueue_dma source(%arg16 : memref<64x512xf32, #tpu.memory_space<vmem>>) target(%dma_start3A_440 : memref<64x512xf32, #tpu.memory_space<hbm>>) target_semaphore(%run_scoped3A : memref<!tpu.dma_semaphore, #tpu.memory_space<semaphore_mem>>)
      %dma_wait3A_441 = arith.constant 0 : i32
      %dma_wait3A_442 = tpu.memref_slice %arg5[%add3A_400, %dma_wait3A_441] : memref<4096x512xf32, #tpu.memory_space<hbm>> -> memref<64x512xf32, #tpu.memory_space<hbm>>
      %dma_wait3A_443 = arith.constant 0 : i32
      %dma_wait3A_444 = tpu.memref_slice %arg5[%add3A_400, %dma_wait3A_443] : memref<4096x512xf32, #tpu.memory_space<hbm>> -> memref<64x512xf32, #tpu.memory_space<hbm>>
      tpu.wait_dma2 semaphore(%run_scoped3A : memref<!tpu.dma_semaphore, #tpu.memory_space<semaphore_mem>>) src(%arg16 : memref<64x512xf32, #tpu.memory_space<vmem>>) dst(%dma_wait3A_444 : memref<64x512xf32, #tpu.memory_space<hbm>>)
      tpu.yield
    }) : () -> ()
    %dma_start3A_401 = arith.constant 1 : i32
    %dma_start3A_402 = arith.constant 0 : i32
    %dma_start3A_403 = tpu.memref_slice %arg10[%dma_start3A_401, %dma_start3A_402] : memref<2x64xi32, #tpu.memory_space<vmem>> -> memref<1x64xi32, #tpu.memory_space<vmem>>
    %dma_start3A_404 = tpu.memref_squeeze %dma_start3A_403 : memref<1x64xi32, #tpu.memory_space<vmem>> -> memref<64xi32, #tpu.memory_space<vmem>>
    %dma_start3A_405 = arith.constant 0 : i32
    %dma_start3A_406 = arith.constant 0 : i32
    %dma_start3A_407 = tpu.memref_slice %arg2[%dma_start3A_405, %dma_start3A_406] : memref<32768x512xf32, #tpu.memory_space<hbm>> -> memref<32768x512xf32, #tpu.memory_space<hbm>>
    tpu.enqueue_indirect_dma source(%dma_start3A_407 : memref<32768x512xf32, #tpu.memory_space<hbm>>) target(%arg14 : memref<64x512xf32, #tpu.memory_space<vmem>>) offsets(%dma_start3A_404 : memref<64xi32, #tpu.memory_space<vmem>>) semaphore(%arg17 : memref<!tpu.dma_semaphore, #tpu.memory_space<semaphore_mem>>)
    %dma_start3A_408 = arith.constant 1 : i32
    %dma_start3A_409 = arith.constant 0 : i32
    %dma_start3A_410 = tpu.memref_slice %arg11[%dma_start3A_408, %dma_start3A_409] : memref<2x64xi32, #tpu.memory_space<vmem>> -> memref<1x64xi32, #tpu.memory_space<vmem>>
    %dma_start3A_411 = tpu.memref_squeeze %dma_start3A_410 : memref<1x64xi32, #tpu.memory_space<vmem>> -> memref<64xi32, #tpu.memory_space<vmem>>
    %dma_start3A_412 = arith.constant 0 : i32
    %dma_start3A_413 = arith.constant 0 : i32
    %dma_start3A_414 = tpu.memref_slice %arg2[%dma_start3A_412, %dma_start3A_413] : memref<32768x512xf32, #tpu.memory_space<hbm>> -> memref<32768x512xf32, #tpu.memory_space<hbm>>
    tpu.enqueue_indirect_dma source(%dma_start3A_414 : memref<32768x512xf32, #tpu.memory_space<hbm>>) target(%arg15 : memref<64x512xf32, #tpu.memory_space<vmem>>) offsets(%dma_start3A_411 : memref<64xi32, #tpu.memory_space<vmem>>) semaphore(%arg18 : memref<!tpu.dma_semaphore, #tpu.memory_space<semaphore_mem>>)
    %dma_wait3A_415 = arith.constant 1 : i32
    %dma_wait3A_416 = arith.constant 0 : i32
    %dma_wait3A_417 = tpu.memref_slice %arg10[%dma_wait3A_415, %dma_wait3A_416] : memref<2x64xi32, #tpu.memory_space<vmem>> -> memref<1x64xi32, #tpu.memory_space<vmem>>
    %dma_wait3A_418 = tpu.memref_squeeze %dma_wait3A_417 : memref<1x64xi32, #tpu.memory_space<vmem>> -> memref<64xi32, #tpu.memory_space<vmem>>
    %dma_wait3A_419 = arith.constant 0 : i32
    %dma_wait3A_420 = arith.constant 0 : i32
    %dma_wait3A_421 = tpu.memref_slice %arg2[%dma_wait3A_419, %dma_wait3A_420] : memref<32768x512xf32, #tpu.memory_space<hbm>> -> memref<32768x512xf32, #tpu.memory_space<hbm>>
    tpu.wait_indirect_dma semaphore(%arg17 : memref<!tpu.dma_semaphore, #tpu.memory_space<semaphore_mem>>) src(%dma_wait3A_421 : memref<32768x512xf32, #tpu.memory_space<hbm>>) dst(%arg14 : memref<64x512xf32, #tpu.memory_space<vmem>>)
    %dma_wait3A_422 = arith.constant 1 : i32
    %dma_wait3A_423 = arith.constant 0 : i32
    %dma_wait3A_424 = tpu.memref_slice %arg11[%dma_wait3A_422, %dma_wait3A_423] : memref<2x64xi32, #tpu.memory_space<vmem>> -> memref<1x64xi32, #tpu.memory_space<vmem>>
    %dma_wait3A_425 = tpu.memref_squeeze %dma_wait3A_424 : memref<1x64xi32, #tpu.memory_space<vmem>> -> memref<64xi32, #tpu.memory_space<vmem>>
    %dma_wait3A_426 = arith.constant 0 : i32
    %dma_wait3A_427 = arith.constant 0 : i32
    %dma_wait3A_428 = tpu.memref_slice %arg2[%dma_wait3A_426, %dma_wait3A_427] : memref<32768x512xf32, #tpu.memory_space<hbm>> -> memref<32768x512xf32, #tpu.memory_space<hbm>>
    tpu.wait_indirect_dma semaphore(%arg18 : memref<!tpu.dma_semaphore, #tpu.memory_space<semaphore_mem>>) src(%dma_wait3A_428 : memref<32768x512xf32, #tpu.memory_space<hbm>>) dst(%arg15 : memref<64x512xf32, #tpu.memory_space<vmem>>)
    %scan3A_429 = arith.constant 0 : i32
    %scan3A_430 = arith.constant 0 : i32
    %scan3A_431 = arith.constant 64 : i32
    %scan3A_432 = arith.addi %scan3A_430, %scan3A_431 : i32
    %scan3A_433 = arith.constant 1 : i32
    scf.for %scan3A_437 = %scan3A_430 to %scan3A_432 step %scan3A_433  : i32 {
      %scan3A_438 = arith.constant 0 : i32
      %scan3A_439 = arith.constant 32 : i32
      %scan3A_440 = arith.addi %scan3A_438, %scan3A_439 : i32
      %scan3A_441 = arith.constant 1 : i32
      scf.for %scan3A_443 = %scan3A_438 to %scan3A_440 step %scan3A_441  : i32 {
        %mul3A_444 = arith.constant 16 : i32
        %mul3A_445 = arith.muli %scan3A_443, %mul3A_444 : i32
        %get3A_446 = arith.index_cast %scan3A_437 : i32 to index
        %get3A_447 = arith.index_cast %mul3A_445 : i32 to index
        %get3A_448 = tpu.vector_load %arg15[%get3A_446, %get3A_447] {strides = array<i32>} : memref<64x512xf32, #tpu.memory_space<vmem>>, vector<1x16xf32>,
        %get3A_449 = vector.shape_cast %get3A_448 : vector<1x16xf32> to vector<16xf32>
        %get3A_450 = arith.index_cast %scan3A_437 : i32 to index
        %get3A_451 = arith.index_cast %mul3A_445 : i32 to index
        %get3A_452 = tpu.vector_load %arg14[%get3A_450, %get3A_451] {strides = array<i32>} : memref<64x512xf32, #tpu.memory_space<vmem>>, vector<1x16xf32>,
        %get3A_453 = vector.shape_cast %get3A_452 : vector<1x16xf32> to vector<16xf32>
        %sub3A_454 = arith.subf %get3A_449, %get3A_453 : vector<16xf32>
        %swap3A_455 = arith.index_cast %scan3A_437 : i32 to index
        %swap3A_456 = arith.index_cast %mul3A_445 : i32 to index
        %swap3A_457 = tpu.vector_load %arg16[%swap3A_455, %swap3A_456] {strides = array<i32>} : memref<64x512xf32, #tpu.memory_space<vmem>>, vector<1x16xf32>,
        %swap3A_458 = vector.shape_cast %swap3A_457 : vector<1x16xf32> to vector<16xf32>
        %swap3A_459 = vector.shape_cast %sub3A_454 : vector<16xf32> to vector<1x16xf32>
        tpu.vector_store %arg16[%swap3A_455, %swap3A_456], %swap3A_459 {strides = array<i32>} : memref<64x512xf32, #tpu.memory_space<vmem>>, vector<1x16xf32>,
      }
      %scan3A_442 = arith.constant 32 : i32
    }
    %scan3A_434 = arith.constant 64 : i32
    %add3A_435 = arith.constant 64 : i32
    %add3A_436 = arith.addi %mul3A_2, %add3A_435 : i32
    "tpu.region"() ({
      %run_scoped3A = tpu.sem_alloc : memref<!tpu.dma_semaphore, #tpu.memory_space<semaphore_mem>>
      %dma_start3A_437 = arith.constant 0 : i32
      %dma_start3A_438 = tpu.memref_slice %arg5[%add3A_436, %dma_start3A_437] : memref<4096x512xf32, #tpu.memory_space<hbm>> -> memref<64x512xf32, #tpu.memory_space<hbm>>
      %dma_start3A_439 = arith.constant 0 : i32
      %dma_start3A_440 = tpu.memref_slice %arg5[%add3A_436, %dma_start3A_439] : memref<4096x512xf32, #tpu.memory_space<hbm>> -> memref<64x512xf32, #tpu.memory_space<hbm>>
      tpu.enqueue_dma source(%arg16 : memref<64x512xf32, #tpu.memory_space<vmem>>) target(%dma_start3A_440 : memref<64x512xf32, #tpu.memory_space<hbm>>) target_semaphore(%run_scoped3A : memref<!tpu.dma_semaphore, #tpu.memory_space<semaphore_mem>>)
      %dma_wait3A_441 = arith.constant 0 : i32
      %dma_wait3A_442 = tpu.memref_slice %arg5[%add3A_436, %dma_wait3A_441] : memref<4096x512xf32, #tpu.memory_space<hbm>> -> memref<64x512xf32, #tpu.memory_space<hbm>>
      %dma_wait3A_443 = arith.constant 0 : i32
      %dma_wait3A_444 = tpu.memref_slice %arg5[%add3A_436, %dma_wait3A_443] : memref<4096x512xf32, #tpu.memory_space<hbm>> -> memref<64x512xf32, #tpu.memory_space<hbm>>
      tpu.wait_dma2 semaphore(%run_scoped3A : memref<!tpu.dma_semaphore, #tpu.memory_space<semaphore_mem>>) src(%arg16 : memref<64x512xf32, #tpu.memory_space<vmem>>) dst(%dma_wait3A_444 : memref<64x512xf32, #tpu.memory_space<hbm>>)
      tpu.yield
    }) : () -> ()
    return
  }
}

#map = affine_map<(d0, d1) -> (0, 0)>
#map1 = affine_map<(d0, d1) -> (0)>
module attributes {stable_mosaic.version = 14 : i64} {
  func.func @body(%arg0: i32, %arg1: i32, %arg2: memref<32768x512xf32, #tpu.memory_space<hbm>>, %arg3: memref<4096xi32, #tpu.memory_space<hbm>>, %arg4: memref<4096xi32, #tpu.memory_space<hbm>>, %arg5: memref<4096x512xf32, #tpu.memory_space<hbm>>, %arg6: memref<4096xf32, #tpu.memory_space<hbm>>, %arg7: memref<4096xf32, #tpu.memory_space<hbm>>, %arg8: memref<128xi32, #tpu.memory_space<vmem>>, %arg9: memref<128xi32, #tpu.memory_space<vmem>>, %arg10: memref<2x64xi32, #tpu.memory_space<vmem>>, %arg11: memref<2x64xi32, #tpu.memory_space<vmem>>, %arg12: memref<128xf32, #tpu.memory_space<vmem>>, %arg13: memref<128xf32, #tpu.memory_space<vmem>>, %arg14: memref<64x512xf32, #tpu.memory_space<vmem>>, %arg15: memref<64x512xf32, #tpu.memory_space<vmem>>, %arg16: memref<64x512xf32, #tpu.memory_space<vmem>>, %arg17: memref<!tpu.dma_semaphore, #tpu.memory_space<semaphore_mem>>, %arg18: memref<!tpu.dma_semaphore, #tpu.memory_space<semaphore_mem>>) attributes {dimension_semantics = [#tpu.dimension_semantics<core_parallel>, #tpu.dimension_semantics<subcore_parallel>], iteration_bounds = array<i64: 2, 16>, scalar_prefetch = 0 : i64, scratch_operands = 11 : i64, tpu.core_type = #tpu.core_type<sc_vector_subcore>, window_params = [{transform_indices = #map}, {transform_indices = #map1}, {transform_indices = #map1}, {transform_indices = #map}, {transform_indices = #map1}, {transform_indices = #map1}]} {
    %mul3A = arith.constant 2 : i32
    %mul3A_0 = arith.muli %arg1, %mul3A : i32
    %add3A = arith.addi %mul3A_0, %arg0 : i32
    %mul3A_1 = arith.constant 128 : i32
    %mul3A_2 = arith.muli %add3A, %mul3A_1 : i32
    %jit3A = arith.constant 512 : i32
    %div3A = arith.divsi %mul3A_2, %jit3A : i32
    %sign3A = arith.constant 0 : i32
    %sign3A_3 = arith.cmpi sgt, %mul3A_2, %sign3A : i32
    %sign3A_4 = arith.extui %sign3A_3 : i1 to i32
    %sign3A_5 = arith.constant 0 : i32
    %sign3A_6 = arith.cmpi slt, %mul3A_2, %sign3A_5 : i32
    %sign3A_7 = arith.extui %sign3A_6 : i1 to i32
    %sign3A_8 = arith.subi %sign3A_4, %sign3A_7 : i32
    %sign3A_9 = arith.constant 0 : i32
    %sign3A_10 = arith.cmpi sgt, %jit3A, %sign3A_9 : i32
    %sign3A_11 = arith.extui %sign3A_10 : i1 to i32
    %sign3A_12 = arith.constant 0 : i32
    %sign3A_13 = arith.cmpi slt, %jit3A, %sign3A_12 : i32
    %sign3A_14 = arith.extui %sign3A_13 : i1 to i32
    %sign3A_15 = arith.subi %sign3A_11, %sign3A_14 : i32
    %ne3A = arith.cmpi ne, %sign3A_8, %sign3A_15 : i32
    %rem3A = arith.remsi %mul3A_2, %jit3A : i32
    %ne3A_16 = arith.constant 0 : i32
    %ne3A_17 = arith.cmpi ne, %rem3A, %ne3A_16 : i32
    %and3A = arith.andi %ne3A, %ne3A_17 : i1
    %sub3A = arith.constant 1 : i32
    %sub3A_18 = arith.subi %div3A, %sub3A : i32
    %select_n3A = arith.select %and3A, %sub3A_18, %div3A : i32
    %mul3A_19 = arith.constant 4096 : i32
    %mul3A_20 = arith.muli %select_n3A, %mul3A_19 : i32
    "tpu.region"() ({
      %run_scoped3A = tpu.sem_alloc : memref<!tpu.dma_semaphore, #tpu.memory_space<semaphore_mem>>
      %dma_start3A_437 = tpu.memref_slice %arg3[%mul3A_2] : memref<4096xi32, #tpu.memory_space<hbm>> -> memref<128xi32, #tpu.memory_space<hbm>>
      %dma_start3A_438 = tpu.memref_slice %arg3[%mul3A_2] : memref<4096xi32, #tpu.memory_space<hbm>> -> memref<128xi32, #tpu.memory_space<hbm>>
      tpu.enqueue_dma source(%dma_start3A_438 : memref<128xi32, #tpu.memory_space<hbm>>) target(%arg8 : memref<128xi32, #tpu.memory_space<vmem>>) target_semaphore(%run_scoped3A : memref<!tpu.dma_semaphore, #tpu.memory_space<semaphore_mem>>)
      %dma_wait3A_439 = tpu.memref_slice %arg3[%mul3A_2] : memref<4096xi32, #tpu.memory_space<hbm>> -> memref<128xi32, #tpu.memory_space<hbm>>
      %dma_wait3A_440 = tpu.memref_slice %arg3[%mul3A_2] : memref<4096xi32, #tpu.memory_space<hbm>> -> memref<128xi32, #tpu.memory_space<hbm>>
      tpu.wait_dma2 semaphore(%run_scoped3A : memref<!tpu.dma_semaphore, #tpu.memory_space<semaphore_mem>>) src(%dma_wait3A_440 : memref<128xi32, #tpu.memory_space<hbm>>) dst(%arg8 : memref<128xi32, #tpu.memory_space<vmem>>)
      tpu.yield
    }) : () -> ()
    "tpu.region"() ({
      %run_scoped3A = tpu.sem_alloc : memref<!tpu.dma_semaphore, #tpu.memory_space<semaphore_mem>>
      %dma_start3A_437 = tpu.memref_slice %arg4[%mul3A_2] : memref<4096xi32, #tpu.memory_space<hbm>> -> memref<128xi32, #tpu.memory_space<hbm>>
      %dma_start3A_438 = tpu.memref_slice %arg4[%mul3A_2] : memref<4096xi32, #tpu.memory_space<hbm>> -> memref<128xi32, #tpu.memory_space<hbm>>
      tpu.enqueue_dma source(%dma_start3A_438 : memref<128xi32, #tpu.memory_space<hbm>>) target(%arg9 : memref<128xi32, #tpu.memory_space<vmem>>) target_semaphore(%run_scoped3A : memref<!tpu.dma_semaphore, #tpu.memory_space<semaphore_mem>>)
      %dma_wait3A_439 = tpu.memref_slice %arg4[%mul3A_2] : memref<4096xi32, #tpu.memory_space<hbm>> -> memref<128xi32, #tpu.memory_space<hbm>>
      %dma_wait3A_440 = tpu.memref_slice %arg4[%mul3A_2] : memref<4096xi32, #tpu.memory_space<hbm>> -> memref<128xi32, #tpu.memory_space<hbm>>
      tpu.wait_dma2 semaphore(%run_scoped3A : memref<!tpu.dma_semaphore, #tpu.memory_space<semaphore_mem>>) src(%dma_wait3A_440 : memref<128xi32, #tpu.memory_space<hbm>>) dst(%arg9 : memref<128xi32, #tpu.memory_space<vmem>>)
      tpu.yield
    }) : () -> ()
    %get3A = arith.constant 0 : index
    %get3A_21 = tpu.vector_load %arg8[%get3A] {strides = array<i32>} : memref<128xi32, #tpu.memory_space<vmem>>, vector<16xi32>,
    %get3A_22 = vector.shape_cast %get3A_21 : vector<16xi32> to vector<16xi32>
    %get3A_23 = arith.constant 0 : index
    %get3A_24 = tpu.vector_load %arg9[%get3A_23] {strides = array<i32>} : memref<128xi32, #tpu.memory_space<vmem>>, vector<16xi32>,
    %get3A_25 = vector.shape_cast %get3A_24 : vector<16xi32> to vector<16xi32>
    %lt3A = arith.cmpi slt, %get3A_22, %get3A_25 : vector<16xi32>
    %sub3A_26 = arith.subi %get3A_25, %get3A_22 : vector<16xi32>
    %jit3A_27 = arith.constant 1 : i32
    %broadcast_in_dim3A = vector.broadcast %jit3A_27 : i32 to vector<16xi32>
    %select_n3A_28 = arith.select %lt3A, %sub3A_26, %broadcast_in_dim3A : vector<16xi1>, vector<16xi32>
    %convert_element_type3A = arith.sitofp %select_n3A_28 : vector<16xi32> to vector<16xf32>
    %div3A_29 = arith.constant 1.000000e+00 : f32
    %div3A_30 = vector.broadcast %div3A_29 : f32 to vector<16xf32>
    %div3A_31 = arith.divf %div3A_30, %convert_element_type3A : vector<16xf32>
    %swap3A = arith.constant 0 : index
    %swap3A_32 = tpu.vector_load %arg12[%swap3A] {strides = array<i32>} : memref<128xf32, #tpu.memory_space<vmem>>, vector<16xf32>,
    %swap3A_33 = vector.shape_cast %swap3A_32 : vector<16xf32> to vector<16xf32>
    %swap3A_34 = vector.shape_cast %div3A_31 : vector<16xf32> to vector<16xf32>
    tpu.vector_store %arg12[%swap3A], %swap3A_34 {strides = array<i32>} : memref<128xf32, #tpu.memory_space<vmem>>, vector<16xf32>,
    %jit3A_35 = arith.constant 1.000000e+00 : f32
    %jit3A_36 = arith.constant 0.000000e+00 : f32
    %broadcast_in_dim3A_37 = vector.broadcast %jit3A_35 : f32 to vector<16xf32>
    %broadcast_in_dim3A_38 = vector.broadcast %jit3A_36 : f32 to vector<16xf32>
    %select_n3A_39 = arith.select %lt3A, %broadcast_in_dim3A_37, %broadcast_in_dim3A_38 : vector<16xi1>, vector<16xf32>
    %swap3A_40 = arith.constant 0 : index
    %swap3A_41 = tpu.vector_load %arg13[%swap3A_40] {strides = array<i32>} : memref<128xf32, #tpu.memory_space<vmem>>, vector<16xf32>,
    %swap3A_42 = vector.shape_cast %swap3A_41 : vector<16xf32> to vector<16xf32>
    %swap3A_43 = vector.shape_cast %select_n3A_39 : vector<16xf32> to vector<16xf32>
    tpu.vector_store %arg13[%swap3A_40], %swap3A_43 {strides = array<i32>} : memref<128xf32, #tpu.memory_space<vmem>>, vector<16xf32>,
    %add3A_44 = vector.broadcast %mul3A_20 : i32 to vector<16xi32>
    %add3A_45 = arith.addi %get3A_22, %add3A_44 : vector<16xi32>
    %swap3A_46 = arith.constant 0 : i32
    %swap3A_47 = arith.index_cast %swap3A_46 : i32 to index
    %swap3A_48 = arith.constant 0 : index
    %swap3A_49 = tpu.vector_load %arg10[%swap3A_47, %swap3A_48] {strides = array<i32>} : memref<2x64xi32, #tpu.memory_space<vmem>>, vector<1x16xi32>,
    %swap3A_50 = vector.shape_cast %swap3A_49 : vector<1x16xi32> to vector<16xi32>
    %swap3A_51 = vector.shape_cast %add3A_45 : vector<16xi32> to vector<1x16xi32>
    tpu.vector_store %arg10[%swap3A_47, %swap3A_48], %swap3A_51 {strides = array<i32>} : memref<2x64xi32, #tpu.memory_space<vmem>>, vector<1x16xi32>,
    %add3A_52 = vector.broadcast %mul3A_20 : i32 to vector<16xi32>
    %add3A_53 = arith.addi %get3A_25, %add3A_52 : vector<16xi32>
    %swap3A_54 = arith.constant 0 : i32
    %swap3A_55 = arith.index_cast %swap3A_54 : i32 to index
    %swap3A_56 = arith.constant 0 : index
    %swap3A_57 = tpu.vector_load %arg11[%swap3A_55, %swap3A_56] {strides = array<i32>} : memref<2x64xi32, #tpu.memory_space<vmem>>, vector<1x16xi32>,
    %swap3A_58 = vector.shape_cast %swap3A_57 : vector<1x16xi32> to vector<16xi32>
    %swap3A_59 = vector.shape_cast %add3A_53 : vector<16xi32> to vector<1x16xi32>
    tpu.vector_store %arg11[%swap3A_55, %swap3A_56], %swap3A_59 {strides = array<i32>} : memref<2x64xi32, #tpu.memory_space<vmem>>, vector<1x16xi32>,
    %get3A_60 = arith.constant 16 : index
    %get3A_61 = tpu.vector_load %arg8[%get3A_60] {strides = array<i32>} : memref<128xi32, #tpu.memory_space<vmem>>, vector<16xi32>,
    %get3A_62 = vector.shape_cast %get3A_61 : vector<16xi32> to vector<16xi32>
    %get3A_63 = arith.constant 16 : index
    %get3A_64 = tpu.vector_load %arg9[%get3A_63] {strides = array<i32>} : memref<128xi32, #tpu.memory_space<vmem>>, vector<16xi32>,
    %get3A_65 = vector.shape_cast %get3A_64 : vector<16xi32> to vector<16xi32>
    %lt3A_66 = arith.cmpi slt, %get3A_62, %get3A_65 : vector<16xi32>
    %sub3A_67 = arith.subi %get3A_65, %get3A_62 : vector<16xi32>
    %jit3A_68 = arith.constant 1 : i32
    %broadcast_in_dim3A_69 = vector.broadcast %jit3A_68 : i32 to vector<16xi32>
    %select_n3A_70 = arith.select %lt3A_66, %sub3A_67, %broadcast_in_dim3A_69 : vector<16xi1>, vector<16xi32>
    %convert_element_type3A_71 = arith.sitofp %select_n3A_70 : vector<16xi32> to vector<16xf32>
    %div3A_72 = arith.constant 1.000000e+00 : f32
    %div3A_73 = vector.broadcast %div3A_72 : f32 to vector<16xf32>
    %div3A_74 = arith.divf %div3A_73, %convert_element_type3A_71 : vector<16xf32>
    %swap3A_75 = arith.constant 16 : index
    %swap3A_76 = tpu.vector_load %arg12[%swap3A_75] {strides = array<i32>} : memref<128xf32, #tpu.memory_space<vmem>>, vector<16xf32>,
    %swap3A_77 = vector.shape_cast %swap3A_76 : vector<16xf32> to vector<16xf32>
    %swap3A_78 = vector.shape_cast %div3A_74 : vector<16xf32> to vector<16xf32>
    tpu.vector_store %arg12[%swap3A_75], %swap3A_78 {strides = array<i32>} : memref<128xf32, #tpu.memory_space<vmem>>, vector<16xf32>,
    %jit3A_79 = arith.constant 1.000000e+00 : f32
    %jit3A_80 = arith.constant 0.000000e+00 : f32
    %broadcast_in_dim3A_81 = vector.broadcast %jit3A_79 : f32 to vector<16xf32>
    %broadcast_in_dim3A_82 = vector.broadcast %jit3A_80 : f32 to vector<16xf32>
    %select_n3A_83 = arith.select %lt3A_66, %broadcast_in_dim3A_81, %broadcast_in_dim3A_82 : vector<16xi1>, vector<16xf32>
    %swap3A_84 = arith.constant 16 : index
    %swap3A_85 = tpu.vector_load %arg13[%swap3A_84] {strides = array<i32>} : memref<128xf32, #tpu.memory_space<vmem>>, vector<16xf32>,
    %swap3A_86 = vector.shape_cast %swap3A_85 : vector<16xf32> to vector<16xf32>
    %swap3A_87 = vector.shape_cast %select_n3A_83 : vector<16xf32> to vector<16xf32>
    tpu.vector_store %arg13[%swap3A_84], %swap3A_87 {strides = array<i32>} : memref<128xf32, #tpu.memory_space<vmem>>, vector<16xf32>,
    %add3A_88 = vector.broadcast %mul3A_20 : i32 to vector<16xi32>
    %add3A_89 = arith.addi %get3A_62, %add3A_88 : vector<16xi32>
    %swap3A_90 = arith.constant 0 : i32
    %swap3A_91 = arith.index_cast %swap3A_90 : i32 to index
    %swap3A_92 = arith.constant 16 : index
    %swap3A_93 = tpu.vector_load %arg10[%swap3A_91, %swap3A_92] {strides = array<i32>} : memref<2x64xi32, #tpu.memory_space<vmem>>, vector<1x16xi32>,
    %swap3A_94 = vector.shape_cast %swap3A_93 : vector<1x16xi32> to vector<16xi32>
    %swap3A_95 = vector.shape_cast %add3A_89 : vector<16xi32> to vector<1x16xi32>
    tpu.vector_store %arg10[%swap3A_91, %swap3A_92], %swap3A_95 {strides = array<i32>} : memref<2x64xi32, #tpu.memory_space<vmem>>, vector<1x16xi32>,
    %add3A_96 = vector.broadcast %mul3A_20 : i32 to vector<16xi32>
    %add3A_97 = arith.addi %get3A_65, %add3A_96 : vector<16xi32>
    %swap3A_98 = arith.constant 0 : i32
    %swap3A_99 = arith.index_cast %swap3A_98 : i32 to index
    %swap3A_100 = arith.constant 16 : index
    %swap3A_101 = tpu.vector_load %arg11[%swap3A_99, %swap3A_100] {strides = array<i32>} : memref<2x64xi32, #tpu.memory_space<vmem>>, vector<1x16xi32>,
    %swap3A_102 = vector.shape_cast %swap3A_101 : vector<1x16xi32> to vector<16xi32>
    %swap3A_103 = vector.shape_cast %add3A_97 : vector<16xi32> to vector<1x16xi32>
    tpu.vector_store %arg11[%swap3A_99, %swap3A_100], %swap3A_103 {strides = array<i32>} : memref<2x64xi32, #tpu.memory_space<vmem>>, vector<1x16xi32>,
    %get3A_104 = arith.constant 32 : index
    %get3A_105 = tpu.vector_load %arg8[%get3A_104] {strides = array<i32>} : memref<128xi32, #tpu.memory_space<vmem>>, vector<16xi32>,
    %get3A_106 = vector.shape_cast %get3A_105 : vector<16xi32> to vector<16xi32>
    %get3A_107 = arith.constant 32 : index
    %get3A_108 = tpu.vector_load %arg9[%get3A_107] {strides = array<i32>} : memref<128xi32, #tpu.memory_space<vmem>>, vector<16xi32>,
    %get3A_109 = vector.shape_cast %get3A_108 : vector<16xi32> to vector<16xi32>
    %lt3A_110 = arith.cmpi slt, %get3A_106, %get3A_109 : vector<16xi32>
    %sub3A_111 = arith.subi %get3A_109, %get3A_106 : vector<16xi32>
    %jit3A_112 = arith.constant 1 : i32
    %broadcast_in_dim3A_113 = vector.broadcast %jit3A_112 : i32 to vector<16xi32>
    %select_n3A_114 = arith.select %lt3A_110, %sub3A_111, %broadcast_in_dim3A_113 : vector<16xi1>, vector<16xi32>
    %convert_element_type3A_115 = arith.sitofp %select_n3A_114 : vector<16xi32> to vector<16xf32>
    %div3A_116 = arith.constant 1.000000e+00 : f32
    %div3A_117 = vector.broadcast %div3A_116 : f32 to vector<16xf32>
    %div3A_118 = arith.divf %div3A_117, %convert_element_type3A_115 : vector<16xf32>
    %swap3A_119 = arith.constant 32 : index
    %swap3A_120 = tpu.vector_load %arg12[%swap3A_119] {strides = array<i32>} : memref<128xf32, #tpu.memory_space<vmem>>, vector<16xf32>,
    %swap3A_121 = vector.shape_cast %swap3A_120 : vector<16xf32> to vector<16xf32>
    %swap3A_122 = vector.shape_cast %div3A_118 : vector<16xf32> to vector<16xf32>
    tpu.vector_store %arg12[%swap3A_119], %swap3A_122 {strides = array<i32>} : memref<128xf32, #tpu.memory_space<vmem>>, vector<16xf32>,
    %jit3A_123 = arith.constant 1.000000e+00 : f32
    %jit3A_124 = arith.constant 0.000000e+00 : f32
    %broadcast_in_dim3A_125 = vector.broadcast %jit3A_123 : f32 to vector<16xf32>
    %broadcast_in_dim3A_126 = vector.broadcast %jit3A_124 : f32 to vector<16xf32>
    %select_n3A_127 = arith.select %lt3A_110, %broadcast_in_dim3A_125, %broadcast_in_dim3A_126 : vector<16xi1>, vector<16xf32>
    %swap3A_128 = arith.constant 32 : index
    %swap3A_129 = tpu.vector_load %arg13[%swap3A_128] {strides = array<i32>} : memref<128xf32, #tpu.memory_space<vmem>>, vector<16xf32>,
    %swap3A_130 = vector.shape_cast %swap3A_129 : vector<16xf32> to vector<16xf32>
    %swap3A_131 = vector.shape_cast %select_n3A_127 : vector<16xf32> to vector<16xf32>
    tpu.vector_store %arg13[%swap3A_128], %swap3A_131 {strides = array<i32>} : memref<128xf32, #tpu.memory_space<vmem>>, vector<16xf32>,
    %add3A_132 = vector.broadcast %mul3A_20 : i32 to vector<16xi32>
    %add3A_133 = arith.addi %get3A_106, %add3A_132 : vector<16xi32>
    %swap3A_134 = arith.constant 0 : i32
    %swap3A_135 = arith.index_cast %swap3A_134 : i32 to index
    %swap3A_136 = arith.constant 32 : index
    %swap3A_137 = tpu.vector_load %arg10[%swap3A_135, %swap3A_136] {strides = array<i32>} : memref<2x64xi32, #tpu.memory_space<vmem>>, vector<1x16xi32>,
    %swap3A_138 = vector.shape_cast %swap3A_137 : vector<1x16xi32> to vector<16xi32>
    %swap3A_139 = vector.shape_cast %add3A_133 : vector<16xi32> to vector<1x16xi32>
    tpu.vector_store %arg10[%swap3A_135, %swap3A_136], %swap3A_139 {strides = array<i32>} : memref<2x64xi32, #tpu.memory_space<vmem>>, vector<1x16xi32>,
    %add3A_140 = vector.broadcast %mul3A_20 : i32 to vector<16xi32>
    %add3A_141 = arith.addi %get3A_109, %add3A_140 : vector<16xi32>
    %swap3A_142 = arith.constant 0 : i32
    %swap3A_143 = arith.index_cast %swap3A_142 : i32 to index
    %swap3A_144 = arith.constant 32 : index
    %swap3A_145 = tpu.vector_load %arg11[%swap3A_143, %swap3A_144] {strides = array<i32>} : memref<2x64xi32, #tpu.memory_space<vmem>>, vector<1x16xi32>,
    %swap3A_146 = vector.shape_cast %swap3A_145 : vector<1x16xi32> to vector<16xi32>
    %swap3A_147 = vector.shape_cast %add3A_141 : vector<16xi32> to vector<1x16xi32>
    tpu.vector_store %arg11[%swap3A_143, %swap3A_144], %swap3A_147 {strides = array<i32>} : memref<2x64xi32, #tpu.memory_space<vmem>>, vector<1x16xi32>,
    %get3A_148 = arith.constant 48 : index
    %get3A_149 = tpu.vector_load %arg8[%get3A_148] {strides = array<i32>} : memref<128xi32, #tpu.memory_space<vmem>>, vector<16xi32>,
    %get3A_150 = vector.shape_cast %get3A_149 : vector<16xi32> to vector<16xi32>
    %get3A_151 = arith.constant 48 : index
    %get3A_152 = tpu.vector_load %arg9[%get3A_151] {strides = array<i32>} : memref<128xi32, #tpu.memory_space<vmem>>, vector<16xi32>,
    %get3A_153 = vector.shape_cast %get3A_152 : vector<16xi32> to vector<16xi32>
    %lt3A_154 = arith.cmpi slt, %get3A_150, %get3A_153 : vector<16xi32>
    %sub3A_155 = arith.subi %get3A_153, %get3A_150 : vector<16xi32>
    %jit3A_156 = arith.constant 1 : i32
    %broadcast_in_dim3A_157 = vector.broadcast %jit3A_156 : i32 to vector<16xi32>
    %select_n3A_158 = arith.select %lt3A_154, %sub3A_155, %broadcast_in_dim3A_157 : vector<16xi1>, vector<16xi32>
    %convert_element_type3A_159 = arith.sitofp %select_n3A_158 : vector<16xi32> to vector<16xf32>
    %div3A_160 = arith.constant 1.000000e+00 : f32
    %div3A_161 = vector.broadcast %div3A_160 : f32 to vector<16xf32>
    %div3A_162 = arith.divf %div3A_161, %convert_element_type3A_159 : vector<16xf32>
    %swap3A_163 = arith.constant 48 : index
    %swap3A_164 = tpu.vector_load %arg12[%swap3A_163] {strides = array<i32>} : memref<128xf32, #tpu.memory_space<vmem>>, vector<16xf32>,
    %swap3A_165 = vector.shape_cast %swap3A_164 : vector<16xf32> to vector<16xf32>
    %swap3A_166 = vector.shape_cast %div3A_162 : vector<16xf32> to vector<16xf32>
    tpu.vector_store %arg12[%swap3A_163], %swap3A_166 {strides = array<i32>} : memref<128xf32, #tpu.memory_space<vmem>>, vector<16xf32>,
    %jit3A_167 = arith.constant 1.000000e+00 : f32
    %jit3A_168 = arith.constant 0.000000e+00 : f32
    %broadcast_in_dim3A_169 = vector.broadcast %jit3A_167 : f32 to vector<16xf32>
    %broadcast_in_dim3A_170 = vector.broadcast %jit3A_168 : f32 to vector<16xf32>
    %select_n3A_171 = arith.select %lt3A_154, %broadcast_in_dim3A_169, %broadcast_in_dim3A_170 : vector<16xi1>, vector<16xf32>
    %swap3A_172 = arith.constant 48 : index
    %swap3A_173 = tpu.vector_load %arg13[%swap3A_172] {strides = array<i32>} : memref<128xf32, #tpu.memory_space<vmem>>, vector<16xf32>,
    %swap3A_174 = vector.shape_cast %swap3A_173 : vector<16xf32> to vector<16xf32>
    %swap3A_175 = vector.shape_cast %select_n3A_171 : vector<16xf32> to vector<16xf32>
    tpu.vector_store %arg13[%swap3A_172], %swap3A_175 {strides = array<i32>} : memref<128xf32, #tpu.memory_space<vmem>>, vector<16xf32>,
    %add3A_176 = vector.broadcast %mul3A_20 : i32 to vector<16xi32>
    %add3A_177 = arith.addi %get3A_150, %add3A_176 : vector<16xi32>
    %swap3A_178 = arith.constant 0 : i32
    %swap3A_179 = arith.index_cast %swap3A_178 : i32 to index
    %swap3A_180 = arith.constant 48 : index
    %swap3A_181 = tpu.vector_load %arg10[%swap3A_179, %swap3A_180] {strides = array<i32>} : memref<2x64xi32, #tpu.memory_space<vmem>>, vector<1x16xi32>,
    %swap3A_182 = vector.shape_cast %swap3A_181 : vector<1x16xi32> to vector<16xi32>
    %swap3A_183 = vector.shape_cast %add3A_177 : vector<16xi32> to vector<1x16xi32>
    tpu.vector_store %arg10[%swap3A_179, %swap3A_180], %swap3A_183 {strides = array<i32>} : memref<2x64xi32, #tpu.memory_space<vmem>>, vector<1x16xi32>,
    %add3A_184 = vector.broadcast %mul3A_20 : i32 to vector<16xi32>
    %add3A_185 = arith.addi %get3A_153, %add3A_184 : vector<16xi32>
    %swap3A_186 = arith.constant 0 : i32
    %swap3A_187 = arith.index_cast %swap3A_186 : i32 to index
    %swap3A_188 = arith.constant 48 : index
    %swap3A_189 = tpu.vector_load %arg11[%swap3A_187, %swap3A_188] {strides = array<i32>} : memref<2x64xi32, #tpu.memory_space<vmem>>, vector<1x16xi32>,
    %swap3A_190 = vector.shape_cast %swap3A_189 : vector<1x16xi32> to vector<16xi32>
    %swap3A_191 = vector.shape_cast %add3A_185 : vector<16xi32> to vector<1x16xi32>
    tpu.vector_store %arg11[%swap3A_187, %swap3A_188], %swap3A_191 {strides = array<i32>} : memref<2x64xi32, #tpu.memory_space<vmem>>, vector<1x16xi32>,
    %get3A_192 = arith.constant 64 : index
    %get3A_193 = tpu.vector_load %arg8[%get3A_192] {strides = array<i32>} : memref<128xi32, #tpu.memory_space<vmem>>, vector<16xi32>,
    %get3A_194 = vector.shape_cast %get3A_193 : vector<16xi32> to vector<16xi32>
    %get3A_195 = arith.constant 64 : index
    %get3A_196 = tpu.vector_load %arg9[%get3A_195] {strides = array<i32>} : memref<128xi32, #tpu.memory_space<vmem>>, vector<16xi32>,
    %get3A_197 = vector.shape_cast %get3A_196 : vector<16xi32> to vector<16xi32>
    %lt3A_198 = arith.cmpi slt, %get3A_194, %get3A_197 : vector<16xi32>
    %sub3A_199 = arith.subi %get3A_197, %get3A_194 : vector<16xi32>
    %jit3A_200 = arith.constant 1 : i32
    %broadcast_in_dim3A_201 = vector.broadcast %jit3A_200 : i32 to vector<16xi32>
    %select_n3A_202 = arith.select %lt3A_198, %sub3A_199, %broadcast_in_dim3A_201 : vector<16xi1>, vector<16xi32>
    %convert_element_type3A_203 = arith.sitofp %select_n3A_202 : vector<16xi32> to vector<16xf32>
    %div3A_204 = arith.constant 1.000000e+00 : f32
    %div3A_205 = vector.broadcast %div3A_204 : f32 to vector<16xf32>
    %div3A_206 = arith.divf %div3A_205, %convert_element_type3A_203 : vector<16xf32>
    %swap3A_207 = arith.constant 64 : index
    %swap3A_208 = tpu.vector_load %arg12[%swap3A_207] {strides = array<i32>} : memref<128xf32, #tpu.memory_space<vmem>>, vector<16xf32>,
    %swap3A_209 = vector.shape_cast %swap3A_208 : vector<16xf32> to vector<16xf32>
    %swap3A_210 = vector.shape_cast %div3A_206 : vector<16xf32> to vector<16xf32>
    tpu.vector_store %arg12[%swap3A_207], %swap3A_210 {strides = array<i32>} : memref<128xf32, #tpu.memory_space<vmem>>, vector<16xf32>,
    %jit3A_211 = arith.constant 1.000000e+00 : f32
    %jit3A_212 = arith.constant 0.000000e+00 : f32
    %broadcast_in_dim3A_213 = vector.broadcast %jit3A_211 : f32 to vector<16xf32>
    %broadcast_in_dim3A_214 = vector.broadcast %jit3A_212 : f32 to vector<16xf32>
    %select_n3A_215 = arith.select %lt3A_198, %broadcast_in_dim3A_213, %broadcast_in_dim3A_214 : vector<16xi1>, vector<16xf32>
    %swap3A_216 = arith.constant 64 : index
    %swap3A_217 = tpu.vector_load %arg13[%swap3A_216] {strides = array<i32>} : memref<128xf32, #tpu.memory_space<vmem>>, vector<16xf32>,
    %swap3A_218 = vector.shape_cast %swap3A_217 : vector<16xf32> to vector<16xf32>
    %swap3A_219 = vector.shape_cast %select_n3A_215 : vector<16xf32> to vector<16xf32>
    tpu.vector_store %arg13[%swap3A_216], %swap3A_219 {strides = array<i32>} : memref<128xf32, #tpu.memory_space<vmem>>, vector<16xf32>,
    %add3A_220 = vector.broadcast %mul3A_20 : i32 to vector<16xi32>
    %add3A_221 = arith.addi %get3A_194, %add3A_220 : vector<16xi32>
    %swap3A_222 = arith.constant 1 : i32
    %swap3A_223 = arith.index_cast %swap3A_222 : i32 to index
    %swap3A_224 = arith.constant 0 : index
    %swap3A_225 = tpu.vector_load %arg10[%swap3A_223, %swap3A_224] {strides = array<i32>} : memref<2x64xi32, #tpu.memory_space<vmem>>, vector<1x16xi32>,
    %swap3A_226 = vector.shape_cast %swap3A_225 : vector<1x16xi32> to vector<16xi32>
    %swap3A_227 = vector.shape_cast %add3A_221 : vector<16xi32> to vector<1x16xi32>
    tpu.vector_store %arg10[%swap3A_223, %swap3A_224], %swap3A_227 {strides = array<i32>} : memref<2x64xi32, #tpu.memory_space<vmem>>, vector<1x16xi32>,
    %add3A_228 = vector.broadcast %mul3A_20 : i32 to vector<16xi32>
    %add3A_229 = arith.addi %get3A_197, %add3A_228 : vector<16xi32>
    %swap3A_230 = arith.constant 1 : i32
    %swap3A_231 = arith.index_cast %swap3A_230 : i32 to index
    %swap3A_232 = arith.constant 0 : index
    %swap3A_233 = tpu.vector_load %arg11[%swap3A_231, %swap3A_232] {strides = array<i32>} : memref<2x64xi32, #tpu.memory_space<vmem>>, vector<1x16xi32>,
    %swap3A_234 = vector.shape_cast %swap3A_233 : vector<1x16xi32> to vector<16xi32>
    %swap3A_235 = vector.shape_cast %add3A_229 : vector<16xi32> to vector<1x16xi32>
    tpu.vector_store %arg11[%swap3A_231, %swap3A_232], %swap3A_235 {strides = array<i32>} : memref<2x64xi32, #tpu.memory_space<vmem>>, vector<1x16xi32>,
    %get3A_236 = arith.constant 80 : index
    %get3A_237 = tpu.vector_load %arg8[%get3A_236] {strides = array<i32>} : memref<128xi32, #tpu.memory_space<vmem>>, vector<16xi32>,
    %get3A_238 = vector.shape_cast %get3A_237 : vector<16xi32> to vector<16xi32>
    %get3A_239 = arith.constant 80 : index
    %get3A_240 = tpu.vector_load %arg9[%get3A_239] {strides = array<i32>} : memref<128xi32, #tpu.memory_space<vmem>>, vector<16xi32>,
    %get3A_241 = vector.shape_cast %get3A_240 : vector<16xi32> to vector<16xi32>
    %lt3A_242 = arith.cmpi slt, %get3A_238, %get3A_241 : vector<16xi32>
    %sub3A_243 = arith.subi %get3A_241, %get3A_238 : vector<16xi32>
    %jit3A_244 = arith.constant 1 : i32
    %broadcast_in_dim3A_245 = vector.broadcast %jit3A_244 : i32 to vector<16xi32>
    %select_n3A_246 = arith.select %lt3A_242, %sub3A_243, %broadcast_in_dim3A_245 : vector<16xi1>, vector<16xi32>
    %convert_element_type3A_247 = arith.sitofp %select_n3A_246 : vector<16xi32> to vector<16xf32>
    %div3A_248 = arith.constant 1.000000e+00 : f32
    %div3A_249 = vector.broadcast %div3A_248 : f32 to vector<16xf32>
    %div3A_250 = arith.divf %div3A_249, %convert_element_type3A_247 : vector<16xf32>
    %swap3A_251 = arith.constant 80 : index
    %swap3A_252 = tpu.vector_load %arg12[%swap3A_251] {strides = array<i32>} : memref<128xf32, #tpu.memory_space<vmem>>, vector<16xf32>,
    %swap3A_253 = vector.shape_cast %swap3A_252 : vector<16xf32> to vector<16xf32>
    %swap3A_254 = vector.shape_cast %div3A_250 : vector<16xf32> to vector<16xf32>
    tpu.vector_store %arg12[%swap3A_251], %swap3A_254 {strides = array<i32>} : memref<128xf32, #tpu.memory_space<vmem>>, vector<16xf32>,
    %jit3A_255 = arith.constant 1.000000e+00 : f32
    %jit3A_256 = arith.constant 0.000000e+00 : f32
    %broadcast_in_dim3A_257 = vector.broadcast %jit3A_255 : f32 to vector<16xf32>
    %broadcast_in_dim3A_258 = vector.broadcast %jit3A_256 : f32 to vector<16xf32>
    %select_n3A_259 = arith.select %lt3A_242, %broadcast_in_dim3A_257, %broadcast_in_dim3A_258 : vector<16xi1>, vector<16xf32>
    %swap3A_260 = arith.constant 80 : index
    %swap3A_261 = tpu.vector_load %arg13[%swap3A_260] {strides = array<i32>} : memref<128xf32, #tpu.memory_space<vmem>>, vector<16xf32>,
    %swap3A_262 = vector.shape_cast %swap3A_261 : vector<16xf32> to vector<16xf32>
    %swap3A_263 = vector.shape_cast %select_n3A_259 : vector<16xf32> to vector<16xf32>
    tpu.vector_store %arg13[%swap3A_260], %swap3A_263 {strides = array<i32>} : memref<128xf32, #tpu.memory_space<vmem>>, vector<16xf32>,
    %add3A_264 = vector.broadcast %mul3A_20 : i32 to vector<16xi32>
    %add3A_265 = arith.addi %get3A_238, %add3A_264 : vector<16xi32>
    %swap3A_266 = arith.constant 1 : i32
    %swap3A_267 = arith.index_cast %swap3A_266 : i32 to index
    %swap3A_268 = arith.constant 16 : index
    %swap3A_269 = tpu.vector_load %arg10[%swap3A_267, %swap3A_268] {strides = array<i32>} : memref<2x64xi32, #tpu.memory_space<vmem>>, vector<1x16xi32>,
    %swap3A_270 = vector.shape_cast %swap3A_269 : vector<1x16xi32> to vector<16xi32>
    %swap3A_271 = vector.shape_cast %add3A_265 : vector<16xi32> to vector<1x16xi32>
    tpu.vector_store %arg10[%swap3A_267, %swap3A_268], %swap3A_271 {strides = array<i32>} : memref<2x64xi32, #tpu.memory_space<vmem>>, vector<1x16xi32>,
    %add3A_272 = vector.broadcast %mul3A_20 : i32 to vector<16xi32>
    %add3A_273 = arith.addi %get3A_241, %add3A_272 : vector<16xi32>
    %swap3A_274 = arith.constant 1 : i32
    %swap3A_275 = arith.index_cast %swap3A_274 : i32 to index
    %swap3A_276 = arith.constant 16 : index
    %swap3A_277 = tpu.vector_load %arg11[%swap3A_275, %swap3A_276] {strides = array<i32>} : memref<2x64xi32, #tpu.memory_space<vmem>>, vector<1x16xi32>,
    %swap3A_278 = vector.shape_cast %swap3A_277 : vector<1x16xi32> to vector<16xi32>
    %swap3A_279 = vector.shape_cast %add3A_273 : vector<16xi32> to vector<1x16xi32>
    tpu.vector_store %arg11[%swap3A_275, %swap3A_276], %swap3A_279 {strides = array<i32>} : memref<2x64xi32, #tpu.memory_space<vmem>>, vector<1x16xi32>,
    %get3A_280 = arith.constant 96 : index
    %get3A_281 = tpu.vector_load %arg8[%get3A_280] {strides = array<i32>} : memref<128xi32, #tpu.memory_space<vmem>>, vector<16xi32>,
    %get3A_282 = vector.shape_cast %get3A_281 : vector<16xi32> to vector<16xi32>
    %get3A_283 = arith.constant 96 : index
    %get3A_284 = tpu.vector_load %arg9[%get3A_283] {strides = array<i32>} : memref<128xi32, #tpu.memory_space<vmem>>, vector<16xi32>,
    %get3A_285 = vector.shape_cast %get3A_284 : vector<16xi32> to vector<16xi32>
    %lt3A_286 = arith.cmpi slt, %get3A_282, %get3A_285 : vector<16xi32>
    %sub3A_287 = arith.subi %get3A_285, %get3A_282 : vector<16xi32>
    %jit3A_288 = arith.constant 1 : i32
    %broadcast_in_dim3A_289 = vector.broadcast %jit3A_288 : i32 to vector<16xi32>
    %select_n3A_290 = arith.select %lt3A_286, %sub3A_287, %broadcast_in_dim3A_289 : vector<16xi1>, vector<16xi32>
    %convert_element_type3A_291 = arith.sitofp %select_n3A_290 : vector<16xi32> to vector<16xf32>
    %div3A_292 = arith.constant 1.000000e+00 : f32
    %div3A_293 = vector.broadcast %div3A_292 : f32 to vector<16xf32>
    %div3A_294 = arith.divf %div3A_293, %convert_element_type3A_291 : vector<16xf32>
    %swap3A_295 = arith.constant 96 : index
    %swap3A_296 = tpu.vector_load %arg12[%swap3A_295] {strides = array<i32>} : memref<128xf32, #tpu.memory_space<vmem>>, vector<16xf32>,
    %swap3A_297 = vector.shape_cast %swap3A_296 : vector<16xf32> to vector<16xf32>
    %swap3A_298 = vector.shape_cast %div3A_294 : vector<16xf32> to vector<16xf32>
    tpu.vector_store %arg12[%swap3A_295], %swap3A_298 {strides = array<i32>} : memref<128xf32, #tpu.memory_space<vmem>>, vector<16xf32>,
    %jit3A_299 = arith.constant 1.000000e+00 : f32
    %jit3A_300 = arith.constant 0.000000e+00 : f32
    %broadcast_in_dim3A_301 = vector.broadcast %jit3A_299 : f32 to vector<16xf32>
    %broadcast_in_dim3A_302 = vector.broadcast %jit3A_300 : f32 to vector<16xf32>
    %select_n3A_303 = arith.select %lt3A_286, %broadcast_in_dim3A_301, %broadcast_in_dim3A_302 : vector<16xi1>, vector<16xf32>
    %swap3A_304 = arith.constant 96 : index
    %swap3A_305 = tpu.vector_load %arg13[%swap3A_304] {strides = array<i32>} : memref<128xf32, #tpu.memory_space<vmem>>, vector<16xf32>,
    %swap3A_306 = vector.shape_cast %swap3A_305 : vector<16xf32> to vector<16xf32>
    %swap3A_307 = vector.shape_cast %select_n3A_303 : vector<16xf32> to vector<16xf32>
    tpu.vector_store %arg13[%swap3A_304], %swap3A_307 {strides = array<i32>} : memref<128xf32, #tpu.memory_space<vmem>>, vector<16xf32>,
    %add3A_308 = vector.broadcast %mul3A_20 : i32 to vector<16xi32>
    %add3A_309 = arith.addi %get3A_282, %add3A_308 : vector<16xi32>
    %swap3A_310 = arith.constant 1 : i32
    %swap3A_311 = arith.index_cast %swap3A_310 : i32 to index
    %swap3A_312 = arith.constant 32 : index
    %swap3A_313 = tpu.vector_load %arg10[%swap3A_311, %swap3A_312] {strides = array<i32>} : memref<2x64xi32, #tpu.memory_space<vmem>>, vector<1x16xi32>,
    %swap3A_314 = vector.shape_cast %swap3A_313 : vector<1x16xi32> to vector<16xi32>
    %swap3A_315 = vector.shape_cast %add3A_309 : vector<16xi32> to vector<1x16xi32>
    tpu.vector_store %arg10[%swap3A_311, %swap3A_312], %swap3A_315 {strides = array<i32>} : memref<2x64xi32, #tpu.memory_space<vmem>>, vector<1x16xi32>,
    %add3A_316 = vector.broadcast %mul3A_20 : i32 to vector<16xi32>
    %add3A_317 = arith.addi %get3A_285, %add3A_316 : vector<16xi32>
    %swap3A_318 = arith.constant 1 : i32
    %swap3A_319 = arith.index_cast %swap3A_318 : i32 to index
    %swap3A_320 = arith.constant 32 : index
    %swap3A_321 = tpu.vector_load %arg11[%swap3A_319, %swap3A_320] {strides = array<i32>} : memref<2x64xi32, #tpu.memory_space<vmem>>, vector<1x16xi32>,
    %swap3A_322 = vector.shape_cast %swap3A_321 : vector<1x16xi32> to vector<16xi32>
    %swap3A_323 = vector.shape_cast %add3A_317 : vector<16xi32> to vector<1x16xi32>
    tpu.vector_store %arg11[%swap3A_319, %swap3A_320], %swap3A_323 {strides = array<i32>} : memref<2x64xi32, #tpu.memory_space<vmem>>, vector<1x16xi32>,
    %get3A_324 = arith.constant 112 : index
    %get3A_325 = tpu.vector_load %arg8[%get3A_324] {strides = array<i32>} : memref<128xi32, #tpu.memory_space<vmem>>, vector<16xi32>,
    %get3A_326 = vector.shape_cast %get3A_325 : vector<16xi32> to vector<16xi32>
    %get3A_327 = arith.constant 112 : index
    %get3A_328 = tpu.vector_load %arg9[%get3A_327] {strides = array<i32>} : memref<128xi32, #tpu.memory_space<vmem>>, vector<16xi32>,
    %get3A_329 = vector.shape_cast %get3A_328 : vector<16xi32> to vector<16xi32>
    %lt3A_330 = arith.cmpi slt, %get3A_326, %get3A_329 : vector<16xi32>
    %sub3A_331 = arith.subi %get3A_329, %get3A_326 : vector<16xi32>
    %jit3A_332 = arith.constant 1 : i32
    %broadcast_in_dim3A_333 = vector.broadcast %jit3A_332 : i32 to vector<16xi32>
    %select_n3A_334 = arith.select %lt3A_330, %sub3A_331, %broadcast_in_dim3A_333 : vector<16xi1>, vector<16xi32>
    %convert_element_type3A_335 = arith.sitofp %select_n3A_334 : vector<16xi32> to vector<16xf32>
    %div3A_336 = arith.constant 1.000000e+00 : f32
    %div3A_337 = vector.broadcast %div3A_336 : f32 to vector<16xf32>
    %div3A_338 = arith.divf %div3A_337, %convert_element_type3A_335 : vector<16xf32>
    %swap3A_339 = arith.constant 112 : index
    %swap3A_340 = tpu.vector_load %arg12[%swap3A_339] {strides = array<i32>} : memref<128xf32, #tpu.memory_space<vmem>>, vector<16xf32>,
    %swap3A_341 = vector.shape_cast %swap3A_340 : vector<16xf32> to vector<16xf32>
    %swap3A_342 = vector.shape_cast %div3A_338 : vector<16xf32> to vector<16xf32>
    tpu.vector_store %arg12[%swap3A_339], %swap3A_342 {strides = array<i32>} : memref<128xf32, #tpu.memory_space<vmem>>, vector<16xf32>,
    %jit3A_343 = arith.constant 1.000000e+00 : f32
    %jit3A_344 = arith.constant 0.000000e+00 : f32
    %broadcast_in_dim3A_345 = vector.broadcast %jit3A_343 : f32 to vector<16xf32>
    %broadcast_in_dim3A_346 = vector.broadcast %jit3A_344 : f32 to vector<16xf32>
    %select_n3A_347 = arith.select %lt3A_330, %broadcast_in_dim3A_345, %broadcast_in_dim3A_346 : vector<16xi1>, vector<16xf32>
    %swap3A_348 = arith.constant 112 : index
    %swap3A_349 = tpu.vector_load %arg13[%swap3A_348] {strides = array<i32>} : memref<128xf32, #tpu.memory_space<vmem>>, vector<16xf32>,
    %swap3A_350 = vector.shape_cast %swap3A_349 : vector<16xf32> to vector<16xf32>
    %swap3A_351 = vector.shape_cast %select_n3A_347 : vector<16xf32> to vector<16xf32>
    tpu.vector_store %arg13[%swap3A_348], %swap3A_351 {strides = array<i32>} : memref<128xf32, #tpu.memory_space<vmem>>, vector<16xf32>,
    %add3A_352 = vector.broadcast %mul3A_20 : i32 to vector<16xi32>
    %add3A_353 = arith.addi %get3A_326, %add3A_352 : vector<16xi32>
    %swap3A_354 = arith.constant 1 : i32
    %swap3A_355 = arith.index_cast %swap3A_354 : i32 to index
    %swap3A_356 = arith.constant 48 : index
    %swap3A_357 = tpu.vector_load %arg10[%swap3A_355, %swap3A_356] {strides = array<i32>} : memref<2x64xi32, #tpu.memory_space<vmem>>, vector<1x16xi32>,
    %swap3A_358 = vector.shape_cast %swap3A_357 : vector<1x16xi32> to vector<16xi32>
    %swap3A_359 = vector.shape_cast %add3A_353 : vector<16xi32> to vector<1x16xi32>
    tpu.vector_store %arg10[%swap3A_355, %swap3A_356], %swap3A_359 {strides = array<i32>} : memref<2x64xi32, #tpu.memory_space<vmem>>, vector<1x16xi32>,
    %add3A_360 = vector.broadcast %mul3A_20 : i32 to vector<16xi32>
    %add3A_361 = arith.addi %get3A_329, %add3A_360 : vector<16xi32>
    %swap3A_362 = arith.constant 1 : i32
    %swap3A_363 = arith.index_cast %swap3A_362 : i32 to index
    %swap3A_364 = arith.constant 48 : index
    %swap3A_365 = tpu.vector_load %arg11[%swap3A_363, %swap3A_364] {strides = array<i32>} : memref<2x64xi32, #tpu.memory_space<vmem>>, vector<1x16xi32>,
    %swap3A_366 = vector.shape_cast %swap3A_365 : vector<1x16xi32> to vector<16xi32>
    %swap3A_367 = vector.shape_cast %add3A_361 : vector<16xi32> to vector<1x16xi32>
    tpu.vector_store %arg11[%swap3A_363, %swap3A_364], %swap3A_367 {strides = array<i32>} : memref<2x64xi32, #tpu.memory_space<vmem>>, vector<1x16xi32>,
    "tpu.region"() ({
      %run_scoped3A = tpu.sem_alloc : memref<!tpu.dma_semaphore, #tpu.memory_space<semaphore_mem>>
      %dma_start3A_437 = tpu.memref_slice %arg6[%mul3A_2] : memref<4096xf32, #tpu.memory_space<hbm>> -> memref<128xf32, #tpu.memory_space<hbm>>
      %dma_start3A_438 = tpu.memref_slice %arg6[%mul3A_2] : memref<4096xf32, #tpu.memory_space<hbm>> -> memref<128xf32, #tpu.memory_space<hbm>>
      tpu.enqueue_dma source(%arg12 : memref<128xf32, #tpu.memory_space<vmem>>) target(%dma_start3A_438 : memref<128xf32, #tpu.memory_space<hbm>>) target_semaphore(%run_scoped3A : memref<!tpu.dma_semaphore, #tpu.memory_space<semaphore_mem>>)
      %dma_wait3A_439 = tpu.memref_slice %arg6[%mul3A_2] : memref<4096xf32, #tpu.memory_space<hbm>> -> memref<128xf32, #tpu.memory_space<hbm>>
      %dma_wait3A_440 = tpu.memref_slice %arg6[%mul3A_2] : memref<4096xf32, #tpu.memory_space<hbm>> -> memref<128xf32, #tpu.memory_space<hbm>>
      tpu.wait_dma2 semaphore(%run_scoped3A : memref<!tpu.dma_semaphore, #tpu.memory_space<semaphore_mem>>) src(%arg12 : memref<128xf32, #tpu.memory_space<vmem>>) dst(%dma_wait3A_440 : memref<128xf32, #tpu.memory_space<hbm>>)
      tpu.yield
    }) : () -> ()
    "tpu.region"() ({
      %run_scoped3A = tpu.sem_alloc : memref<!tpu.dma_semaphore, #tpu.memory_space<semaphore_mem>>
      %dma_start3A_437 = tpu.memref_slice %arg7[%mul3A_2] : memref<4096xf32, #tpu.memory_space<hbm>> -> memref<128xf32, #tpu.memory_space<hbm>>
      %dma_start3A_438 = tpu.memref_slice %arg7[%mul3A_2] : memref<4096xf32, #tpu.memory_space<hbm>> -> memref<128xf32, #tpu.memory_space<hbm>>
      tpu.enqueue_dma source(%arg13 : memref<128xf32, #tpu.memory_space<vmem>>) target(%dma_start3A_438 : memref<128xf32, #tpu.memory_space<hbm>>) target_semaphore(%run_scoped3A : memref<!tpu.dma_semaphore, #tpu.memory_space<semaphore_mem>>)
      %dma_wait3A_439 = tpu.memref_slice %arg7[%mul3A_2] : memref<4096xf32, #tpu.memory_space<hbm>> -> memref<128xf32, #tpu.memory_space<hbm>>
      %dma_wait3A_440 = tpu.memref_slice %arg7[%mul3A_2] : memref<4096xf32, #tpu.memory_space<hbm>> -> memref<128xf32, #tpu.memory_space<hbm>>
      tpu.wait_dma2 semaphore(%run_scoped3A : memref<!tpu.dma_semaphore, #tpu.memory_space<semaphore_mem>>) src(%arg13 : memref<128xf32, #tpu.memory_space<vmem>>) dst(%dma_wait3A_440 : memref<128xf32, #tpu.memory_space<hbm>>)
      tpu.yield
    }) : () -> ()
    %dma_start3A = arith.constant 0 : i32
    %dma_start3A_368 = arith.constant 0 : i32
    %dma_start3A_369 = tpu.memref_slice %arg10[%dma_start3A, %dma_start3A_368] : memref<2x64xi32, #tpu.memory_space<vmem>> -> memref<1x64xi32, #tpu.memory_space<vmem>>
    %dma_start3A_370 = tpu.memref_squeeze %dma_start3A_369 : memref<1x64xi32, #tpu.memory_space<vmem>> -> memref<64xi32, #tpu.memory_space<vmem>>
    %dma_start3A_371 = arith.constant 0 : i32
    %dma_start3A_372 = arith.constant 0 : i32
    %dma_start3A_373 = tpu.memref_slice %arg2[%dma_start3A_371, %dma_start3A_372] : memref<32768x512xf32, #tpu.memory_space<hbm>> -> memref<32768x512xf32, #tpu.memory_space<hbm>>
    tpu.enqueue_indirect_dma source(%dma_start3A_373 : memref<32768x512xf32, #tpu.memory_space<hbm>>) target(%arg14 : memref<64x512xf32, #tpu.memory_space<vmem>>) offsets(%dma_start3A_370 : memref<64xi32, #tpu.memory_space<vmem>>) semaphore(%arg17 : memref<!tpu.dma_semaphore, #tpu.memory_space<semaphore_mem>>)
    %dma_start3A_374 = arith.constant 0 : i32
    %dma_start3A_375 = arith.constant 0 : i32
    %dma_start3A_376 = tpu.memref_slice %arg11[%dma_start3A_374, %dma_start3A_375] : memref<2x64xi32, #tpu.memory_space<vmem>> -> memref<1x64xi32, #tpu.memory_space<vmem>>
    %dma_start3A_377 = tpu.memref_squeeze %dma_start3A_376 : memref<1x64xi32, #tpu.memory_space<vmem>> -> memref<64xi32, #tpu.memory_space<vmem>>
    %dma_start3A_378 = arith.constant 0 : i32
    %dma_start3A_379 = arith.constant 0 : i32
    %dma_start3A_380 = tpu.memref_slice %arg2[%dma_start3A_378, %dma_start3A_379] : memref<32768x512xf32, #tpu.memory_space<hbm>> -> memref<32768x512xf32, #tpu.memory_space<hbm>>
    tpu.enqueue_indirect_dma source(%dma_start3A_380 : memref<32768x512xf32, #tpu.memory_space<hbm>>) target(%arg15 : memref<64x512xf32, #tpu.memory_space<vmem>>) offsets(%dma_start3A_377 : memref<64xi32, #tpu.memory_space<vmem>>) semaphore(%arg18 : memref<!tpu.dma_semaphore, #tpu.memory_space<semaphore_mem>>)
    %dma_wait3A = arith.constant 0 : i32
    %dma_wait3A_381 = arith.constant 0 : i32
    %dma_wait3A_382 = tpu.memref_slice %arg10[%dma_wait3A, %dma_wait3A_381] : memref<2x64xi32, #tpu.memory_space<vmem>> -> memref<1x64xi32, #tpu.memory_space<vmem>>
    %dma_wait3A_383 = tpu.memref_squeeze %dma_wait3A_382 : memref<1x64xi32, #tpu.memory_space<vmem>> -> memref<64xi32, #tpu.memory_space<vmem>>
    %dma_wait3A_384 = arith.constant 0 : i32
    %dma_wait3A_385 = arith.constant 0 : i32
    %dma_wait3A_386 = tpu.memref_slice %arg2[%dma_wait3A_384, %dma_wait3A_385] : memref<32768x512xf32, #tpu.memory_space<hbm>> -> memref<32768x512xf32, #tpu.memory_space<hbm>>
    tpu.wait_indirect_dma semaphore(%arg17 : memref<!tpu.dma_semaphore, #tpu.memory_space<semaphore_mem>>) src(%dma_wait3A_386 : memref<32768x512xf32, #tpu.memory_space<hbm>>) dst(%arg14 : memref<64x512xf32, #tpu.memory_space<vmem>>)
    %dma_wait3A_387 = arith.constant 0 : i32
    %dma_wait3A_388 = arith.constant 0 : i32
    %dma_wait3A_389 = tpu.memref_slice %arg11[%dma_wait3A_387, %dma_wait3A_388] : memref<2x64xi32, #tpu.memory_space<vmem>> -> memref<1x64xi32, #tpu.memory_space<vmem>>
    %dma_wait3A_390 = tpu.memref_squeeze %dma_wait3A_389 : memref<1x64xi32, #tpu.memory_space<vmem>> -> memref<64xi32, #tpu.memory_space<vmem>>
    %dma_wait3A_391 = arith.constant 0 : i32
    %dma_wait3A_392 = arith.constant 0 : i32
    %dma_wait3A_393 = tpu.memref_slice %arg2[%dma_wait3A_391, %dma_wait3A_392] : memref<32768x512xf32, #tpu.memory_space<hbm>> -> memref<32768x512xf32, #tpu.memory_space<hbm>>
    tpu.wait_indirect_dma semaphore(%arg18 : memref<!tpu.dma_semaphore, #tpu.memory_space<semaphore_mem>>) src(%dma_wait3A_393 : memref<32768x512xf32, #tpu.memory_space<hbm>>) dst(%arg15 : memref<64x512xf32, #tpu.memory_space<vmem>>)
    %scan3A = arith.constant 0 : i32
    %scan3A_394 = arith.constant 0 : i32
    %scan3A_395 = arith.constant 64 : i32
    %scan3A_396 = arith.addi %scan3A_394, %scan3A_395 : i32
    %scan3A_397 = arith.constant 1 : i32
    scf.for %scan3A_437 = %scan3A_394 to %scan3A_396 step %scan3A_397  : i32 {
      %scan3A_438 = arith.constant 0 : i32
      %scan3A_439 = arith.constant 32 : i32
      %scan3A_440 = arith.addi %scan3A_438, %scan3A_439 : i32
      %scan3A_441 = arith.constant 1 : i32
      scf.for %scan3A_443 = %scan3A_438 to %scan3A_440 step %scan3A_441  : i32 {
        %mul3A_444 = arith.constant 16 : i32
        %mul3A_445 = arith.muli %scan3A_443, %mul3A_444 : i32
        %get3A_446 = arith.index_cast %scan3A_437 : i32 to index
        %get3A_447 = arith.index_cast %mul3A_445 : i32 to index
        %get3A_448 = tpu.vector_load %arg15[%get3A_446, %get3A_447] {strides = array<i32>} : memref<64x512xf32, #tpu.memory_space<vmem>>, vector<1x16xf32>,
        %get3A_449 = vector.shape_cast %get3A_448 : vector<1x16xf32> to vector<16xf32>
        %get3A_450 = arith.index_cast %scan3A_437 : i32 to index
        %get3A_451 = arith.index_cast %mul3A_445 : i32 to index
        %get3A_452 = tpu.vector_load %arg14[%get3A_450, %get3A_451] {strides = array<i32>} : memref<64x512xf32, #tpu.memory_space<vmem>>, vector<1x16xf32>,
        %get3A_453 = vector.shape_cast %get3A_452 : vector<1x16xf32> to vector<16xf32>
        %sub3A_454 = arith.subf %get3A_449, %get3A_453 : vector<16xf32>
        %swap3A_455 = arith.index_cast %scan3A_437 : i32 to index
        %swap3A_456 = arith.index_cast %mul3A_445 : i32 to index
        %swap3A_457 = tpu.vector_load %arg16[%swap3A_455, %swap3A_456] {strides = array<i32>} : memref<64x512xf32, #tpu.memory_space<vmem>>, vector<1x16xf32>,
        %swap3A_458 = vector.shape_cast %swap3A_457 : vector<1x16xf32> to vector<16xf32>
        %swap3A_459 = vector.shape_cast %sub3A_454 : vector<16xf32> to vector<1x16xf32>
        tpu.vector_store %arg16[%swap3A_455, %swap3A_456], %swap3A_459 {strides = array<i32>} : memref<64x512xf32, #tpu.memory_space<vmem>>, vector<1x16xf32>,
      }
      %scan3A_442 = arith.constant 32 : i32
    }
    %scan3A_398 = arith.constant 64 : i32
    %add3A_399 = arith.constant 0 : i32
    %add3A_400 = arith.addi %mul3A_2, %add3A_399 : i32
    "tpu.region"() ({
      %run_scoped3A = tpu.sem_alloc : memref<!tpu.dma_semaphore, #tpu.memory_space<semaphore_mem>>
      %dma_start3A_437 = arith.constant 0 : i32
      %dma_start3A_438 = tpu.memref_slice %arg5[%add3A_400, %dma_start3A_437] : memref<4096x512xf32, #tpu.memory_space<hbm>> -> memref<64x512xf32, #tpu.memory_space<hbm>>
      %dma_start3A_439 = arith.constant 0 : i32
      %dma_start3A_440 = tpu.memref_slice %arg5[%add3A_400, %dma_start3A_439] : memref<4096x512xf32, #tpu.memory_space<hbm>> -> memref<64x512xf32, #tpu.memory_space<hbm>>
      tpu.enqueue_dma source(%arg16 : memref<64x512xf32, #tpu.memory_space<vmem>>) target(%dma_start3A_440 : memref<64x512xf32, #tpu.memory_space<hbm>>) target_semaphore(%run_scoped3A : memref<!tpu.dma_semaphore, #tpu.memory_space<semaphore_mem>>)
      %dma_wait3A_441 = arith.constant 0 : i32
      %dma_wait3A_442 = tpu.memref_slice %arg5[%add3A_400, %dma_wait3A_441] : memref<4096x512xf32, #tpu.memory_space<hbm>> -> memref<64x512xf32, #tpu.memory_space<hbm>>
      %dma_wait3A_443 = arith.constant 0 : i32
      %dma_wait3A_444 = tpu.memref_slice %arg5[%add3A_400, %dma_wait3A_443] : memref<4096x512xf32, #tpu.memory_space<hbm>> -> memref<64x512xf32, #tpu.memory_space<hbm>>
      tpu.wait_dma2 semaphore(%run_scoped3A : memref<!tpu.dma_semaphore, #tpu.memory_space<semaphore_mem>>) src(%arg16 : memref<64x512xf32, #tpu.memory_space<vmem>>) dst(%dma_wait3A_444 : memref<64x512xf32, #tpu.memory_space<hbm>>)
      tpu.yield
    }) : () -> ()
    %dma_start3A_401 = arith.constant 1 : i32
    %dma_start3A_402 = arith.constant 0 : i32
    %dma_start3A_403 = tpu.memref_slice %arg10[%dma_start3A_401, %dma_start3A_402] : memref<2x64xi32, #tpu.memory_space<vmem>> -> memref<1x64xi32, #tpu.memory_space<vmem>>
    %dma_start3A_404 = tpu.memref_squeeze %dma_start3A_403 : memref<1x64xi32, #tpu.memory_space<vmem>> -> memref<64xi32, #tpu.memory_space<vmem>>
    %dma_start3A_405 = arith.constant 0 : i32
    %dma_start3A_406 = arith.constant 0 : i32
    %dma_start3A_407 = tpu.memref_slice %arg2[%dma_start3A_405, %dma_start3A_406] : memref<32768x512xf32, #tpu.memory_space<hbm>> -> memref<32768x512xf32, #tpu.memory_space<hbm>>
    tpu.enqueue_indirect_dma source(%dma_start3A_407 : memref<32768x512xf32, #tpu.memory_space<hbm>>) target(%arg14 : memref<64x512xf32, #tpu.memory_space<vmem>>) offsets(%dma_start3A_404 : memref<64xi32, #tpu.memory_space<vmem>>) semaphore(%arg17 : memref<!tpu.dma_semaphore, #tpu.memory_space<semaphore_mem>>)
    %dma_start3A_408 = arith.constant 1 : i32
    %dma_start3A_409 = arith.constant 0 : i32
    %dma_start3A_410 = tpu.memref_slice %arg11[%dma_start3A_408, %dma_start3A_409] : memref<2x64xi32, #tpu.memory_space<vmem>> -> memref<1x64xi32, #tpu.memory_space<vmem>>
    %dma_start3A_411 = tpu.memref_squeeze %dma_start3A_410 : memref<1x64xi32, #tpu.memory_space<vmem>> -> memref<64xi32, #tpu.memory_space<vmem>>
    %dma_start3A_412 = arith.constant 0 : i32
    %dma_start3A_413 = arith.constant 0 : i32
    %dma_start3A_414 = tpu.memref_slice %arg2[%dma_start3A_412, %dma_start3A_413] : memref<32768x512xf32, #tpu.memory_space<hbm>> -> memref<32768x512xf32, #tpu.memory_space<hbm>>
    tpu.enqueue_indirect_dma source(%dma_start3A_414 : memref<32768x512xf32, #tpu.memory_space<hbm>>) target(%arg15 : memref<64x512xf32, #tpu.memory_space<vmem>>) offsets(%dma_start3A_411 : memref<64xi32, #tpu.memory_space<vmem>>) semaphore(%arg18 : memref<!tpu.dma_semaphore, #tpu.memory_space<semaphore_mem>>)
    %dma_wait3A_415 = arith.constant 1 : i32
    %dma_wait3A_416 = arith.constant 0 : i32
    %dma_wait3A_417 = tpu.memref_slice %arg10[%dma_wait3A_415, %dma_wait3A_416] : memref<2x64xi32, #tpu.memory_space<vmem>> -> memref<1x64xi32, #tpu.memory_space<vmem>>
    %dma_wait3A_418 = tpu.memref_squeeze %dma_wait3A_417 : memref<1x64xi32, #tpu.memory_space<vmem>> -> memref<64xi32, #tpu.memory_space<vmem>>
    %dma_wait3A_419 = arith.constant 0 : i32
    %dma_wait3A_420 = arith.constant 0 : i32
    %dma_wait3A_421 = tpu.memref_slice %arg2[%dma_wait3A_419, %dma_wait3A_420] : memref<32768x512xf32, #tpu.memory_space<hbm>> -> memref<32768x512xf32, #tpu.memory_space<hbm>>
    tpu.wait_indirect_dma semaphore(%arg17 : memref<!tpu.dma_semaphore, #tpu.memory_space<semaphore_mem>>) src(%dma_wait3A_421 : memref<32768x512xf32, #tpu.memory_space<hbm>>) dst(%arg14 : memref<64x512xf32, #tpu.memory_space<vmem>>)
    %dma_wait3A_422 = arith.constant 1 : i32
    %dma_wait3A_423 = arith.constant 0 : i32
    %dma_wait3A_424 = tpu.memref_slice %arg11[%dma_wait3A_422, %dma_wait3A_423] : memref<2x64xi32, #tpu.memory_space<vmem>> -> memref<1x64xi32, #tpu.memory_space<vmem>>
    %dma_wait3A_425 = tpu.memref_squeeze %dma_wait3A_424 : memref<1x64xi32, #tpu.memory_space<vmem>> -> memref<64xi32, #tpu.memory_space<vmem>>
    %dma_wait3A_426 = arith.constant 0 : i32
    %dma_wait3A_427 = arith.constant 0 : i32
    %dma_wait3A_428 = tpu.memref_slice %arg2[%dma_wait3A_426, %dma_wait3A_427] : memref<32768x512xf32, #tpu.memory_space<hbm>> -> memref<32768x512xf32, #tpu.memory_space<hbm>>
    tpu.wait_indirect_dma semaphore(%arg18 : memref<!tpu.dma_semaphore, #tpu.memory_space<semaphore_mem>>) src(%dma_wait3A_428 : memref<32768x512xf32, #tpu.memory_space<hbm>>) dst(%arg15 : memref<64x512xf32, #tpu.memory_space<vmem>>)
    %scan3A_429 = arith.constant 0 : i32
    %scan3A_430 = arith.constant 0 : i32
    %scan3A_431 = arith.constant 64 : i32
    %scan3A_432 = arith.addi %scan3A_430, %scan3A_431 : i32
    %scan3A_433 = arith.constant 1 : i32
    scf.for %scan3A_437 = %scan3A_430 to %scan3A_432 step %scan3A_433  : i32 {
      %scan3A_438 = arith.constant 0 : i32
      %scan3A_439 = arith.constant 32 : i32
      %scan3A_440 = arith.addi %scan3A_438, %scan3A_439 : i32
      %scan3A_441 = arith.constant 1 : i32
      scf.for %scan3A_443 = %scan3A_438 to %scan3A_440 step %scan3A_441  : i32 {
        %mul3A_444 = arith.constant 16 : i32
        %mul3A_445 = arith.muli %scan3A_443, %mul3A_444 : i32
        %get3A_446 = arith.index_cast %scan3A_437 : i32 to index
        %get3A_447 = arith.index_cast %mul3A_445 : i32 to index
        %get3A_448 = tpu.vector_load %arg15[%get3A_446, %get3A_447] {strides = array<i32>} : memref<64x512xf32, #tpu.memory_space<vmem>>, vector<1x16xf32>,
        %get3A_449 = vector.shape_cast %get3A_448 : vector<1x16xf32> to vector<16xf32>
        %get3A_450 = arith.index_cast %scan3A_437 : i32 to index
        %get3A_451 = arith.index_cast %mul3A_445 : i32 to index
        %get3A_452 = tpu.vector_load %arg14[%get3A_450, %get3A_451] {strides = array<i32>} : memref<64x512xf32, #tpu.memory_space<vmem>>, vector<1x16xf32>,
        %get3A_453 = vector.shape_cast %get3A_452 : vector<1x16xf32> to vector<16xf32>
        %sub3A_454 = arith.subf %get3A_449, %get3A_453 : vector<16xf32>
        %swap3A_455 = arith.index_cast %scan3A_437 : i32 to index
        %swap3A_456 = arith.index_cast %mul3A_445 : i32 to index
        %swap3A_457 = tpu.vector_load %arg16[%swap3A_455, %swap3A_456] {strides = array<i32>} : memref<64x512xf32, #tpu.memory_space<vmem>>, vector<1x16xf32>,
        %swap3A_458 = vector.shape_cast %swap3A_457 : vector<1x16xf32> to vector<16xf32>
        %swap3A_459 = vector.shape_cast %sub3A_454 : vector<16xf32> to vector<1x16xf32>
        tpu.vector_store %arg16[%swap3A_455, %swap3A_456], %swap3A_459 {strides = array<i32>} : memref<64x512xf32, #tpu.memory_space<vmem>>, vector<1x16xf32>,
      }
      %scan3A_442 = arith.constant 32 : i32
    }
    %scan3A_434 = arith.constant 64 : i32
    %add3A_435 = arith.constant 64 : i32
    %add3A_436 = arith.addi %mul3A_2, %add3A_435 : i32
    "tpu.region"() ({
      %run_scoped3A = tpu.sem_alloc : memref<!tpu.dma_semaphore, #tpu.memory_space<semaphore_mem>>
      %dma_start3A_437 = arith.constant 0 : i32
      %dma_start3A_438 = tpu.memref_slice %arg5[%add3A_436, %dma_start3A_437] : memref<4096x512xf32, #tpu.memory_space<hbm>> -> memref<64x512xf32, #tpu.memory_space<hbm>>
      %dma_start3A_439 = arith.constant 0 : i32
      %dma_start3A_440 = tpu.memref_slice %arg5[%add3A_436, %dma_start3A_439] : memref<4096x512xf32, #tpu.memory_space<hbm>> -> memref<64x512xf32, #tpu.memory_space<hbm>>
      tpu.enqueue_dma source(%arg16 : memref<64x512xf32, #tpu.memory_space<vmem>>) target(%dma_start3A_440 : memref<64x512xf32, #tpu.memory_space<hbm>>) target_semaphore(%run_scoped3A : memref<!tpu.dma_semaphore, #tpu.memory_space<semaphore_mem>>)
      %dma_wait3A_441 = arith.constant 0 : i32
      %dma_wait3A_442 = tpu.memref_slice %arg5[%add3A_436, %dma_wait3A_441] : memref<4096x512xf32, #tpu.memory_space<hbm>> -> memref<64x512xf32, #tpu.memory_space<hbm>>
      %dma_wait3A_443 = arith.constant 0 : i32
      %dma_wait3A_444 = tpu.memref_slice %arg5[%add3A_436, %dma_wait3A_443] : memref<4096x512xf32, #tpu.memory_space<hbm>> -> memref<64x512xf32, #tpu.memory_space<hbm>>
      tpu.wait_dma2 semaphore(%run_scoped3A : memref<!tpu.dma_semaphore, #tpu.memory_space<semaphore_mem>>) src(%arg16 : memref<64x512xf32, #tpu.memory_space<vmem>>) dst(%dma_wait3A_444 : memref<64x512xf32, #tpu.memory_space<hbm>>)
      tpu.yield
    }) : () -> ()
    return
  }
}

module attributes {stable_mosaic.version = 14 : i64} {
  func.func @_cumsum_body(%arg0: i32, %arg1: i32, %arg2: memref<1x512x512xf32, #tpu.memory_space<vmem>>, %arg3: memref<1x512x512xf32, #tpu.memory_space<vmem>>, %arg4: memref<1x512xf32, #tpu.memory_space<vmem>>) attributes {dimension_semantics = [#tpu.dimension_semantics<arbitrary>, #tpu.dimension_semantics<arbitrary>], iteration_bounds = array<i64: 8, 8>, scalar_prefetch = 0 : i64, scratch_operands = 1 : i64, tpu.core_type = #tpu.core_type<tc>, window_params = [{transform_indices = @transform_0, window_bounds = array<i64: 1, 512, 512>}, {transform_indices = @transform_1, window_bounds = array<i64: 1, 512, 512>}]} {
    %eq3A = arith.constant 0 : i32
    %eq3A_0 = arith.cmpi eq, %arg1, %eq3A : i32
    %convert_element_type3A = arith.extui %eq3A_0 : i1 to i32
    %cond3A = arith.constant 0 : i32
    %cond3A_1 = arith.cmpi ne, %convert_element_type3A, %cond3A : i32
    scf.if %cond3A_1 {
      %broadcast_in_dim3A_65 = arith.constant 0.000000e+00 : f32
      %broadcast_in_dim3A_66 = vector.broadcast %broadcast_in_dim3A_65 : f32 to vector<1x512xf32>
      %swap3A_67 = arith.constant 0 : index
      %swap3A_68 = arith.constant 0 : index
      %swap3A_69 = vector.load %arg4[%swap3A_67, %swap3A_68] : memref<1x512xf32, #tpu.memory_space<vmem>>, vector<1x512xf32>
      tpu.vector_store %arg4[%swap3A_67, %swap3A_68], %broadcast_in_dim3A_66 {strides = array<i32>} : memref<1x512xf32, #tpu.memory_space<vmem>>, vector<1x512xf32>,
    } else {
    }
    %get3A = arith.constant 0 : index
    %get3A_2 = arith.constant 0 : index
    %get3A_3 = arith.constant 0 : index
    %get3A_4 = vector.load %arg2[%get3A, %get3A_2, %get3A_3] : memref<1x512x512xf32, #tpu.memory_space<vmem>>, vector<1x512x512xf32>
    %get3A_5 = vector.shape_cast %get3A_4 : vector<1x512x512xf32> to vector<512x512xf32>
    %broadcast_in_dim3A = arith.constant 0.000000e+00 : f32
    %broadcast_in_dim3A_6 = vector.broadcast %broadcast_in_dim3A : f32 to vector<1x512xf32>
    %slice3A = vector.extract_strided_slice %get3A_5 {offsets = [0, 0], sizes = [511, 512], strides = [1, 1]} : vector<512x512xf32> to vector<511x512xf32>
    %concatenate3A = tpu.concatenate %broadcast_in_dim3A_6, %slice3A in 0 : vector<1x512xf32>, vector<511x512xf32> -> vector<512x512xf32>
    %add3A = arith.addf %get3A_5, %concatenate3A : vector<512x512xf32>
    %broadcast_in_dim3A_7 = arith.constant 0.000000e+00 : f32
    %broadcast_in_dim3A_8 = vector.broadcast %broadcast_in_dim3A_7 : f32 to vector<2x512xf32>
    %slice3A_9 = vector.extract_strided_slice %add3A {offsets = [0, 0], sizes = [510, 512], strides = [1, 1]} : vector<512x512xf32> to vector<510x512xf32>
    %concatenate3A_10 = tpu.concatenate %broadcast_in_dim3A_8, %slice3A_9 in 0 : vector<2x512xf32>, vector<510x512xf32> -> vector<512x512xf32>
    %add3A_11 = arith.addf %add3A, %concatenate3A_10 : vector<512x512xf32>
    %broadcast_in_dim3A_12 = arith.constant 0.000000e+00 : f32
    %broadcast_in_dim3A_13 = vector.broadcast %broadcast_in_dim3A_12 : f32 to vector<4x512xf32>
    %slice3A_14 = vector.extract_strided_slice %add3A_11 {offsets = [0, 0], sizes = [508, 512], strides = [1, 1]} : vector<512x512xf32> to vector<508x512xf32>
    %concatenate3A_15 = tpu.concatenate %broadcast_in_dim3A_13, %slice3A_14 in 0 : vector<4x512xf32>, vector<508x512xf32> -> vector<512x512xf32>
    %add3A_16 = arith.addf %add3A_11, %concatenate3A_15 : vector<512x512xf32>
    %broadcast_in_dim3A_17 = arith.constant 0.000000e+00 : f32
    %broadcast_in_dim3A_18 = vector.broadcast %broadcast_in_dim3A_17 : f32 to vector<8x512xf32>
    %slice3A_19 = vector.extract_strided_slice %add3A_16 {offsets = [0, 0], sizes = [504, 512], strides = [1, 1]} : vector<512x512xf32> to vector<504x512xf32>
    %concatenate3A_20 = tpu.concatenate %broadcast_in_dim3A_18, %slice3A_19 in 0 : vector<8x512xf32>, vector<504x512xf32> -> vector<512x512xf32>
    %add3A_21 = arith.addf %add3A_16, %concatenate3A_20 : vector<512x512xf32>
    %broadcast_in_dim3A_22 = arith.constant 0.000000e+00 : f32
    %broadcast_in_dim3A_23 = vector.broadcast %broadcast_in_dim3A_22 : f32 to vector<16x512xf32>
    %slice3A_24 = vector.extract_strided_slice %add3A_21 {offsets = [0, 0], sizes = [496, 512], strides = [1, 1]} : vector<512x512xf32> to vector<496x512xf32>
    %concatenate3A_25 = tpu.concatenate %broadcast_in_dim3A_23, %slice3A_24 in 0 : vector<16x512xf32>, vector<496x512xf32> -> vector<512x512xf32>
    %add3A_26 = arith.addf %add3A_21, %concatenate3A_25 : vector<512x512xf32>
    %broadcast_in_dim3A_27 = arith.constant 0.000000e+00 : f32
    %broadcast_in_dim3A_28 = vector.broadcast %broadcast_in_dim3A_27 : f32 to vector<32x512xf32>
    %slice3A_29 = vector.extract_strided_slice %add3A_26 {offsets = [0, 0], sizes = [480, 512], strides = [1, 1]} : vector<512x512xf32> to vector<480x512xf32>
    %concatenate3A_30 = tpu.concatenate %broadcast_in_dim3A_28, %slice3A_29 in 0 : vector<32x512xf32>, vector<480x512xf32> -> vector<512x512xf32>
    %add3A_31 = arith.addf %add3A_26, %concatenate3A_30 : vector<512x512xf32>
    %broadcast_in_dim3A_32 = arith.constant 0.000000e+00 : f32
    %broadcast_in_dim3A_33 = vector.broadcast %broadcast_in_dim3A_32 : f32 to vector<64x512xf32>
    %slice3A_34 = vector.extract_strided_slice %add3A_31 {offsets = [0, 0], sizes = [448, 512], strides = [1, 1]} : vector<512x512xf32> to vector<448x512xf32>
    %concatenate3A_35 = tpu.concatenate %broadcast_in_dim3A_33, %slice3A_34 in 0 : vector<64x512xf32>, vector<448x512xf32> -> vector<512x512xf32>
    %add3A_36 = arith.addf %add3A_31, %concatenate3A_35 : vector<512x512xf32>
    %broadcast_in_dim3A_37 = arith.constant 0.000000e+00 : f32
    %broadcast_in_dim3A_38 = vector.broadcast %broadcast_in_dim3A_37 : f32 to vector<128x512xf32>
    %slice3A_39 = vector.extract_strided_slice %add3A_36 {offsets = [0, 0], sizes = [384, 512], strides = [1, 1]} : vector<512x512xf32> to vector<384x512xf32>
    %concatenate3A_40 = tpu.concatenate %broadcast_in_dim3A_38, %slice3A_39 in 0 : vector<128x512xf32>, vector<384x512xf32> -> vector<512x512xf32>
    %add3A_41 = arith.addf %add3A_36, %concatenate3A_40 : vector<512x512xf32>
    %broadcast_in_dim3A_42 = arith.constant 0.000000e+00 : f32
    %broadcast_in_dim3A_43 = vector.broadcast %broadcast_in_dim3A_42 : f32 to vector<256x512xf32>
    %slice3A_44 = vector.extract_strided_slice %add3A_41 {offsets = [0, 0], sizes = [256, 512], strides = [1, 1]} : vector<512x512xf32> to vector<256x512xf32>
    %concatenate3A_45 = tpu.concatenate %broadcast_in_dim3A_43, %slice3A_44 in 0 : vector<256x512xf32>, vector<256x512xf32> -> vector<512x512xf32>
    %add3A_46 = arith.addf %add3A_41, %concatenate3A_45 : vector<512x512xf32>
    %get3A_47 = arith.constant 0 : index
    %get3A_48 = arith.constant 0 : index
    %get3A_49 = vector.load %arg4[%get3A_47, %get3A_48] : memref<1x512xf32, #tpu.memory_space<vmem>>, vector<1x512xf32>
    %sub3A = arith.subf %add3A_46, %get3A_5 : vector<512x512xf32>
    %add3A_50 = vector.broadcast %get3A_49 : vector<1x512xf32> to vector<512x512xf32>
    %add3A_51 = arith.addf %add3A_50, %sub3A : vector<512x512xf32>
    %swap3A = arith.constant 0 : index
    %swap3A_52 = arith.constant 0 : index
    %swap3A_53 = arith.constant 0 : index
    %swap3A_54 = vector.load %arg3[%swap3A, %swap3A_52, %swap3A_53] : memref<1x512x512xf32, #tpu.memory_space<vmem>>, vector<1x512x512xf32>
    %swap3A_55 = vector.shape_cast %swap3A_54 : vector<1x512x512xf32> to vector<512x512xf32>
    %swap3A_56 = vector.shape_cast %add3A_51 : vector<512x512xf32> to vector<1x512x512xf32>
    tpu.vector_store %arg3[%swap3A, %swap3A_52, %swap3A_53], %swap3A_56 {strides = array<i32>} : memref<1x512x512xf32, #tpu.memory_space<vmem>>, vector<1x512x512xf32>,
    %get3A_57 = arith.constant 0 : index
    %get3A_58 = arith.constant 0 : index
    %get3A_59 = vector.load %arg4[%get3A_57, %get3A_58] : memref<1x512xf32, #tpu.memory_space<vmem>>, vector<1x512xf32>
    %slice3A_60 = vector.extract_strided_slice %add3A_46 {offsets = [511, 0], sizes = [1, 512], strides = [1, 1]} : vector<512x512xf32> to vector<1x512xf32>
    %add3A_61 = arith.addf %get3A_59, %slice3A_60 : vector<1x512xf32>
    %swap3A_62 = arith.constant 0 : index
    %swap3A_63 = arith.constant 0 : index
    %swap3A_64 = vector.load %arg4[%swap3A_62, %swap3A_63] : memref<1x512xf32, #tpu.memory_space<vmem>>, vector<1x512xf32>
    tpu.vector_store %arg4[%swap3A_62, %swap3A_63], %add3A_61 {strides = array<i32>} : memref<1x512xf32, #tpu.memory_space<vmem>>, vector<1x512xf32>,
    return
  }
  func.func @transform_0(%arg0: i32, %arg1: i32) -> (i32, i32, i32) {
    %add3A = arith.constant 8 : i32
    %add3A_0 = arith.addi %arg0, %add3A : i32
    %c0_i32 = arith.constant 0 : i32
    %c0_i32_1 = arith.constant 0 : i32
    return %add3A_0, %arg1, %c0_i32 : i32, i32, i32
  }
  func.func @transform_1(%arg0: i32, %arg1: i32) -> (i32, i32, i32) {
    %c0_i32 = arith.constant 0 : i32
    %c0_i32_0 = arith.constant 0 : i32
    return %arg0, %arg1, %c0_i32 : i32, i32, i32
  }
}

module attributes {stable_mosaic.version = 14 : i64} {
  func.func @_cumsum_body(%arg0: i32, %arg1: i32, %arg2: memref<1x512x512xf32, #tpu.memory_space<vmem>>, %arg3: memref<1x512x512xf32, #tpu.memory_space<vmem>>, %arg4: memref<1x512xf32, #tpu.memory_space<vmem>>) attributes {dimension_semantics = [#tpu.dimension_semantics<arbitrary>, #tpu.dimension_semantics<arbitrary>], iteration_bounds = array<i64: 8, 8>, scalar_prefetch = 0 : i64, scratch_operands = 1 : i64, tpu.core_type = #tpu.core_type<tc>, window_params = [{transform_indices = @transform_0, window_bounds = array<i64: 1, 512, 512>}, {transform_indices = @transform_1, window_bounds = array<i64: 1, 512, 512>}]} {
    %eq3A = arith.constant 0 : i32
    %eq3A_0 = arith.cmpi eq, %arg1, %eq3A : i32
    %convert_element_type3A = arith.extui %eq3A_0 : i1 to i32
    %cond3A = arith.constant 0 : i32
    %cond3A_1 = arith.cmpi ne, %convert_element_type3A, %cond3A : i32
    scf.if %cond3A_1 {
      %broadcast_in_dim3A_65 = arith.constant 0.000000e+00 : f32
      %broadcast_in_dim3A_66 = vector.broadcast %broadcast_in_dim3A_65 : f32 to vector<1x512xf32>
      %swap3A_67 = arith.constant 0 : index
      %swap3A_68 = arith.constant 0 : index
      %swap3A_69 = vector.load %arg4[%swap3A_67, %swap3A_68] : memref<1x512xf32, #tpu.memory_space<vmem>>, vector<1x512xf32>
      tpu.vector_store %arg4[%swap3A_67, %swap3A_68], %broadcast_in_dim3A_66 {strides = array<i32>} : memref<1x512xf32, #tpu.memory_space<vmem>>, vector<1x512xf32>,
    } else {
    }
    %get3A = arith.constant 0 : index
    %get3A_2 = arith.constant 0 : index
    %get3A_3 = arith.constant 0 : index
    %get3A_4 = vector.load %arg2[%get3A, %get3A_2, %get3A_3] : memref<1x512x512xf32, #tpu.memory_space<vmem>>, vector<1x512x512xf32>
    %get3A_5 = vector.shape_cast %get3A_4 : vector<1x512x512xf32> to vector<512x512xf32>
    %broadcast_in_dim3A = arith.constant 0.000000e+00 : f32
    %broadcast_in_dim3A_6 = vector.broadcast %broadcast_in_dim3A : f32 to vector<1x512xf32>
    %slice3A = vector.extract_strided_slice %get3A_5 {offsets = [0, 0], sizes = [511, 512], strides = [1, 1]} : vector<512x512xf32> to vector<511x512xf32>
    %concatenate3A = tpu.concatenate %broadcast_in_dim3A_6, %slice3A in 0 : vector<1x512xf32>, vector<511x512xf32> -> vector<512x512xf32>
    %add3A = arith.addf %get3A_5, %concatenate3A : vector<512x512xf32>
    %broadcast_in_dim3A_7 = arith.constant 0.000000e+00 : f32
    %broadcast_in_dim3A_8 = vector.broadcast %broadcast_in_dim3A_7 : f32 to vector<2x512xf32>
    %slice3A_9 = vector.extract_strided_slice %add3A {offsets = [0, 0], sizes = [510, 512], strides = [1, 1]} : vector<512x512xf32> to vector<510x512xf32>
    %concatenate3A_10 = tpu.concatenate %broadcast_in_dim3A_8, %slice3A_9 in 0 : vector<2x512xf32>, vector<510x512xf32> -> vector<512x512xf32>
    %add3A_11 = arith.addf %add3A, %concatenate3A_10 : vector<512x512xf32>
    %broadcast_in_dim3A_12 = arith.constant 0.000000e+00 : f32
    %broadcast_in_dim3A_13 = vector.broadcast %broadcast_in_dim3A_12 : f32 to vector<4x512xf32>
    %slice3A_14 = vector.extract_strided_slice %add3A_11 {offsets = [0, 0], sizes = [508, 512], strides = [1, 1]} : vector<512x512xf32> to vector<508x512xf32>
    %concatenate3A_15 = tpu.concatenate %broadcast_in_dim3A_13, %slice3A_14 in 0 : vector<4x512xf32>, vector<508x512xf32> -> vector<512x512xf32>
    %add3A_16 = arith.addf %add3A_11, %concatenate3A_15 : vector<512x512xf32>
    %broadcast_in_dim3A_17 = arith.constant 0.000000e+00 : f32
    %broadcast_in_dim3A_18 = vector.broadcast %broadcast_in_dim3A_17 : f32 to vector<8x512xf32>
    %slice3A_19 = vector.extract_strided_slice %add3A_16 {offsets = [0, 0], sizes = [504, 512], strides = [1, 1]} : vector<512x512xf32> to vector<504x512xf32>
    %concatenate3A_20 = tpu.concatenate %broadcast_in_dim3A_18, %slice3A_19 in 0 : vector<8x512xf32>, vector<504x512xf32> -> vector<512x512xf32>
    %add3A_21 = arith.addf %add3A_16, %concatenate3A_20 : vector<512x512xf32>
    %broadcast_in_dim3A_22 = arith.constant 0.000000e+00 : f32
    %broadcast_in_dim3A_23 = vector.broadcast %broadcast_in_dim3A_22 : f32 to vector<16x512xf32>
    %slice3A_24 = vector.extract_strided_slice %add3A_21 {offsets = [0, 0], sizes = [496, 512], strides = [1, 1]} : vector<512x512xf32> to vector<496x512xf32>
    %concatenate3A_25 = tpu.concatenate %broadcast_in_dim3A_23, %slice3A_24 in 0 : vector<16x512xf32>, vector<496x512xf32> -> vector<512x512xf32>
    %add3A_26 = arith.addf %add3A_21, %concatenate3A_25 : vector<512x512xf32>
    %broadcast_in_dim3A_27 = arith.constant 0.000000e+00 : f32
    %broadcast_in_dim3A_28 = vector.broadcast %broadcast_in_dim3A_27 : f32 to vector<32x512xf32>
    %slice3A_29 = vector.extract_strided_slice %add3A_26 {offsets = [0, 0], sizes = [480, 512], strides = [1, 1]} : vector<512x512xf32> to vector<480x512xf32>
    %concatenate3A_30 = tpu.concatenate %broadcast_in_dim3A_28, %slice3A_29 in 0 : vector<32x512xf32>, vector<480x512xf32> -> vector<512x512xf32>
    %add3A_31 = arith.addf %add3A_26, %concatenate3A_30 : vector<512x512xf32>
    %broadcast_in_dim3A_32 = arith.constant 0.000000e+00 : f32
    %broadcast_in_dim3A_33 = vector.broadcast %broadcast_in_dim3A_32 : f32 to vector<64x512xf32>
    %slice3A_34 = vector.extract_strided_slice %add3A_31 {offsets = [0, 0], sizes = [448, 512], strides = [1, 1]} : vector<512x512xf32> to vector<448x512xf32>
    %concatenate3A_35 = tpu.concatenate %broadcast_in_dim3A_33, %slice3A_34 in 0 : vector<64x512xf32>, vector<448x512xf32> -> vector<512x512xf32>
    %add3A_36 = arith.addf %add3A_31, %concatenate3A_35 : vector<512x512xf32>
    %broadcast_in_dim3A_37 = arith.constant 0.000000e+00 : f32
    %broadcast_in_dim3A_38 = vector.broadcast %broadcast_in_dim3A_37 : f32 to vector<128x512xf32>
    %slice3A_39 = vector.extract_strided_slice %add3A_36 {offsets = [0, 0], sizes = [384, 512], strides = [1, 1]} : vector<512x512xf32> to vector<384x512xf32>
    %concatenate3A_40 = tpu.concatenate %broadcast_in_dim3A_38, %slice3A_39 in 0 : vector<128x512xf32>, vector<384x512xf32> -> vector<512x512xf32>
    %add3A_41 = arith.addf %add3A_36, %concatenate3A_40 : vector<512x512xf32>
    %broadcast_in_dim3A_42 = arith.constant 0.000000e+00 : f32
    %broadcast_in_dim3A_43 = vector.broadcast %broadcast_in_dim3A_42 : f32 to vector<256x512xf32>
    %slice3A_44 = vector.extract_strided_slice %add3A_41 {offsets = [0, 0], sizes = [256, 512], strides = [1, 1]} : vector<512x512xf32> to vector<256x512xf32>
    %concatenate3A_45 = tpu.concatenate %broadcast_in_dim3A_43, %slice3A_44 in 0 : vector<256x512xf32>, vector<256x512xf32> -> vector<512x512xf32>
    %add3A_46 = arith.addf %add3A_41, %concatenate3A_45 : vector<512x512xf32>
    %get3A_47 = arith.constant 0 : index
    %get3A_48 = arith.constant 0 : index
    %get3A_49 = vector.load %arg4[%get3A_47, %get3A_48] : memref<1x512xf32, #tpu.memory_space<vmem>>, vector<1x512xf32>
    %sub3A = arith.subf %add3A_46, %get3A_5 : vector<512x512xf32>
    %add3A_50 = vector.broadcast %get3A_49 : vector<1x512xf32> to vector<512x512xf32>
    %add3A_51 = arith.addf %add3A_50, %sub3A : vector<512x512xf32>
    %swap3A = arith.constant 0 : index
    %swap3A_52 = arith.constant 0 : index
    %swap3A_53 = arith.constant 0 : index
    %swap3A_54 = vector.load %arg3[%swap3A, %swap3A_52, %swap3A_53] : memref<1x512x512xf32, #tpu.memory_space<vmem>>, vector<1x512x512xf32>
    %swap3A_55 = vector.shape_cast %swap3A_54 : vector<1x512x512xf32> to vector<512x512xf32>
    %swap3A_56 = vector.shape_cast %add3A_51 : vector<512x512xf32> to vector<1x512x512xf32>
    tpu.vector_store %arg3[%swap3A, %swap3A_52, %swap3A_53], %swap3A_56 {strides = array<i32>} : memref<1x512x512xf32, #tpu.memory_space<vmem>>, vector<1x512x512xf32>,
    %get3A_57 = arith.constant 0 : index
    %get3A_58 = arith.constant 0 : index
    %get3A_59 = vector.load %arg4[%get3A_57, %get3A_58] : memref<1x512xf32, #tpu.memory_space<vmem>>, vector<1x512xf32>
    %slice3A_60 = vector.extract_strided_slice %add3A_46 {offsets = [511, 0], sizes = [1, 512], strides = [1, 1]} : vector<512x512xf32> to vector<1x512xf32>
    %add3A_61 = arith.addf %get3A_59, %slice3A_60 : vector<1x512xf32>
    %swap3A_62 = arith.constant 0 : index
    %swap3A_63 = arith.constant 0 : index
    %swap3A_64 = vector.load %arg4[%swap3A_62, %swap3A_63] : memref<1x512xf32, #tpu.memory_space<vmem>>, vector<1x512xf32>
    tpu.vector_store %arg4[%swap3A_62, %swap3A_63], %add3A_61 {strides = array<i32>} : memref<1x512xf32, #tpu.memory_space<vmem>>, vector<1x512xf32>,
    return
  }
  func.func @transform_0(%arg0: i32, %arg1: i32) -> (i32, i32, i32) {
    %add3A = arith.constant 0 : i32
    %add3A_0 = arith.addi %arg0, %add3A : i32
    %c0_i32 = arith.constant 0 : i32
    %c0_i32_1 = arith.constant 0 : i32
    return %add3A_0, %arg1, %c0_i32 : i32, i32, i32
  }
  func.func @transform_1(%arg0: i32, %arg1: i32) -> (i32, i32, i32) {
    %c0_i32 = arith.constant 0 : i32
    %c0_i32_0 = arith.constant 0 : i32
    return %arg0, %arg1, %c0_i32 : i32, i32, i32
  }
}

module attributes {stable_mosaic.version = 14 : i64} {
  func.func @_mlp_body(%arg0: i32, %arg1: memref<512x512xf32, #tpu.memory_space<vmem>>, %arg2: memref<512x1xf32, #tpu.memory_space<vmem>>, %arg3: memref<512x256xf32, #tpu.memory_space<vmem>>, %arg4: memref<1x256xf32, #tpu.memory_space<vmem>>, %arg5: memref<256x32xf32, #tpu.memory_space<vmem>>, %arg6: memref<1x32xf32, #tpu.memory_space<vmem>>, %arg7: memref<512x32xf32, #tpu.memory_space<vmem>>) attributes {dimension_semantics = [#tpu.dimension_semantics<arbitrary>], iteration_bounds = array<i64: 8>, scalar_prefetch = 0 : i64, scratch_operands = 0 : i64, tpu.core_type = #tpu.core_type<tc>, window_params = [{transform_indices = @transform_0, window_bounds = array<i64: 512, 512>}, {transform_indices = @transform_1, window_bounds = array<i64: 512, 1>}, {pipeline_mode = #tpu.pipeline_mode<synchronous>, transform_indices = @transform_2, window_bounds = array<i64: 512, 256>}, {pipeline_mode = #tpu.pipeline_mode<synchronous>, transform_indices = @transform_3, window_bounds = array<i64: 1, 256>}, {pipeline_mode = #tpu.pipeline_mode<synchronous>, transform_indices = @transform_4, window_bounds = array<i64: 256, 32>}, {pipeline_mode = #tpu.pipeline_mode<synchronous>, transform_indices = @transform_5, window_bounds = array<i64: 1, 32>}, {transform_indices = @transform_6, window_bounds = array<i64: 512, 32>}]} {
    %get3A = arith.constant 0 : index
    %get3A_0 = arith.constant 0 : index
    %get3A_1 = vector.load %arg1[%get3A, %get3A_0] : memref<512x512xf32, #tpu.memory_space<vmem>>, vector<512x512xf32>
    %get3A_2 = arith.constant 0 : index
    %get3A_3 = arith.constant 0 : index
    %get3A_4 = vector.load %arg2[%get3A_2, %get3A_3] : memref<512x1xf32, #tpu.memory_space<vmem>>, vector<512x1xf32>
    %mul3A = vector.broadcast %get3A_4 : vector<512x1xf32> to vector<512x512xf32>
    %mul3A_5 = arith.mulf %get3A_1, %mul3A : vector<512x512xf32>
    %get3A_6 = arith.constant 0 : index
    %get3A_7 = arith.constant 0 : index
    %get3A_8 = vector.load %arg3[%get3A_6, %get3A_7] : memref<512x256xf32, #tpu.memory_space<vmem>>, vector<512x256xf32>
    %dot_general3A = arith.constant dense<0.000000e+00> : vector<512x256xf32>
    %dot_general3A_9 = tpu.matmul %mul3A_5, %get3A_8, %dot_general3A {dimension_numbers = #tpu.dot_dimension_numbers<[1], [0], [0], [1], [0, 0, 1, 1], [], []>, transpose_lhs_hint = false} : vector<512x512xf32>, vector<512x256xf32>, vector<512x256xf32> -> vector<512x256xf32>
    %get3A_10 = arith.constant 0 : index
    %get3A_11 = arith.constant 0 : index
    %get3A_12 = vector.load %arg4[%get3A_10, %get3A_11] : memref<1x256xf32, #tpu.memory_space<vmem>>, vector<1x256xf32>
    %add3A = vector.broadcast %get3A_12 : vector<1x256xf32> to vector<512x256xf32>
    %add3A_13 = arith.addf %dot_general3A_9, %add3A : vector<512x256xf32>
    %mul3A_14 = arith.constant 5.000000e-01 : f32
    %mul3A_15 = vector.broadcast %mul3A_14 : f32 to vector<512x256xf32>
    %mul3A_16 = arith.mulf %mul3A_15, %add3A_13 : vector<512x256xf32>
    %mul3A_17 = arith.constant 0.707106769 : f32
    %mul3A_18 = vector.broadcast %mul3A_17 : f32 to vector<512x256xf32>
    %mul3A_19 = arith.mulf %add3A_13, %mul3A_18 : vector<512x256xf32>
    %erf3A = math.erf %mul3A_19 : vector<512x256xf32>
    %add3A_20 = arith.constant 1.000000e+00 : f32
    %add3A_21 = vector.broadcast %add3A_20 : f32 to vector<512x256xf32>
    %add3A_22 = arith.addf %add3A_21, %erf3A : vector<512x256xf32>
    %mul3A_23 = arith.mulf %mul3A_16, %add3A_22 : vector<512x256xf32>
    %get3A_24 = arith.constant 0 : index
    %get3A_25 = arith.constant 0 : index
    %get3A_26 = vector.load %arg5[%get3A_24, %get3A_25] : memref<256x32xf32, #tpu.memory_space<vmem>>, vector<256x32xf32>
    %dot_general3A_27 = arith.constant dense<0.000000e+00> : vector<512x32xf32>
    %dot_general3A_28 = tpu.matmul %mul3A_23, %get3A_26, %dot_general3A_27 {dimension_numbers = #tpu.dot_dimension_numbers<[1], [0], [0], [1], [0, 0, 1, 1], [], []>, transpose_lhs_hint = false} : vector<512x256xf32>, vector<256x32xf32>, vector<512x32xf32> -> vector<512x32xf32>
    %get3A_29 = arith.constant 0 : index
    %get3A_30 = arith.constant 0 : index
    %get3A_31 = vector.load %arg6[%get3A_29, %get3A_30] : memref<1x32xf32, #tpu.memory_space<vmem>>, vector<1x32xf32>
    %add3A_32 = vector.broadcast %get3A_31 : vector<1x32xf32> to vector<512x32xf32>
    %add3A_33 = arith.addf %dot_general3A_28, %add3A_32 : vector<512x32xf32>
    %swap3A = arith.constant 0 : index
    %swap3A_34 = arith.constant 0 : index
    %swap3A_35 = vector.load %arg7[%swap3A, %swap3A_34] : memref<512x32xf32, #tpu.memory_space<vmem>>, vector<512x32xf32>
    tpu.vector_store %arg7[%swap3A, %swap3A_34], %add3A_33 {strides = array<i32>} : memref<512x32xf32, #tpu.memory_space<vmem>>, vector<512x32xf32>,
    return
  }
  func.func @transform_0(%arg0: i32) -> (i32, i32) {
    %c0_i32 = arith.constant 0 : i32
    %c0_i32_0 = arith.constant 0 : i32
    return %arg0, %c0_i32 : i32, i32
  }
  func.func @transform_1(%arg0: i32) -> (i32, i32) {
    %c0_i32 = arith.constant 0 : i32
    %c0_i32_0 = arith.constant 0 : i32
    return %arg0, %c0_i32 : i32, i32
  }
  func.func @transform_2(%arg0: i32) -> (i32, i32) {
    %c0_i32 = arith.constant 0 : i32
    %c0_i32_0 = arith.constant 0 : i32
    %c0_i32_1 = arith.constant 0 : i32
    return %c0_i32, %c0_i32_0 : i32, i32
  }
  func.func @transform_3(%arg0: i32) -> (i32, i32) {
    %c0_i32 = arith.constant 0 : i32
    %c0_i32_0 = arith.constant 0 : i32
    %c0_i32_1 = arith.constant 0 : i32
    return %c0_i32, %c0_i32_0 : i32, i32
  }
  func.func @transform_4(%arg0: i32) -> (i32, i32) {
    %c0_i32 = arith.constant 0 : i32
    %c0_i32_0 = arith.constant 0 : i32
    %c0_i32_1 = arith.constant 0 : i32
    return %c0_i32, %c0_i32_0 : i32, i32
  }
  func.func @transform_5(%arg0: i32) -> (i32, i32) {
    %c0_i32 = arith.constant 0 : i32
    %c0_i32_0 = arith.constant 0 : i32
    %c0_i32_1 = arith.constant 0 : i32
    return %c0_i32, %c0_i32_0 : i32, i32
  }
  func.func @transform_6(%arg0: i32) -> (i32, i32) {
    %c0_i32 = arith.constant 0 : i32
    %c0_i32_0 = arith.constant 0 : i32
    return %arg0, %c0_i32 : i32, i32
  }
}

</mosaic_0001>

<sc_bundles>
// kernel: kernel.11.cloned.1.call-start
scs
__scs_entry_jumppad:
0x0: {  	(pc) =	sbr.rel $0x88, $3  }
0x1: {  	(tag) =	ssettag $0x0;
	lr =	simm.s32 $0x1  }
0x2: {  	[smem:$0x3F9B] =	sst lr;
	_ =	strace $0xD0000000  }
0x3: {  	_ = 	snop  }
0x4: {  	_ = 	snop  }
0x5: {  	_ = 	snop  }
0x6: {  	_ = 	snop  }
0x7: {  	_ = 	snop  }
__scs_overlays_trampoline_lowered:
0x8: {  	[smem:$0x3FAA] =	sst s0  }
0x9: {  	[smem:$0x3FAB] =	sst s1  }
0xa: {  	[smem:$0x3FAC] =	sst s2  }
0xb: {  	[smem:$0x3FAD] =	sst s3  }
0xc: {  	[smem:$0x3FAE] =	sst s4  }
0xd: {  	[smem:$0x3FAF] =	sst s5  }
0xe: {  	[smem:$0x3FB0] =	sst s6  }
0xf: {  	[smem:$0x3FB1] =	sst s7  }
0x10: {  	[smem:$0x3FB2] =	sst s8  }
0x11: {  	[smem:$0x3FB3] =	sst s9;
	s0 =	simm.s32 @!p0 $0x0  }
0x12: {  	s1 =	sld [smem:$0x3F99];
	s0 =	simm.s32 @p0 $0x1  }
0x13: {  	[smem:$0x3FB4] =	sst s0;
	s0 =	simm.s32 @!p1 $0x0  }
0x14: {  	s2 =	sld [smem:$0x3F98];
	s0 =	simm.s32 @p1 $0x1  }
0x15: {  	[smem:$0x3FB5] =	sst s0;
	s0 =	simm.s32 @!p2 $0x0  }
0x16: {  	s3 =	sld [smem:$0x3FDB];
	s0 =	simm.s32 @p2 $0x1  }
0x17: {  	s4 =	simm.s32 $0x1BF5;
	[smem:$0x3FB7] =	sst s0  }
0x18: {  	s0 =	sld [smem:$0x3F9A];
	_ =	swait.ge [sflag:s4], $0x0  }
0x19: {  	s7 =	sld [smem:$0x3F9B]  }
0x1a: {  	s8 =	sadd.s32 $0xFFFFE003, lr  }
0x1b: {  	s9 =	sadd.s32 $0xFFFFFEF7, lr;
	s5 =	simm.s32 $0xFFFFFFFF;
	p2 =	slt.u32 s8, $0xFFFFF086  }
0x1c: {  	p1 =	slt.u32 s9, $0xF7A;
	s5 =	simm.s32 @!p2 $0x0  }
0x1d: {  	s5 =	simm.s32 @p1 $0x1;
	p0 =	seq.s32 s7, s2  }
0x1e: {  	s7 =	smul.u32 @!p0 $0xF7A, s2;
	p2 =	seq.s32 @!p0 s5, $0x0  }
0x1f: {  	s9 =	smul.u32 $0xF7A, s1;
	s8 =	simm.s32 @!p0 $0x1BF5;
	p2 =	por !p2, p0  }
0x20: {  	[sflag:s8] =	ssyncset.s32 @!p0 $0xFFFFF086;
	s6 =	sadd.s32 @!p0 s3, s7;
	s7 =	simm.s32 @!p0 $0x108  }
0x21: {  	s3 =	sadd.s32 s3, s9;
	s6 =	sadd.s32 @!p0 $0x88, s6;
	s7 =	simm.s32 @p2 $0x1082  }
0x22: {  	[simem:s7], [sflag:s8] =	dma.local @!p0 [hbm:s6], $0xF7A  }
0x23: {  	s9 =	sor.u32 $0xD0000000, s2;
	s6 =	simm.s32 $0x108;
	_ =	swait.ge @!p0 [sflag:s8], $0x0  }
0x24: {  	s3 =	sadd.s32 $0x88, s3;
	s6 =	simm.s32 @!p1 $0x1082;
	[sflag:s4] =	ssyncset.s32 $0xFFFFF086  }
0x25: {  	[simem:s6], [sflag:s4] =	dma.local [hbm:s3], $0xF7A  }
0x26: {  	[smem:$0x3F9B] =	sst s1;
	(tag) =	ssettag s2;
	_ =	strace s9  }
0x27: {  	s1 =	sld [smem:$0x3FAB]  }
0x28: {  	s2 =	sld [smem:$0x3FAC]  }
0x29: {  	s4 =	sld [smem:$0x3FAE]  }
0x2a: {  	p0 =	seq.s32 s5, $0x0;
	s5 =	sld [smem:$0x3FAF]  }
0x2b: {  	s6 =	sld [smem:$0x3FB0]  }
0x2c: {  	s7 =	sld [smem:$0x3FB1]  }
0x2d: {  	s3 =	simm.s32 $0x108;
	s8 =	sld [smem:$0x3FB2]  }
0x2e: {  	s3 =	simm.s32 @!p0 $0x1082;
	s9 =	sld [smem:$0x3FB3]  }
0x2f: {  	lr =	sadd.s32 s0, s3;
	s0 =	sld [smem:$0x3FAA]  }
0x30: {  	s3 =	sld [smem:$0x3FAD]  }
0x31: {  	[smem:$0x3FB6] =	sst s10  }
0x32: {  	s10 =	sld [smem:$0x3FB4];
	_ =	sdelay $0x3  }
0x33: {  	p0 =	seq.s32 s10, $0x1;
	s10 =	sld [smem:$0x3FB6];
	_ =	sdelay $0x3  }
0x34: {  	[smem:$0x3FB6] =	sst s10  }
0x35: {  	s10 =	sld [smem:$0x3FB5];
	_ =	sdelay $0x3  }
0x36: {  	p1 =	seq.s32 s10, $0x1;
	s10 =	sld [smem:$0x3FB6];
	_ =	sdelay $0x3  }
0x37: {  	[smem:$0x3FB6] =	sst s10  }
0x38: {  	s10 =	sld [smem:$0x3FB7]  }
0x39: {  	_ = 	snop;
	(pc) =	sbr.ind lr, $3  }
0x3a: {  	_ = 	snop  }
0x3b: {  	_ = 	snop  }
0x3c: {  	p2 =	seq.s32 s10, $0x1;
	s10 =	sld [smem:$0x3FB6]  }
0x3d: {  	_ =	shalt  }
0x3e: {  	_ =	shalt  }
0x3f: {  	_ =	shalt  }
0x40: {  	_ =	shalt  }
0x41: {  	_ =	shalt  }
0x42: {  	_ =	shalt  }
0x43: {  	_ =	shalt  }
0x44: {  	_ =	shalt  }
0x45: {  	_ =	shalt  }
0x46: {  	_ =	shalt  }
0x47: {  	_ =	shalt  }
0x48: {  	_ =	shalt  }
0x49: {  	_ =	shalt  }
0x4a: {  	_ =	shalt  }
0x4b: {  	_ =	shalt  }
0x4c: {  	_ =	shalt  }
0x4d: {  	_ =	shalt  }
0x4e: {  	_ =	shalt  }
0x4f: {  	_ =	shalt  }
0x50: {  	_ =	shalt  }
0x51: {  	_ =	shalt  }
0x52: {  	_ =	shalt  }
0x53: {  	_ =	shalt  }
0x54: {  	_ =	shalt  }
0x55: {  	_ =	shalt  }
0x56: {  	_ =	shalt  }
0x57: {  	_ =	shalt  }
0x58: {  	_ =	shalt  }
0x59: {  	_ =	shalt  }
0x5a: {  	_ =	shalt  }
0x5b: {  	_ =	shalt  }
0x5c: {  	_ =	shalt  }
0x5d: {  	_ =	shalt  }
0x5e: {  	_ =	shalt  }
0x5f: {  	_ =	shalt  }
0x60: {  	_ =	shalt  }
0x61: {  	_ =	shalt  }
0x62: {  	_ =	shalt  }
0x63: {  	_ =	shalt  }
0x64: {  	_ =	shalt  }
0x65: {  	_ =	shalt  }
0x66: {  	_ =	shalt  }
0x67: {  	_ =	shalt  }
0x68: {  	_ =	shalt  }
0x69: {  	_ =	shalt  }
0x6a: {  	_ =	shalt  }
0x6b: {  	_ =	shalt  }
0x6c: {  	_ =	shalt  }
0x6d: {  	_ =	shalt  }
0x6e: {  	_ =	shalt  }
0x6f: {  	_ =	shalt  }
0x70: {  	_ =	shalt  }
0x71: {  	_ =	shalt  }
0x72: {  	_ =	shalt  }
0x73: {  	_ =	shalt  }
0x74: {  	_ =	shalt  }
0x75: {  	_ =	shalt  }
0x76: {  	_ =	shalt  }
0x77: {  	_ =	shalt  }
0x78: {  	_ =	shalt  }
0x79: {  	_ =	shalt  }
0x7a: {  	_ =	shalt  }
0x7b: {  	_ =	shalt  }
0x7c: {  	_ =	shalt  }
0x7d: {  	_ =	shalt  }
0x7e: {  	_ =	shalt  }
0x7f: {  	_ =	shalt  }
0x80: {  	_ =	shalt  }
0x81: {  	_ =	shalt  }
0x82: {  	_ =	shalt  }
0x83: {  	_ =	shalt  }
0x84: {  	_ =	shalt  }
0x85: {  	_ =	shalt  }
0x86: {  	_ =	shalt  }
0x87: {  	_ =	shalt  }
.Lfunc_end0:
.L_simem_size_0:
called_computation.1_lowered:
.L_overlay_start_0:
0x88: {  	s2 =	sld [smem:$0x3FD9]  }
0x89: {  	s3 =	sld [smem:$0x3FFE];
	_ =	sdelay $0x1  }
0x8a: {  	s1 =	srdreg.scid  }
0x8b: {  	s0 =	sand.u32 $0x1, s1  }
0x8c: {  	s14 =	sshll.u32 s0, $0xA;
	s2 =	sadd.s32 s3, s2  }
0x8d: {  	s2 =	sadd.s32 s2, s14  }
0x8e: {  	[smem:$0x3FC2] =	sst s2  }
0x8f: {  	_ = 	snop  }
0x90: {  	s2 =	sld [smem:$0x3FD0];
	_ =	sdelay $0x2  }
0x91: {  	s15 =	simm.s32 $0xB;
	s4 =	simm.s32 $0x10  }
0x92: {  	[smem:s4], [sflag:s15] =	dma.local [hbm:s2], $0x1  }
0x93: {  	_ =	swait.eq [sflag:s15], $0x1  }
0x94: {  	[sflag:s15] =	ssyncset.done $0x0  }
0x95: {  	[sflag:s15] =	ssyncadd.s32 $0xFFFFFFFF  }
0x96: {  	s16 =	sld [smem:$0x10];
	(tm) =	ssettm $0x1  }
0x97: {  	s17 =	sld [smem:$0x3FFB];
	_ =	sdelay $0x3  }
0x98: {  	_ =	strace s17  }
0x99: {  	s3 =	sld [smem:$0x3FFC];
	_ =	sdelay $0x3  }
0x9a: {  	_ =	strace s3  }
0x9b: {  	s3 =	sld [smem:$0x3FFD];
	_ =	sdelay $0x3  }
0x9c: {  	_ =	strace s3  }
0x9d: {  	_ =	strace $0x8FFFFFFF  }
0x9e: {  	s18 =	sld [smem:$0x3FDB];
	_ =	sdelay $0x1  }
0x9f: {  	s19 =	simm.s32 $_scs_section_size  }
0xa0: {  	s5 =	simm.s32 $_size__tile_overlayer_lowered;
	s6 =	simm.s32 $_tile_overlayer_lowered  }
0xa1: {  	s22 =	simm.s32 $0x1BFF;
	s21 =	sshll.u32 s6, $0x1;
	s3 =	sadd.s32 s19, s18  }
0xa2: {  	s7 =	simm.s32 $0x0;
	s20 =	sshll.u32 s5, $0x1;
	s5 =	sadd.s32 s21, s3  }
0xa3: {  	[timem:s7], [sflag:s22] =	dma.local [hbm:s5], s20  }
0xa4: {  	_ =	swait.ge [sflag:s22], s20  }
0xa5: {  	s4 =	ssub.s32 $0x0, s20;
	[sflag:s22] =	ssyncset.done $0x0  }
0xa6: {  	[sflag:s22] =	ssyncadd.s32 s4;
	_ =	sdelay $0x1  }
0xa7: {  	s23 =	simm.s32 $0x1B8B  }
0xa8: {  	_ =	swait.ge [sflag:s23], $0x1  }
0xa9: {  	[sflag:s23] =	ssyncset.done $0x0  }
0xaa: {  	s25 =	simm.s32 $0x1B8E;
	s24 =	sld [smem:$0x3FFE];
	[sflag:s23] =	ssyncadd.s32 $0xFFFFFFFF  }
0xab: {  	s26 =	simm.s32 $execute0_lowered;
	[smem:$0x3FD2] =	sst s25  }
0xac: {  	s5 =	sshll.u32 s26, $0x1;
	_ =	strace $0x80000046;
	[dreg:$0x1] =	wrdreg $0xFFFFFFFF  }
0xad: {  	s28 =	simm.s32 $_size_execute0_lowered;
	s3 =	sadd.s32 s3, s5;
	[dreg:$0x0] =	wrdreg $0x0  }
0xae: {  	s5 =	sshll.u32 s28, $0x1;
	[dreg:$0x2] =	wrdreg s3  }
0xaf: {  	[dreg:$0x3] =	wrdreg s5  }
0xb0: {  	[dreg:$0x4] =	wrdreg $0xC0  }
0xb1: {  	_ =	task [dreg:s7], $0x5FFFF  }
0xb2: {  	[dreg:$0x1] =	wrdreg $0xFFFFFFFF  }
0xb3: {  	[dreg:$0x0] =	wrdreg $0x60  }
0xb4: {  	[dreg:$0x2] =	wrdreg s24  }
0xb5: {  	[dreg:$0x3] =	wrdreg s16  }
0xb6: {  	[dreg:$0x4] =	wrdreg $0xA  }
0xb7: {  	_ =	task.clear_ibuf [dreg:s7], $0x5FFFF;
	_ =	strace $0x90000046  }
0xb8: {  	s29 =	simm.s32 $0xA;
	_ =	strace $0x80000048  }
0xb9: {  	_ =	swait.ge [sflag:s29], $0x1  }
0xba: {  	[sflag:s29] =	ssyncadd.s32 $0xFFFFFFFF  }
0xbb: {  	_ =	strace $0x90000048  }
0xbc: {  	_ =	sfence  }
0xbd: {  	s30 =	sld [smem:$0x0];
	_ =	sdelay $0x2  }
0xbe: {  	s31 =	sshll.u32 s1, $0xD;
	s1 =	sshrl.u32 s1, $0x2  }
0xbf: {  	s3 =	sand.u32 $0x4000, s31;
	s1 =	sadd.s32 s1, s30  }
0xc0: {  	s0 =	sor.u32 s3, s0;
	s1 =	sshll.u32 s1, $0x11  }
0xc1: {  	s0 =	sor.u32 s1, s0  }
0xc2: {  	s0 =	sadd.s32 $0x8F2B, s0  }
0xc3: {  	[sflag:s0] =	ssyncadd.remote.s32 $0x1  }
0xc4: {  	_ =	sfence.sel $0xFFFF  }
0xc5: {  	[dreg:$0x0] =	wrdreg $0xFFFFFFFF;
	(pc) =	sbr.abs _section_cstart, $3  }
0xc6: {  	[dreg:$0x1] =	wrdreg $0xFFFFFFFF  }
0xc7: {  	_ =	task.clear_ibuf [dreg:s7], $0x2FFFF;
	_ =	strace $0x9FFFFFFF  }
0xc8: {  	(tm) =	ssettm $0x7FFFFFFF  }
0xc9: {  	_ =	shalt  }
tec
execute0_lowered:
.L_overlay_start_1:
0x0: {  	(tag) =	ssettag $0x1  }
0x1: {  	s0 =	rddreg [dreg:$0x0]  }
0x2: {  	s1 =	rddreg [dreg:$0x1]  }
0x3: {  	s2 =	srdreg.scid;
	s8 =	stileid.u32;
	s12 =	simm.s32 $0x3  }
0x4: {  	s13 =	simm.s32 $0x8C00;
	s14 =	simm.s32 $0x9400;
	s15 =	simm.s32 $0x9C00  }
0x5: {  	s16 =	simm.s32 $0xC400;
	s17 =	simm.s32 $0xCC00;
	s18 =	simm.s32 $0xDC00  }
0x6: {  	s19 =	simm.s32 $0xEC00;
	s11 =	simm.s32 $0xF400;
	s20 =	simm.s32 $0xFC00  }
0x7: {  	s21 =	simm.s32 $0x1;
	s22 =	simm.s32 $0x2;
	s23 =	simm.s32 $0x10400  }
0x8: {  	s24 =	simm.s32 $0x0;
	s4 =	sand.u32 $0x1, s2;
	s2 =	simm.s32 $0x0  }
0x9: {  	s3 =	sshll.u32 s8, $0x8;
	s8 =	sshll.u32 s8, $0xB;
	s5 =	sshll.u32 s4, $0x7  }
0xa: {  	[smem:$0x7FF] =	sst s2;
	s4 =	ssub.s32 $0x2, s4;
	s10 =	sand.u32 $0x7000, s8  }
0xb: {  	s8 =	sadd.s32 $0x2300, s0;
	s5 =	sor.u32 s5, s3;
	_ =	strace $0x80000047  }
0xc: {  	s7 =	sshrl.u32 s4, $0x1;
	s6 =	sshll.u32 s5, $0x6;
	s5 =	sshrl.u32 s5, $0x3  }
0xd: {  	s3 =	sadd.s32 $0x2200, s0;
	s4 =	ssub.s32 s4, s7;
	s1 =	sadd.s32 s1, s5  }
0xe: {  	s9 =	sadd.s32 s5, s0;
	s31 =	smax.u32 s4, $0x1;
	[dreg:$0x3] =	wrdreg s1  }
0xf: {  	v0 =	vmov s10;
	s10 =	simm.s32 $0xE400;
	s25 =	sadd.s32 $0x202400, s9;
	[dreg:$0x9] =	wrdreg s31  }
0x10: {  	s7 =	simm.s32 $0xBC00;
	s26 =	sadd.s32 $0x202200, s9;
	[dreg:$0x4] =	wrdreg s25  }
0x11: {  	s6 =	sadd.s32 s6, s0;
	s28 =	sadd.s32 $0x1E00, s9;
	[dreg:$0x5] =	wrdreg s26  }
0x12: {  	v4 =	vlaneseq.u32;
	s4 =	simm.s32 $0xA400;
	s29 =	sadd.s32 $0x202600, s6;
	[dreg:$0x6] =	wrdreg s28  }
0x13: {  	v1 =	vimm.f32 $0.0e+00;
	vm0 =	vmmov $0xffff;
	v3 =	vshrl.u32 v4, $0x3;
	s5 =	simm.s32 $0xAC00;
	s30 =	sadd.s32 $0x203600, s6;
	[dreg:$0x7] =	wrdreg s29  }
0x14: {  	v2 =	vand.u32 $0x7, v4;
	v4 =	vor.u32 $0x8, v4;
	v3 =	vmul.u32 $0x8, v3;
	s6 =	simm.s32 $0xB400;
	s9 =	simm.s32 $0xD400;
	[dreg:$0x8] =	wrdreg s30  }
.LBB2_1:
0x15: {  	s0 =	rddreg [dreg:$0x3]  }
0x16: {  	[tilespmem:s2], [sflag:$0x3] =	stream.linear.gather [hbm4b:s0+s2], $0x80, $0x38;
	[tilespmem:$0x18400] =	vst v63  }
0x17: {  	_ =	swait.ge [sflag:s12], $0x80  }
0x18: {  	[sflag:s12] =	ssyncset.done $0x0  }
0x19: {  	s1 =	simm.s32 $0x80;
	s31 =	rddreg [dreg:$0x6];
	[sflag:s12] =	ssyncadd.s32 $0xFFFFFF80  }
0x1a: {  	[tilespmem:s1], [sflag:$0x3] =	stream.linear.gather [hbm4b:s31+s2], $0x80, $0x38;
	[tilespmem:$0x18400] =	vst v63  }
0x1b: {  	_ =	swait.ge [sflag:s12], $0x80  }
0x1c: {  	[sflag:s12] =	ssyncset.done $0x0  }
0x1d: {  	[sflag:s12] =	ssyncadd.s32 $0xFFFFFF80  }
0x1e: {  	v5 =	vld [tilespmem:$0x0]  }
0x1f: {  	v6 =	vld [tilespmem:$0x80];
	_ =	sdelay $0x1  }
0x20: {  	v7 =	vld [tilespmem:$0x10]  }
0x21: {  	v8 =	vld [tilespmem:$0x90];
	_ =	sdelay $0x1  }
0x22: {  	vm2 =	vgt.s32 v6, v5;
	v9 =	vsub.s32 v6, v5  }
0x23: {  	v9 =	vnsel vm2, $0x1, v9  }
0x24: {  	v10 =	vld [tilespmem:$0x20];
	v9 =	vcvt.s32.f32 v9  }
0x25: {  	v11 =	vld [tilespmem:$0xA0];
	vm3 =	vgt.s32 v8, v7;
	v53 =	vsub.s32 v8, v7  }
0x26: {  	(erf) = vrcp.f32 v9;
	v9 =	vnsel vm3, $0x1, v53  }
0x27: {  	v9 =	vcvt.s32.f32 v9;
	_ =	sdelay $0x1  }
0x28: {  	v12 =	vld [tilespmem:$0x30];
	(erf) = vrcp.f32 v9  }
0x29: {  	v13 =	vld [tilespmem:$0xB0];
	vm4 =	vgt.s32 v11, v10;
	v54 =	vsub.s32 v11, v10  }
0x2a: {  	v14 =	vld [tilespmem:$0x40];
	v9 =	vnsel vm4, $0x1, v54  }
0x2b: {  	v15 =	vld [tilespmem:$0xC0];
	v9 =	vcvt.s32.f32 v9;
	_ =	sdelay $0x1  }
0x2c: {  	(erf) = vrcp.f32 v9  }
0x2d: {  	v17 =	vld [tilespmem:$0x50];
	vm1 =	vgt.s32 v13, v12;
	v55 =	vsub.s32 v13, v12;
	v6 =	vadd.s32 v0, v6  }
0x2e: {  	v57 =	vld [tilespmem:$0xD0];
	v5 =	vadd.s32 v0, v5;
	v56 =	vsel vm2, $0x3F800000, v1;
	v9 =	vnsel vm1, $0x1, v55  }
0x2f: {  	[tilespmem:$0x100] =	vst v5;
	vm2 =	vgt.s32 v15, v14;
	v5 =	vsub.s32 v15, v14;
	v9 =	vcvt.s32.f32 v9;
	v16 =	vpop (erf)  }
0x30: {  	v58 =	vld [tilespmem:$0x60];
	[tilespmem:$0x200] =	vst v6;
	v5 =	vnsel vm2, $0x1, v5;
	v6 =	vpop (erf)  }
0x31: {  	v59 =	vld [tilespmem:$0xE0];
	v5 =	vcvt.s32.f32 v5;
	(erf) = vrcp.f32 v9;
	[tilespmem:$0x310] =	vst v6;
	v6 =	vsel vm3, $0x3F800000, v1  }
0x32: {  	v60 =	vadd.s32 v0, v11;
	[tilespmem:$0x390] =	vst v6;
	v6 =	vadd.s32 v0, v7  }
0x33: {  	[tilespmem:$0x220] =	vst v60;
	(erf) = vrcp.f32 v5;
	v5 =	vsub.s32 v57, v17;
	vm3 =	vgt.s32 v57, v17  }
0x34: {  	v7 =	vadd.s32 v0, v8;
	v5 =	vnsel vm3, $0x1, v5;
	[tilespmem:$0x110] =	vst v6  }
0x35: {  	[tilespmem:$0x210] =	vst v7;
	v5 =	vcvt.s32.f32 v5;
	v6 =	vpop (erf)  }
0x36: {  	v61 =	vld [tilespmem:$0xF0];
	vm15 =	vgt.s32 v59, v58;
	v62 =	vadd.s32 v0, v13;
	[tilespmem:$0x320] =	vst v6;
	v6 =	vsel vm4, $0x3F800000, v1  }
0x37: {  	v7 =	vld [tilespmem:$0x70];
	(erf) = vrcp.f32 v5;
	v5 =	vsub.s32 v59, v58;
	[tilespmem:$0x3A0] =	vst v6;
	v6 =	vadd.s32 v0, v10  }
0x38: {  	[tilespmem:$0x230] =	vst v62;
	v5 =	vnsel vm15, $0x1, v5  }
0x39: {  	[tilespmem:$0x380] =	vst v56;
	v5 =	vcvt.s32.f32 v5  }
0x3a: {  	[tilespmem:$0x120] =	vst v6;
	v6 =	vpop (erf)  }
0x3b: {  	v63 =	vsel vm2, $0x3F800000, v1;
	(erf) = vrcp.f32 v5;
	[tilespmem:$0x330] =	vst v6;
	v6 =	vsel vm1, $0x3F800000, v1  }
0x3c: {  	v5 =	vsub.s32 v61, v7;
	vm1 =	vgt.s32 v61, v7;
	[tilespmem:$0x3B0] =	vst v6;
	v6 =	vadd.s32 v0, v12  }
0x3d: {  	[tilespmem:$0x3C0] =	vst v63;
	v5 =	vnsel vm1, $0x1, v5  }
0x3e: {  	[tilespmem:$0x300] =	vst v16;
	v5 =	vcvt.s32.f32 v5  }
0x3f: {  	[tilespmem:$0x130] =	vst v6;
	v6 =	vpop (erf)  }
0x40: {  	[tilespmem:$0x340] =	vst v6;
	v6 =	vadd.s32 v0, v14  }
0x41: {  	(erf) = vrcp.f32 v5;
	[tilespmem:$0x180] =	vst v6;
	v6 =	vadd.s32 v0, v15  }
0x42: {  	v5 =	vpop (erf);
	[tilespmem:$0x280] =	vst v6  }
0x43: {  	[tilespmem:$0x350] =	vst v5;
	v5 =	vadd.s32 v0, v17  }
0x44: {  	[tilespmem:$0x190] =	vst v5;
	v5 =	vadd.s32 v0, v57  }
0x45: {  	v6 =	vsel vm3, $0x3F800000, v1;
	[tilespmem:$0x290] =	vst v5;
	v5 =	vsel vm15, $0x3F800000, v1  }
0x46: {  	[tilespmem:$0x3E0] =	vst v5;
	v5 =	vadd.s32 v0, v58  }
0x47: {  	[tilespmem:$0x1A0] =	vst v5;
	v5 =	vadd.s32 v0, v59  }
0x48: {  	[tilespmem:$0x3D0] =	vst v6;
	v6 =	vpop (erf)  }
0x49: {  	[tilespmem:$0x360] =	vst v6  }
0x4a: {  	[tilespmem:$0x2A0] =	vst v5;
	v5 =	vpop (erf)  }
0x4b: {  	[tilespmem:$0x370] =	vst v5;
	v5 =	vsel vm1, $0x3F800000, v1  }
0x4c: {  	[tilespmem:$0x3F0] =	vst v5;
	v5 =	vadd.s32 v0, v7  }
0x4d: {  	[tilespmem:$0x1B0] =	vst v5;
	v5 =	vadd.s32 v0, v61  }
0x4e: {  	s25 =	simm.s32 $0x300;
	s1 =	rddreg [dreg:$0x4];
	[tilespmem:$0x2B0] =	vst v5  }
0x4f: {  	[hbm4b:s1+s2] =	stream.linear.scatter [tilespmem:s25], [sflag:$0x3], $0x80, $0x38;
	[tilespmem:$0x18400] =	vst v63  }
0x50: {  	_ =	swait.ge [sflag:s12], $0x80  }
0x51: {  	[sflag:s12] =	ssyncset.done $0x0  }
0x52: {  	s28 =	simm.s32 $0x380;
	s26 =	rddreg [dreg:$0x5];
	[sflag:s12] =	ssyncadd.s32 $0xFFFFFF80  }
0x53: {  	[hbm4b:s26+s2] =	stream.linear.scatter [tilespmem:s28], [sflag:$0x3], $0x80, $0x38;
	[tilespmem:$0x18400] =	vst v63  }
0x54: {  	_ =	swait.ge [sflag:s12], $0x80  }
0x55: {  	[sflag:s12] =	ssyncset.done $0x0  }
0x56: {  	[sflag:s12] =	ssyncadd.s32 $0xFFFFFF80  }
0x57: {  	v5 =	vld [tilespmem:$0x100];
	_ =	sdelay $0x4  }
0x58: {  	v6 =	vshll.u32 v5, $0x2  }
0x59: {  	v5 =	vand.u32 $0x7, v5;
	v6 =	vand.u32 $0xFFFFFFE0, v6  }
0x5a: {  	v5 =	vor.u32 v5, v6  }
0x5b: {  	v6 =	vperm.xlane v5, v2;
	_ =	sdelay $0x1  }
0x5c: {  	v6 =	vadd.s32 v3, v6;
	_ =	sdelay $0x1  }
0x5d: {  	v5 =	vperm.xlane v5, v4;
	_ =	sdelay $0x1  }
0x5e: {  	s29 =	simm.s32 $0x400;
	v5 =	vadd.s32 v3, v5  }
0x5f: {  	[tilespmem:s29], [sflag:$0x1] =	stream.indirect_vreg.gather [hbm4b:s3+s2], $0x80, v6, vm0, $0xb8;
	[tilespmem:$0x18400] =	vst v63  }
0x60: {  	s30 =	simm.s32 $0xC00  }
0x61: {  	[tilespmem:s30], [sflag:$0x1] =	stream.indirect_vreg.gather [hbm4b:s8+s2], $0x80, v6, vm0, $0xb8;
	[tilespmem:$0x18400] =	vst v63  }
0x62: {  	s31 =	simm.s32 $0x1400  }
0x63: {  	[tilespmem:s31], [sflag:$0x1] =	stream.indirect_vreg.gather [hbm4b:s3+s2], $0x80, v5, vm0, $0xb8;
	[tilespmem:$0x18400] =	vst v63  }
0x64: {  	s1 =	simm.s32 $0x1C00  }
0x65: {  	[tilespmem:s1], [sflag:$0x1] =	stream.indirect_vreg.gather [hbm4b:s8+s2], $0x80, v5, vm0, $0xb8;
	[tilespmem:$0x18400] =	vst v63  }
0x66: {  	v5 =	vld [tilespmem:$0x110];
	_ =	sdelay $0x4  }
0x67: {  	v6 =	vshll.u32 v5, $0x2  }
0x68: {  	v5 =	vand.u32 $0x7, v5;
	v6 =	vand.u32 $0xFFFFFFE0, v6  }
0x69: {  	v5 =	vor.u32 v5, v6  }
0x6a: {  	v6 =	vperm.xlane v5, v2;
	_ =	sdelay $0x1  }
0x6b: {  	v6 =	vadd.s32 v3, v6;
	_ =	sdelay $0x1  }
0x6c: {  	v5 =	vperm.xlane v5, v4;
	_ =	sdelay $0x1  }
0x6d: {  	s25 =	simm.s32 $0x2400;
	v5 =	vadd.s32 v3, v5  }
0x6e: {  	[tilespmem:s25], [sflag:$0x1] =	stream.indirect_vreg.gather [hbm4b:s3+s2], $0x80, v6, vm0, $0xb8;
	[tilespmem:$0x18400] =	vst v63  }
0x6f: {  	s26 =	simm.s32 $0x2C00  }
0x70: {  	[tilespmem:s26], [sflag:$0x1] =	stream.indirect_vreg.gather [hbm4b:s8+s2], $0x80, v6, vm0, $0xb8;
	[tilespmem:$0x18400] =	vst v63  }
0x71: {  	s28 =	simm.s32 $0x3400  }
0x72: {  	[tilespmem:s28], [sflag:$0x1] =	stream.indirect_vreg.gather [hbm4b:s3+s2], $0x80, v5, vm0, $0xb8;
	[tilespmem:$0x18400] =	vst v63  }
0x73: {  	s29 =	simm.s32 $0x3C00  }
0x74: {  	[tilespmem:s29], [sflag:$0x1] =	stream.indirect_vreg.gather [hbm4b:s8+s2], $0x80, v5, vm0, $0xb8;
	[tilespmem:$0x18400] =	vst v63  }
0x75: {  	v5 =	vld [tilespmem:$0x120];
	_ =	sdelay $0x4  }
0x76: {  	v6 =	vshll.u32 v5, $0x2  }
0x77: {  	v5 =	vand.u32 $0x7, v5;
	v6 =	vand.u32 $0xFFFFFFE0, v6  }
0x78: {  	v5 =	vor.u32 v5, v6  }
0x79: {  	v6 =	vperm.xlane v5, v2;
	_ =	sdelay $0x1  }
0x7a: {  	v6 =	vadd.s32 v3, v6;
	_ =	sdelay $0x1  }
0x7b: {  	v5 =	vperm.xlane v5, v4;
	_ =	sdelay $0x1  }
0x7c: {  	s30 =	simm.s32 $0x4400;
	v5 =	vadd.s32 v3, v5  }
0x7d: {  	[tilespmem:s30], [sflag:$0x1] =	stream.indirect_vreg.gather [hbm4b:s3+s2], $0x80, v6, vm0, $0xb8;
	[tilespmem:$0x18400] =	vst v63  }
0x7e: {  	s31 =	simm.s32 $0x4C00  }
0x7f: {  	[tilespmem:s31], [sflag:$0x1] =	stream.indirect_vreg.gather [hbm4b:s8+s2], $0x80, v6, vm0, $0xb8;
	[tilespmem:$0x18400] =	vst v63  }
0x80: {  	s1 =	simm.s32 $0x5400  }
0x81: {  	[tilespmem:s1], [sflag:$0x1] =	stream.indirect_vreg.gather [hbm4b:s3+s2], $0x80, v5, vm0, $0xb8;
	[tilespmem:$0x18400] =	vst v63  }
0x82: {  	s25 =	simm.s32 $0x5C00  }
0x83: {  	[tilespmem:s25], [sflag:$0x1] =	stream.indirect_vreg.gather [hbm4b:s8+s2], $0x80, v5, vm0, $0xb8;
	[tilespmem:$0x18400] =	vst v63  }
0x84: {  	v5 =	vld [tilespmem:$0x130];
	_ =	sdelay $0x4  }
0x85: {  	v6 =	vshll.u32 v5, $0x2  }
0x86: {  	v5 =	vand.u32 $0x7, v5;
	v6 =	vand.u32 $0xFFFFFFE0, v6  }
0x87: {  	v5 =	vor.u32 v5, v6  }
0x88: {  	v6 =	vperm.xlane v5, v2;
	_ =	sdelay $0x1  }
0x89: {  	v6 =	vadd.s32 v3, v6;
	_ =	sdelay $0x1  }
0x8a: {  	v5 =	vperm.xlane v5, v4;
	_ =	sdelay $0x1  }
0x8b: {  	s26 =	simm.s32 $0x6400;
	v5 =	vadd.s32 v3, v5  }
0x8c: {  	[tilespmem:s26], [sflag:$0x1] =	stream.indirect_vreg.gather [hbm4b:s3+s2], $0x80, v6, vm0, $0xb8;
	[tilespmem:$0x18400] =	vst v63  }
0x8d: {  	s28 =	simm.s32 $0x6C00  }
0x8e: {  	[tilespmem:s28], [sflag:$0x1] =	stream.indirect_vreg.gather [hbm4b:s8+s2], $0x80, v6, vm0, $0xb8;
	[tilespmem:$0x18400] =	vst v63  }
0x8f: {  	s29 =	simm.s32 $0x7400  }
0x90: {  	[tilespmem:s29], [sflag:$0x1] =	stream.indirect_vreg.gather [hbm4b:s3+s2], $0x80, v5, vm0, $0xb8;
	[tilespmem:$0x18400] =	vst v63  }
0x91: {  	s30 =	simm.s32 $0x7C00  }
0x92: {  	[tilespmem:s30], [sflag:$0x1] =	stream.indirect_vreg.gather [hbm4b:s8+s2], $0x80, v5, vm0, $0xb8;
	[tilespmem:$0x18400] =	vst v63  }
0x93: {  	v5 =	vld [tilespmem:$0x200];
	_ =	sdelay $0x4  }
0x94: {  	v6 =	vshll.u32 v5, $0x2  }
0x95: {  	v5 =	vand.u32 $0x7, v5;
	v6 =	vand.u32 $0xFFFFFFE0, v6  }
0x96: {  	v5 =	vor.u32 v5, v6  }
0x97: {  	v6 =	vperm.xlane v5, v2;
	_ =	sdelay $0x1  }
0x98: {  	v6 =	vadd.s32 v3, v6;
	_ =	sdelay $0x1  }
0x99: {  	v5 =	vperm.xlane v5, v4;
	_ =	sdelay $0x1  }
0x9a: {  	s31 =	simm.s32 $0x8400;
	v5 =	vadd.s32 v3, v5  }
0x9b: {  	[tilespmem:s31], [sflag:$0x2] =	stream.indirect_vreg.gather [hbm4b:s3+s2], $0x80, v6, vm0, $0xb8;
	[tilespmem:$0x18400] =	vst v63  }
0x9c: {  	_ = 	snop  }
0x9d: {  	[tilespmem:s13], [sflag:$0x2] =	stream.indirect_vreg.gather [hbm4b:s8+s2], $0x80, v6, vm0, $0xb8;
	[tilespmem:$0x18400] =	vst v63  }
0x9e: {  	_ = 	snop  }
0x9f: {  	[tilespmem:s14], [sflag:$0x2] =	stream.indirect_vreg.gather [hbm4b:s3+s2], $0x80, v5, vm0, $0xb8;
	[tilespmem:$0x18400] =	vst v63  }
0xa0: {  	_ = 	snop  }
0xa1: {  	[tilespmem:s15], [sflag:$0x2] =	stream.indirect_vreg.gather [hbm4b:s8+s2], $0x80, v5, vm0, $0xb8;
	[tilespmem:$0x18400] =	vst v63  }
0xa2: {  	v5 =	vld [tilespmem:$0x210];
	_ =	sdelay $0x4  }
0xa3: {  	v6 =	vshll.u32 v5, $0x2  }
0xa4: {  	v5 =	vand.u32 $0x7, v5;
	v6 =	vand.u32 $0xFFFFFFE0, v6  }
0xa5: {  	v5 =	vor.u32 v5, v6  }
0xa6: {  	v6 =	vperm.xlane v5, v2;
	_ =	sdelay $0x1  }
0xa7: {  	v6 =	vadd.s32 v3, v6;
	_ =	sdelay $0x1  }
0xa8: {  	v5 =	vperm.xlane v5, v4;
	_ =	sdelay $0x1  }
0xa9: {  	v5 =	vadd.s32 v3, v5  }
0xaa: {  	[tilespmem:s4], [sflag:$0x2] =	stream.indirect_vreg.gather [hbm4b:s3+s2], $0x80, v6, vm0, $0xb8;
	[tilespmem:$0x18400] =	vst v63  }
0xab: {  	_ = 	snop  }
0xac: {  	[tilespmem:s5], [sflag:$0x2] =	stream.indirect_vreg.gather [hbm4b:s8+s2], $0x80, v6, vm0, $0xb8;
	[tilespmem:$0x18400] =	vst v63  }
0xad: {  	_ = 	snop  }
0xae: {  	[tilespmem:s6], [sflag:$0x2] =	stream.indirect_vreg.gather [hbm4b:s3+s2], $0x80, v5, vm0, $0xb8;
	[tilespmem:$0x18400] =	vst v63  }
0xaf: {  	_ = 	snop  }
0xb0: {  	[tilespmem:s7], [sflag:$0x2] =	stream.indirect_vreg.gather [hbm4b:s8+s2], $0x80, v5, vm0, $0xb8;
	[tilespmem:$0x18400] =	vst v63  }
0xb1: {  	v5 =	vld [tilespmem:$0x220];
	_ =	sdelay $0x4  }
0xb2: {  	v6 =	vshll.u32 v5, $0x2  }
0xb3: {  	v5 =	vand.u32 $0x7, v5;
	v6 =	vand.u32 $0xFFFFFFE0, v6  }
0xb4: {  	v5 =	vor.u32 v5, v6  }
0xb5: {  	v6 =	vperm.xlane v5, v2;
	_ =	sdelay $0x1  }
0xb6: {  	v6 =	vadd.s32 v3, v6;
	_ =	sdelay $0x1  }
0xb7: {  	v5 =	vperm.xlane v5, v4;
	_ =	sdelay $0x1  }
0xb8: {  	v5 =	vadd.s32 v3, v5  }
0xb9: {  	[tilespmem:s16], [sflag:$0x2] =	stream.indirect_vreg.gather [hbm4b:s3+s2], $0x80, v6, vm0, $0xb8;
	[tilespmem:$0x18400] =	vst v63  }
0xba: {  	_ = 	snop  }
0xbb: {  	[tilespmem:s17], [sflag:$0x2] =	stream.indirect_vreg.gather [hbm4b:s8+s2], $0x80, v6, vm0, $0xb8;
	[tilespmem:$0x18400] =	vst v63  }
0xbc: {  	_ = 	snop  }
0xbd: {  	[tilespmem:s9], [sflag:$0x2] =	stream.indirect_vreg.gather [hbm4b:s3+s2], $0x80, v5, vm0, $0xb8;
	[tilespmem:$0x18400] =	vst v63  }
0xbe: {  	_ = 	snop  }
0xbf: {  	[tilespmem:s18], [sflag:$0x2] =	stream.indirect_vreg.gather [hbm4b:s8+s2], $0x80, v5, vm0, $0xb8;
	[tilespmem:$0x18400] =	vst v63  }
0xc0: {  	v5 =	vld [tilespmem:$0x230];
	_ =	sdelay $0x4  }
0xc1: {  	v6 =	vshll.u32 v5, $0x2  }
0xc2: {  	v5 =	vand.u32 $0x7, v5;
	v6 =	vand.u32 $0xFFFFFFE0, v6  }
0xc3: {  	v5 =	vor.u32 v5, v6  }
0xc4: {  	v6 =	vperm.xlane v5, v2;
	_ =	sdelay $0x1  }
0xc5: {  	v6 =	vadd.s32 v3, v6;
	_ =	sdelay $0x1  }
0xc6: {  	v5 =	vperm.xlane v5, v4;
	_ =	sdelay $0x1  }
0xc7: {  	v5 =	vadd.s32 v3, v5  }
0xc8: {  	[tilespmem:s10], [sflag:$0x2] =	stream.indirect_vreg.gather [hbm4b:s3+s2], $0x80, v6, vm0, $0xb8;
	[tilespmem:$0x18400] =	vst v63  }
0xc9: {  	_ = 	snop  }
0xca: {  	[tilespmem:s19], [sflag:$0x2] =	stream.indirect_vreg.gather [hbm4b:s8+s2], $0x80, v6, vm0, $0xb8;
	[tilespmem:$0x18400] =	vst v63  }
0xcb: {  	_ = 	snop  }
0xcc: {  	[tilespmem:s11], [sflag:$0x2] =	stream.indirect_vreg.gather [hbm4b:s3+s2], $0x80, v5, vm0, $0xb8;
	[tilespmem:$0x18400] =	vst v63  }
0xcd: {  	_ = 	snop  }
0xce: {  	[tilespmem:s20], [sflag:$0x2] =	stream.indirect_vreg.gather [hbm4b:s8+s2], $0x80, v5, vm0, $0xb8;
	[tilespmem:$0x18400] =	vst v63  }
0xcf: {  	_ =	swait.ge [sflag:s21], $0x8000  }
0xd0: {  	[sflag:s21] =	ssyncset.done $0x0  }
0xd1: {  	[sflag:s21] =	ssyncadd.s32 $0xFFFF8000  }
0xd2: {  	_ =	swait.ge [sflag:s22], $0x8000  }
0xd3: {  	[sflag:s22] =	ssyncset.done $0x0  }
0xd4: {  	s25 =	simm.s32 $0x0;
	[sflag:s22] =	ssyncadd.s32 $0xFFFF8000  }
.LBB2_2:
0xd5: {  	s26 =	sshll.u32 s25, $0x9;
	s28 =	sshll.u32 s25, $0x7  }
0xd6: {  	s29 =	simm.s32 $0x0;
	s26 =	sand.u32 $0x7000, s26;
	s28 =	sand.u32 $0x380, s28  }
0xd7: {  	s26 =	sor.u32 s26, s28;
	s28 =	sand.u32 $0xC00, s29  }
0xd8: {  	s29 =	sand.u32 $0x70, s29;
	s28 =	sor.u32 s28, s26  }
0xd9: {  	s28 =	sor.u32 s29, s28  }
0xda: {  	v5 =	vld [tilespmem:s28+$0x8400]  }
0xdb: {  	v6 =	vld [tilespmem:s28+$0x400]  }
0xdc: {  	s30 =	simm.s32 $0x80;
	s29 =	simm.s32 $0x10  }
.LBB2_3:
0xdd: {  	s31 =	sand.u32 $0x70, s29;
	s0 =	sand.u32 $0xC00, s30;
	p0 =	sne.s32 s29, $0x1F0  }
.Ltmp0:
0xde: {  	s29 =	sadd.s32 $0x10, s29;
	s0 =	sor.u32 s0, s26;
	(pc) =	sbr.rel @p0 .LBB2_3-.Ltmp0, $4  }
0xdf: {  	s0 =	sor.u32 s31, s0  }
0xe0: {  	v7 =	vsub.f32 v5, v6;
	v5 =	vld [tilespmem:s0+$0x8400]  }
0xe1: {  	v6 =	vld [tilespmem:s0+$0x400]  }
0xe2: {  	s30 =	sadd.s32 $0x80, s30;
	[tilespmem:s28+$0x10400] =	vst v7;
	s28 =	smov.u32 s0  }
0xe3: {  	s25 =	sadd.s32 $0x1, s25  }
0xe4: {  	p0 =	sne.s32 s25, $0x40  }
.Ltmp1:
0xe5: {  	_ = 	snop;
	(pc) =	sbr.rel @p0 .LBB2_2-.Ltmp1, $3  }
0xe6: {  	_ = 	snop  }
0xe7: {  	v5 =	vsub.f32 v5, v6;
	_ =	sdelay $0x1  }
0xe8: {  	[tilespmem:s28+$0x10400] =	vst v5  }
0xe9: {  	s25 =	simm.s32 $0x0;
	s0 =	rddreg [dreg:$0x7]  }
0xea: {  	[hbm4b:s0+s25] =	stream.linear.scatter [tilespmem:s23], [sflag:$0x3], $0x8000, $0x38;
	[tilespmem:$0x18400] =	vst v63  }
0xeb: {  	_ =	swait.ge [sflag:s12], $0x8000  }
0xec: {  	[sflag:s12] =	ssyncset.done $0x0  }
0xed: {  	[sflag:s12] =	ssyncadd.s32 $0xFFFF8000  }
0xee: {  	v5 =	vld [tilespmem:$0x180];
	_ =	sdelay $0x4  }
0xef: {  	v6 =	vshll.u32 v5, $0x2  }
0xf0: {  	v5 =	vand.u32 $0x7, v5;
	v6 =	vand.u32 $0xFFFFFFE0, v6  }
0xf1: {  	v5 =	vor.u32 v5, v6  }
0xf2: {  	v6 =	vperm.xlane v5, v2;
	_ =	sdelay $0x1  }
0xf3: {  	v6 =	vadd.s32 v3, v6;
	_ =	sdelay $0x1  }
0xf4: {  	v5 =	vperm.xlane v5, v4;
	_ =	sdelay $0x1  }
0xf5: {  	s26 =	simm.s32 $0x400;
	v5 =	vadd.s32 v3, v5  }
0xf6: {  	[tilespmem:s26], [sflag:$0x1] =	stream.indirect_vreg.gather [hbm4b:s3+s25], $0x80, v6, vm0, $0xb8;
	[tilespmem:$0x18400] =	vst v63  }
0xf7: {  	s28 =	simm.s32 $0xC00  }
0xf8: {  	[tilespmem:s28], [sflag:$0x1] =	stream.indirect_vreg.gather [hbm4b:s8+s25], $0x80, v6, vm0, $0xb8;
	[tilespmem:$0x18400] =	vst v63  }
0xf9: {  	s29 =	simm.s32 $0x1400  }
0xfa: {  	[tilespmem:s29], [sflag:$0x1] =	stream.indirect_vreg.gather [hbm4b:s3+s25], $0x80, v5, vm0, $0xb8;
	[tilespmem:$0x18400] =	vst v63  }
0xfb: {  	s30 =	simm.s32 $0x1C00  }
0xfc: {  	[tilespmem:s30], [sflag:$0x1] =	stream.indirect_vreg.gather [hbm4b:s8+s25], $0x80, v5, vm0, $0xb8;
	[tilespmem:$0x18400] =	vst v63  }
0xfd: {  	v5 =	vld [tilespmem:$0x190];
	_ =	sdelay $0x4  }
0xfe: {  	v6 =	vshll.u32 v5, $0x2  }
0xff: {  	v5 =	vand.u32 $0x7, v5;
	v6 =	vand.u32 $0xFFFFFFE0, v6  }
0x100: {  	v5 =	vor.u32 v5, v6  }
0x101: {  	v6 =	vperm.xlane v5, v2;
	_ =	sdelay $0x1  }
0x102: {  	v6 =	vadd.s32 v3, v6;
	_ =	sdelay $0x1  }
0x103: {  	v5 =	vperm.xlane v5, v4;
	_ =	sdelay $0x1  }
0x104: {  	s31 =	simm.s32 $0x2400;
	v5 =	vadd.s32 v3, v5  }
0x105: {  	[tilespmem:s31], [sflag:$0x1] =	stream.indirect_vreg.gather [hbm4b:s3+s25], $0x80, v6, vm0, $0xb8;
	[tilespmem:$0x18400] =	vst v63  }
0x106: {  	s1 =	simm.s32 $0x2C00  }
0x107: {  	[tilespmem:s1], [sflag:$0x1] =	stream.indirect_vreg.gather [hbm4b:s8+s25], $0x80, v6, vm0, $0xb8;
	[tilespmem:$0x18400] =	vst v63  }
0x108: {  	s26 =	simm.s32 $0x3400  }
0x109: {  	[tilespmem:s26], [sflag:$0x1] =	stream.indirect_vreg.gather [hbm4b:s3+s25], $0x80, v5, vm0, $0xb8;
	[tilespmem:$0x18400] =	vst v63  }
0x10a: {  	s28 =	simm.s32 $0x3C00  }
0x10b: {  	[tilespmem:s28], [sflag:$0x1] =	stream.indirect_vreg.gather [hbm4b:s8+s25], $0x80, v5, vm0, $0xb8;
	[tilespmem:$0x18400] =	vst v63  }
0x10c: {  	v5 =	vld [tilespmem:$0x1A0];
	_ =	sdelay $0x4  }
0x10d: {  	v6 =	vshll.u32 v5, $0x2  }
0x10e: {  	v5 =	vand.u32 $0x7, v5;
	v6 =	vand.u32 $0xFFFFFFE0, v6  }
0x10f: {  	v5 =	vor.u32 v5, v6  }
0x110: {  	v6 =	vperm.xlane v5, v2;
	_ =	sdelay $0x1  }
0x111: {  	v6 =	vadd.s32 v3, v6;
	_ =	sdelay $0x1  }
0x112: {  	v5 =	vperm.xlane v5, v4;
	_ =	sdelay $0x1  }
0x113: {  	s29 =	simm.s32 $0x4400;
	v5 =	vadd.s32 v3, v5  }
0x114: {  	[tilespmem:s29], [sflag:$0x1] =	stream.indirect_vreg.gather [hbm4b:s3+s25], $0x80, v6, vm0, $0xb8;
	[tilespmem:$0x18400] =	vst v63  }
0x115: {  	s30 =	simm.s32 $0x4C00  }
0x116: {  	[tilespmem:s30], [sflag:$0x1] =	stream.indirect_vreg.gather [hbm4b:s8+s25], $0x80, v6, vm0, $0xb8;
	[tilespmem:$0x18400] =	vst v63  }
0x117: {  	s31 =	simm.s32 $0x5400  }
0x118: {  	[tilespmem:s31], [sflag:$0x1] =	stream.indirect_vreg.gather [hbm4b:s3+s25], $0x80, v5, vm0, $0xb8;
	[tilespmem:$0x18400] =	vst v63  }
0x119: {  	s1 =	simm.s32 $0x5C00  }
0x11a: {  	[tilespmem:s1], [sflag:$0x1] =	stream.indirect_vreg.gather [hbm4b:s8+s25], $0x80, v5, vm0, $0xb8;
	[tilespmem:$0x18400] =	vst v63  }
0x11b: {  	v5 =	vld [tilespmem:$0x1B0];
	_ =	sdelay $0x4  }
0x11c: {  	v6 =	vshll.u32 v5, $0x2  }
0x11d: {  	v5 =	vand.u32 $0x7, v5;
	v6 =	vand.u32 $0xFFFFFFE0, v6  }
0x11e: {  	v5 =	vor.u32 v5, v6  }
0x11f: {  	v6 =	vperm.xlane v5, v2;
	_ =	sdelay $0x1  }
0x120: {  	v6 =	vadd.s32 v3, v6;
	_ =	sdelay $0x1  }
0x121: {  	v5 =	vperm.xlane v5, v4;
	_ =	sdelay $0x1  }
0x122: {  	s26 =	simm.s32 $0x6400;
	v5 =	vadd.s32 v3, v5  }
0x123: {  	[tilespmem:s26], [sflag:$0x1] =	stream.indirect_vreg.gather [hbm4b:s3+s25], $0x80, v6, vm0, $0xb8;
	[tilespmem:$0x18400] =	vst v63  }
0x124: {  	s28 =	simm.s32 $0x6C00  }
0x125: {  	[tilespmem:s28], [sflag:$0x1] =	stream.indirect_vreg.gather [hbm4b:s8+s25], $0x80, v6, vm0, $0xb8;
	[tilespmem:$0x18400] =	vst v63  }
0x126: {  	s29 =	simm.s32 $0x7400  }
0x127: {  	[tilespmem:s29], [sflag:$0x1] =	stream.indirect_vreg.gather [hbm4b:s3+s25], $0x80, v5, vm0, $0xb8;
	[tilespmem:$0x18400] =	vst v63  }
0x128: {  	s30 =	simm.s32 $0x7C00  }
0x129: {  	[tilespmem:s30], [sflag:$0x1] =	stream.indirect_vreg.gather [hbm4b:s8+s25], $0x80, v5, vm0, $0xb8;
	[tilespmem:$0x18400] =	vst v63  }
0x12a: {  	v5 =	vld [tilespmem:$0x280];
	_ =	sdelay $0x4  }
0x12b: {  	v6 =	vshll.u32 v5, $0x2  }
0x12c: {  	v5 =	vand.u32 $0x7, v5;
	v6 =	vand.u32 $0xFFFFFFE0, v6  }
0x12d: {  	v5 =	vor.u32 v5, v6  }
0x12e: {  	v6 =	vperm.xlane v5, v2;
	_ =	sdelay $0x1  }
0x12f: {  	v6 =	vadd.s32 v3, v6;
	_ =	sdelay $0x1  }
0x130: {  	v5 =	vperm.xlane v5, v4;
	_ =	sdelay $0x1  }
0x131: {  	s31 =	simm.s32 $0x8400;
	v5 =	vadd.s32 v3, v5  }
0x132: {  	[tilespmem:s31], [sflag:$0x2] =	stream.indirect_vreg.gather [hbm4b:s3+s25], $0x80, v6, vm0, $0xb8;
	[tilespmem:$0x18400] =	vst v63  }
0x133: {  	_ = 	snop  }
0x134: {  	[tilespmem:s13], [sflag:$0x2] =	stream.indirect_vreg.gather [hbm4b:s8+s25], $0x80, v6, vm0, $0xb8;
	[tilespmem:$0x18400] =	vst v63  }
0x135: {  	_ = 	snop  }
0x136: {  	[tilespmem:s14], [sflag:$0x2] =	stream.indirect_vreg.gather [hbm4b:s3+s25], $0x80, v5, vm0, $0xb8;
	[tilespmem:$0x18400] =	vst v63  }
0x137: {  	_ = 	snop  }
0x138: {  	[tilespmem:s15], [sflag:$0x2] =	stream.indirect_vreg.gather [hbm4b:s8+s25], $0x80, v5, vm0, $0xb8;
	[tilespmem:$0x18400] =	vst v63  }
0x139: {  	v5 =	vld [tilespmem:$0x290];
	_ =	sdelay $0x4  }
0x13a: {  	v6 =	vshll.u32 v5, $0x2  }
0x13b: {  	v5 =	vand.u32 $0x7, v5;
	v6 =	vand.u32 $0xFFFFFFE0, v6  }
0x13c: {  	v5 =	vor.u32 v5, v6  }
0x13d: {  	v6 =	vperm.xlane v5, v2;
	_ =	sdelay $0x1  }
0x13e: {  	v6 =	vadd.s32 v3, v6;
	_ =	sdelay $0x1  }
0x13f: {  	v5 =	vperm.xlane v5, v4;
	_ =	sdelay $0x1  }
0x140: {  	v5 =	vadd.s32 v3, v5  }
0x141: {  	[tilespmem:s4], [sflag:$0x2] =	stream.indirect_vreg.gather [hbm4b:s3+s25], $0x80, v6, vm0, $0xb8;
	[tilespmem:$0x18400] =	vst v63  }
0x142: {  	_ = 	snop  }
0x143: {  	[tilespmem:s5], [sflag:$0x2] =	stream.indirect_vreg.gather [hbm4b:s8+s25], $0x80, v6, vm0, $0xb8;
	[tilespmem:$0x18400] =	vst v63  }
0x144: {  	_ = 	snop  }
0x145: {  	[tilespmem:s6], [sflag:$0x2] =	stream.indirect_vreg.gather [hbm4b:s3+s25], $0x80, v5, vm0, $0xb8;
	[tilespmem:$0x18400] =	vst v63  }
0x146: {  	_ = 	snop  }
0x147: {  	[tilespmem:s7], [sflag:$0x2] =	stream.indirect_vreg.gather [hbm4b:s8+s25], $0x80, v5, vm0, $0xb8;
	[tilespmem:$0x18400] =	vst v63  }
0x148: {  	v5 =	vld [tilespmem:$0x2A0];
	_ =	sdelay $0x4  }
0x149: {  	v6 =	vshll.u32 v5, $0x2  }
0x14a: {  	v5 =	vand.u32 $0x7, v5;
	v6 =	vand.u32 $0xFFFFFFE0, v6  }
0x14b: {  	v5 =	vor.u32 v5, v6  }
0x14c: {  	v6 =	vperm.xlane v5, v2;
	_ =	sdelay $0x1  }
0x14d: {  	v6 =	vadd.s32 v3, v6;
	_ =	sdelay $0x1  }
0x14e: {  	v5 =	vperm.xlane v5, v4;
	_ =	sdelay $0x1  }
0x14f: {  	v5 =	vadd.s32 v3, v5  }
0x150: {  	[tilespmem:s16], [sflag:$0x2] =	stream.indirect_vreg.gather [hbm4b:s3+s25], $0x80, v6, vm0, $0xb8;
	[tilespmem:$0x18400] =	vst v63  }
0x151: {  	_ = 	snop  }
0x152: {  	[tilespmem:s17], [sflag:$0x2] =	stream.indirect_vreg.gather [hbm4b:s8+s25], $0x80, v6, vm0, $0xb8;
	[tilespmem:$0x18400] =	vst v63  }
0x153: {  	_ = 	snop  }
0x154: {  	[tilespmem:s9], [sflag:$0x2] =	stream.indirect_vreg.gather [hbm4b:s3+s25], $0x80, v5, vm0, $0xb8;
	[tilespmem:$0x18400] =	vst v63  }
0x155: {  	_ = 	snop  }
0x156: {  	[tilespmem:s18], [sflag:$0x2] =	stream.indirect_vreg.gather [hbm4b:s8+s25], $0x80, v5, vm0, $0xb8;
	[tilespmem:$0x18400] =	vst v63  }
0x157: {  	v5 =	vld [tilespmem:$0x2B0];
	_ =	sdelay $0x4  }
0x158: {  	v6 =	vshll.u32 v5, $0x2  }
0x159: {  	v5 =	vand.u32 $0x7, v5;
	v6 =	vand.u32 $0xFFFFFFE0, v6  }
0x15a: {  	v5 =	vor.u32 v5, v6  }
0x15b: {  	v6 =	vperm.xlane v5, v2;
	_ =	sdelay $0x1  }
0x15c: {  	v6 =	vadd.s32 v3, v6;
	_ =	sdelay $0x1  }
0x15d: {  	v5 =	vperm.xlane v5, v4;
	_ =	sdelay $0x1  }
0x15e: {  	v5 =	vadd.s32 v3, v5  }
0x15f: {  	[tilespmem:s10], [sflag:$0x2] =	stream.indirect_vreg.gather [hbm4b:s3+s25], $0x80, v6, vm0, $0xb8;
	[tilespmem:$0x18400] =	vst v63  }
0x160: {  	_ = 	snop  }
0x161: {  	[tilespmem:s19], [sflag:$0x2] =	stream.indirect_vreg.gather [hbm4b:s8+s25], $0x80, v6, vm0, $0xb8;
	[tilespmem:$0x18400] =	vst v63  }
0x162: {  	_ = 	snop  }
0x163: {  	[tilespmem:s11], [sflag:$0x2] =	stream.indirect_vreg.gather [hbm4b:s3+s25], $0x80, v5, vm0, $0xb8;
	[tilespmem:$0x18400] =	vst v63  }
0x164: {  	_ = 	snop  }
0x165: {  	[tilespmem:s20], [sflag:$0x2] =	stream.indirect_vreg.gather [hbm4b:s8+s25], $0x80, v5, vm0, $0xb8;
	[tilespmem:$0x18400] =	vst v63  }
0x166: {  	_ =	swait.ge [sflag:s21], $0x8000  }
0x167: {  	[sflag:s21] =	ssyncset.done $0x0  }
0x168: {  	[sflag:s21] =	ssyncadd.s32 $0xFFFF8000  }
0x169: {  	_ =	swait.ge [sflag:s22], $0x8000  }
0x16a: {  	[sflag:s22] =	ssyncset.done $0x0  }
0x16b: {  	s26 =	simm.s32 $0x0;
	[sflag:s22] =	ssyncadd.s32 $0xFFFF8000  }
.LBB2_6:
0x16c: {  	s0 =	sshll.u32 s26, $0x9;
	s28 =	sshll.u32 s26, $0x7  }
0x16d: {  	s0 =	sand.u32 $0x7000, s0;
	s28 =	sand.u32 $0x380, s28  }
0x16e: {  	s1 =	sand.u32 $0xC00, s25;
	s28 =	sor.u32 s0, s28  }
0x16f: {  	s29 =	sand.u32 $0x70, s25;
	s0 =	sor.u32 s1, s28  }
0x170: {  	s29 =	sor.u32 s29, s0  }
0x171: {  	v5 =	vld [tilespmem:s29+$0x8400]  }
0x172: {  	v6 =	vld [tilespmem:s29+$0x400]  }
0x173: {  	s30 =	simm.s32 $0x10;
	s31 =	simm.s32 $0x80  }
.LBB2_7:
0x174: {  	s0 =	sand.u32 $0x70, s30;
	s1 =	sand.u32 $0xC00, s31;
	p0 =	sne.s32 s30, $0x1F0  }
.Ltmp2:
0x175: {  	s30 =	sadd.s32 $0x10, s30;
	s1 =	sor.u32 s1, s28;
	(pc) =	sbr.rel @p0 .LBB2_7-.Ltmp2, $4  }
0x176: {  	s0 =	sor.u32 s0, s1  }
0x177: {  	v7 =	vsub.f32 v5, v6;
	v5 =	vld [tilespmem:s0+$0x8400]  }
0x178: {  	v6 =	vld [tilespmem:s0+$0x400]  }
0x179: {  	s31 =	sadd.s32 $0x80, s31;
	[tilespmem:s29+$0x10400] =	vst v7;
	s29 =	smov.u32 s0  }
0x17a: {  	s26 =	sadd.s32 $0x1, s26  }
0x17b: {  	p0 =	sne.s32 s26, $0x40  }
.Ltmp3:
0x17c: {  	_ = 	snop;
	(pc) =	sbr.rel @p0 .LBB2_6-.Ltmp3, $3  }
0x17d: {  	_ = 	snop  }
0x17e: {  	v5 =	vsub.f32 v5, v6;
	_ =	sdelay $0x1  }
0x17f: {  	[tilespmem:s29+$0x10400] =	vst v5  }
0x180: {  	s0 =	rddreg [dreg:$0x8]  }
0x181: {  	[hbm4b:s0+s2] =	stream.linear.scatter [tilespmem:s23], [sflag:$0x3], $0x8000, $0x38;
	[tilespmem:$0x18400] =	vst v63  }
0x182: {  	_ =	swait.ge [sflag:s12], $0x8000  }
0x183: {  	s24 =	sadd.s32 $0x1, s24;
	s31 =	rddreg [dreg:$0x9]  }
0x184: {  	p0 =	sne.s32 s24, s31  }
.Ltmp4:
0x185: {  	_ = 	snop;
	(pc) =	sbr.rel @p0 .LBB2_1-.Ltmp4, $3  }
0x186: {  	_ =	sdelay $0x1  }
0x187: {  	[sflag:s12] =	ssyncset.done $0x0  }
0x188: {  	[sflag:s12] =	ssyncadd.s32 $0xFFFF8000  }
0x189: {  	_ =	sfence.sel $0x180000  }
0x18a: {  	[bflag:$0x0] =	sbarrier.arrive $0xFFFF  }
0x18b: {  	_ =	strace $0x90000047  }
0x18c: {  	s0 =	stileid.u32;
	[bflag:$0x2] =	sbarrier.arrive $0xFFFF  }
0x18d: {  	p0 =	sne.s32 s0, $0x0;
	s0 =	rddreg [dreg:$0x2]  }
0x18e: {  	s0 =	sadd.s32 @!p0 $0x100000, s0  }
0x18f: {  	[sflag:s0] =	ssyncadd.tile.s32 @!p0 $0x1;
	_ =	shalt  }
.Lfunc_end2:
_tile_overlayer_lowered:
.L_overlay_start_2:
0x190: {  	(tag) =	ssettag $0x2  }
0x191: {  	s0 =	rddreg [dreg:$0x0];
	s2 =	stileid.u32  }
0x192: {  	s1 =	rddreg [dreg:$0x1];
	p0 =	sne.s32 s2, $0x0  }
0x193: {  	s3 =	rddreg [dreg:$0x2];
	[bflag:$0x3] =	sbarrier.arrive $0xFFFF;
	s2 =	simm.s32 @!p0 $0x1C03  }
0x194: {  	[timem:s3], [sflag:s2] =	dma.local @!p0 [hbm:s0], s1  }
0x195: {  	s0 =	simm.s32 @!p0 $0x3  }
0x196: {  	_ =	swait.ge @!p0 [sflag:s0], s1  }
0x197: {  	s1 =	ssub.s32 @!p0 $0x0, s1;
	[sflag:s0] =	ssyncset.done @!p0 $0x0  }
0x198: {  	[sflag:s0] =	ssyncadd.s32 @!p0 s1  }
0x199: {  	[bflag:$0x3] =	sbarrier.arrive $0xFFFF  }
0x19a: {  	_ =	shalt  }

// kernel: kernel.8.cloned.1.call-start
scs
__scs_entry_jumppad:
0x0: {  	(pc) =	sbr.rel $0x88, $3  }
0x1: {  	(tag) =	ssettag $0x0;
	lr =	simm.s32 $0x1  }
0x2: {  	[smem:$0x3F9B] =	sst lr;
	_ =	strace $0xD0000000  }
0x3: {  	_ = 	snop  }
0x4: {  	_ = 	snop  }
0x5: {  	_ = 	snop  }
0x6: {  	_ = 	snop  }
0x7: {  	_ = 	snop  }
__scs_overlays_trampoline_lowered:
0x8: {  	[smem:$0x3FAA] =	sst s0  }
0x9: {  	[smem:$0x3FAB] =	sst s1  }
0xa: {  	[smem:$0x3FAC] =	sst s2  }
0xb: {  	[smem:$0x3FAD] =	sst s3  }
0xc: {  	[smem:$0x3FAE] =	sst s4  }
0xd: {  	[smem:$0x3FAF] =	sst s5  }
0xe: {  	[smem:$0x3FB0] =	sst s6  }
0xf: {  	[smem:$0x3FB1] =	sst s7  }
0x10: {  	[smem:$0x3FB2] =	sst s8  }
0x11: {  	[smem:$0x3FB3] =	sst s9;
	s0 =	simm.s32 @!p0 $0x0  }
0x12: {  	s1 =	sld [smem:$0x3F99];
	s0 =	simm.s32 @p0 $0x1  }
0x13: {  	[smem:$0x3FB4] =	sst s0;
	s0 =	simm.s32 @!p1 $0x0  }
0x14: {  	s2 =	sld [smem:$0x3F98];
	s0 =	simm.s32 @p1 $0x1  }
0x15: {  	[smem:$0x3FB5] =	sst s0;
	s0 =	simm.s32 @!p2 $0x0  }
0x16: {  	s3 =	sld [smem:$0x3FDB];
	s0 =	simm.s32 @p2 $0x1  }
0x17: {  	s4 =	simm.s32 $0x1BF5;
	[smem:$0x3FB7] =	sst s0  }
0x18: {  	s0 =	sld [smem:$0x3F9A];
	_ =	swait.ge [sflag:s4], $0x0  }
0x19: {  	s7 =	sld [smem:$0x3F9B]  }
0x1a: {  	s8 =	sadd.s32 $0xFFFFE003, lr  }
0x1b: {  	s9 =	sadd.s32 $0xFFFFFEF7, lr;
	s5 =	simm.s32 $0xFFFFFFFF;
	p2 =	slt.u32 s8, $0xFFFFF086  }
0x1c: {  	p1 =	slt.u32 s9, $0xF7A;
	s5 =	simm.s32 @!p2 $0x0  }
0x1d: {  	s5 =	simm.s32 @p1 $0x1;
	p0 =	seq.s32 s7, s2  }
0x1e: {  	s7 =	smul.u32 @!p0 $0xF7A, s2;
	p2 =	seq.s32 @!p0 s5, $0x0  }
0x1f: {  	s9 =	smul.u32 $0xF7A, s1;
	s8 =	simm.s32 @!p0 $0x1BF5;
	p2 =	por !p2, p0  }
0x20: {  	[sflag:s8] =	ssyncset.s32 @!p0 $0xFFFFF086;
	s6 =	sadd.s32 @!p0 s3, s7;
	s7 =	simm.s32 @!p0 $0x108  }
0x21: {  	s3 =	sadd.s32 s3, s9;
	s6 =	sadd.s32 @!p0 $0x88, s6;
	s7 =	simm.s32 @p2 $0x1082  }
0x22: {  	[simem:s7], [sflag:s8] =	dma.local @!p0 [hbm:s6], $0xF7A  }
0x23: {  	s9 =	sor.u32 $0xD0000000, s2;
	s6 =	simm.s32 $0x108;
	_ =	swait.ge @!p0 [sflag:s8], $0x0  }
0x24: {  	s3 =	sadd.s32 $0x88, s3;
	s6 =	simm.s32 @!p1 $0x1082;
	[sflag:s4] =	ssyncset.s32 $0xFFFFF086  }
0x25: {  	[simem:s6], [sflag:s4] =	dma.local [hbm:s3], $0xF7A  }
0x26: {  	[smem:$0x3F9B] =	sst s1;
	(tag) =	ssettag s2;
	_ =	strace s9  }
0x27: {  	s1 =	sld [smem:$0x3FAB]  }
0x28: {  	s2 =	sld [smem:$0x3FAC]  }
0x29: {  	s4 =	sld [smem:$0x3FAE]  }
0x2a: {  	p0 =	seq.s32 s5, $0x0;
	s5 =	sld [smem:$0x3FAF]  }
0x2b: {  	s6 =	sld [smem:$0x3FB0]  }
0x2c: {  	s7 =	sld [smem:$0x3FB1]  }
0x2d: {  	s3 =	simm.s32 $0x108;
	s8 =	sld [smem:$0x3FB2]  }
0x2e: {  	s3 =	simm.s32 @!p0 $0x1082;
	s9 =	sld [smem:$0x3FB3]  }
0x2f: {  	lr =	sadd.s32 s0, s3;
	s0 =	sld [smem:$0x3FAA]  }
0x30: {  	s3 =	sld [smem:$0x3FAD]  }
0x31: {  	[smem:$0x3FB6] =	sst s10  }
0x32: {  	s10 =	sld [smem:$0x3FB4];
	_ =	sdelay $0x3  }
0x33: {  	p0 =	seq.s32 s10, $0x1;
	s10 =	sld [smem:$0x3FB6];
	_ =	sdelay $0x3  }
0x34: {  	[smem:$0x3FB6] =	sst s10  }
0x35: {  	s10 =	sld [smem:$0x3FB5];
	_ =	sdelay $0x3  }
0x36: {  	p1 =	seq.s32 s10, $0x1;
	s10 =	sld [smem:$0x3FB6];
	_ =	sdelay $0x3  }
0x37: {  	[smem:$0x3FB6] =	sst s10  }
0x38: {  	s10 =	sld [smem:$0x3FB7]  }
0x39: {  	_ = 	snop;
	(pc) =	sbr.ind lr, $3  }
0x3a: {  	_ = 	snop  }
0x3b: {  	_ = 	snop  }
0x3c: {  	p2 =	seq.s32 s10, $0x1;
	s10 =	sld [smem:$0x3FB6]  }
0x3d: {  	_ =	shalt  }
0x3e: {  	_ =	shalt  }
0x3f: {  	_ =	shalt  }
0x40: {  	_ =	shalt  }
0x41: {  	_ =	shalt  }
0x42: {  	_ =	shalt  }
0x43: {  	_ =	shalt  }
0x44: {  	_ =	shalt  }
0x45: {  	_ =	shalt  }
0x46: {  	_ =	shalt  }
0x47: {  	_ =	shalt  }
0x48: {  	_ =	shalt  }
0x49: {  	_ =	shalt  }
0x4a: {  	_ =	shalt  }
0x4b: {  	_ =	shalt  }
0x4c: {  	_ =	shalt  }
0x4d: {  	_ =	shalt  }
0x4e: {  	_ =	shalt  }
0x4f: {  	_ =	shalt  }
0x50: {  	_ =	shalt  }
0x51: {  	_ =	shalt  }
0x52: {  	_ =	shalt  }
0x53: {  	_ =	shalt  }
0x54: {  	_ =	shalt  }
0x55: {  	_ =	shalt  }
0x56: {  	_ =	shalt  }
0x57: {  	_ =	shalt  }
0x58: {  	_ =	shalt  }
0x59: {  	_ =	shalt  }
0x5a: {  	_ =	shalt  }
0x5b: {  	_ =	shalt  }
0x5c: {  	_ =	shalt  }
0x5d: {  	_ =	shalt  }
0x5e: {  	_ =	shalt  }
0x5f: {  	_ =	shalt  }
0x60: {  	_ =	shalt  }
0x61: {  	_ =	shalt  }
0x62: {  	_ =	shalt  }
0x63: {  	_ =	shalt  }
0x64: {  	_ =	shalt  }
0x65: {  	_ =	shalt  }
0x66: {  	_ =	shalt  }
0x67: {  	_ =	shalt  }
0x68: {  	_ =	shalt  }
0x69: {  	_ =	shalt  }
0x6a: {  	_ =	shalt  }
0x6b: {  	_ =	shalt  }
0x6c: {  	_ =	shalt  }
0x6d: {  	_ =	shalt  }
0x6e: {  	_ =	shalt  }
0x6f: {  	_ =	shalt  }
0x70: {  	_ =	shalt  }
0x71: {  	_ =	shalt  }
0x72: {  	_ =	shalt  }
0x73: {  	_ =	shalt  }
0x74: {  	_ =	shalt  }
0x75: {  	_ =	shalt  }
0x76: {  	_ =	shalt  }
0x77: {  	_ =	shalt  }
0x78: {  	_ =	shalt  }
0x79: {  	_ =	shalt  }
0x7a: {  	_ =	shalt  }
0x7b: {  	_ =	shalt  }
0x7c: {  	_ =	shalt  }
0x7d: {  	_ =	shalt  }
0x7e: {  	_ =	shalt  }
0x7f: {  	_ =	shalt  }
0x80: {  	_ =	shalt  }
0x81: {  	_ =	shalt  }
0x82: {  	_ =	shalt  }
0x83: {  	_ =	shalt  }
0x84: {  	_ =	shalt  }
0x85: {  	_ =	shalt  }
0x86: {  	_ =	shalt  }
0x87: {  	_ =	shalt  }
.Lfunc_end0:
.L_simem_size_0:
called_computation_lowered:
.L_overlay_start_0:
0x88: {  	s2 =	sld [smem:$0x3FD9]  }
0x89: {  	s3 =	sld [smem:$0x3FFE];
	_ =	sdelay $0x1  }
0x8a: {  	s1 =	srdreg.scid  }
0x8b: {  	s0 =	sand.u32 $0x1, s1  }
0x8c: {  	s15 =	sshll.u32 s0, $0xA;
	s2 =	sadd.s32 s3, s2  }
0x8d: {  	s2 =	sadd.s32 s2, s15  }
0x8e: {  	[smem:$0x3FC2] =	sst s2  }
0x8f: {  	_ = 	snop  }
0x90: {  	s2 =	sld [smem:$0x3FD0];
	_ =	sdelay $0x2  }
0x91: {  	s16 =	simm.s32 $0xB;
	s4 =	simm.s32 $0x10  }
0x92: {  	[smem:s4], [sflag:s16] =	dma.local [hbm:s2], $0x1  }
0x93: {  	_ =	swait.eq [sflag:s16], $0x1  }
0x94: {  	[sflag:s16] =	ssyncset.done $0x0  }
0x95: {  	[sflag:s16] =	ssyncadd.s32 $0xFFFFFFFF  }
0x96: {  	s17 =	sld [smem:$0x11];
	(tm) =	ssettm $0x1  }
0x97: {  	s18 =	sld [smem:$0x3FFB];
	_ =	sdelay $0x3  }
0x98: {  	_ =	strace s18  }
0x99: {  	s2 =	sld [smem:$0x3FFC];
	_ =	sdelay $0x3  }
0x9a: {  	_ =	strace s2  }
0x9b: {  	s2 =	sld [smem:$0x3FFD];
	_ =	sdelay $0x3  }
0x9c: {  	_ =	strace s2  }
0x9d: {  	_ =	strace $0x8FFFFFFF  }
0x9e: {  	s19 =	sld [smem:$0x3FDB];
	_ =	sdelay $0x1  }
0x9f: {  	s20 =	simm.s32 $_scs_section_size  }
0xa0: {  	s5 =	simm.s32 $_size__tile_overlayer_lowered;
	s6 =	simm.s32 $_tile_overlayer_lowered  }
0xa1: {  	s7 =	simm.s32 $0x1BFF;
	s21 =	sshll.u32 s6, $0x1;
	s4 =	sadd.s32 s20, s19  }
0xa2: {  	s22 =	simm.s32 $0x0;
	s5 =	sshll.u32 s5, $0x1;
	s6 =	sadd.s32 s21, s4  }
0xa3: {  	[timem:s22], [sflag:s7] =	dma.local [hbm:s6], s5  }
0xa4: {  	_ =	swait.ge [sflag:s7], s5  }
0xa5: {  	s5 =	ssub.s32 $0x0, s5;
	[sflag:s7] =	ssyncset.done $0x0  }
0xa6: {  	[sflag:s7] =	ssyncadd.s32 s5;
	_ =	sdelay $0x1  }
0xa7: {  	s23 =	simm.s32 $0x1B8B  }
0xa8: {  	_ =	swait.ge [sflag:s23], $0x1  }
0xa9: {  	[sflag:s23] =	ssyncset.done $0x0  }
0xaa: {  	[sflag:s23] =	ssyncadd.s32 $0xFFFFFFFF  }
0xab: {  	s5 =	sld [smem:$0x0]  }
0xac: {  	s6 =	sand.u32 $0xFFFFFFFE, s1  }
0xad: {  	p0 =	sne.s32 s1, s6  }
0xae: {  	s6 =	sshll.u32 @p0 s6, $0xE  }
0xaf: {  	s6 =	sadd.s32 @p0 $0x11B8D, s6;
	s7 =	sshll.u32 @p0 s5, $0x11  }
0xb0: {  	s6 =	sor.u32 @p0 s7, s6  }
0xb1: {  	[sflag:s6] =	ssyncadd.remote.s32 @p0 $0x1;
	_ =	sdelay $0x1  }
0xb2: {  	s6 =	simm.s32 @p0 $0x1B8D  }
0xb3: {  	_ =	swait.eq @p0 [sflag:s6], $0x1  }
0xb4: {  	[sflag:s6] =	ssyncadd.s32 @p0 $0xFFFFFFFF  }
0xb5: {  	s7 =	sshll.u32 @!p0 s1, $0xE  }
0xb6: {  	s7 =	sor.u32 @!p0 $0x4000, s7;
	s6 =	simm.s32 @!p0 $0x1B8D  }
0xb7: {  	s5 =	sshll.u32 @!p0 s5, $0x11;
	s7 =	sadd.s32 @!p0 $0x11B8D, s7;
	_ =	swait.eq @!p0 [sflag:s6], $0x1  }
0xb8: {  	s5 =	sor.u32 @!p0 s5, s7;
	[sflag:s6] =	ssyncadd.s32 @!p0 $0xFFFFFFFF  }
0xb9: {  	s25 =	simm.s32 $0x1B8E;
	s24 =	sld [smem:$0x3FFE];
	[sflag:s5] =	ssyncadd.remote.s32 @!p0 $0x1  }
0xba: {  	s26 =	simm.s32 $execute0_lowered;
	[smem:$0x3FD2] =	sst s25  }
0xbb: {  	s6 =	sshll.u32 s26, $0x1;
	_ =	strace $0x80000049;
	[dreg:$0x1] =	wrdreg $0xFFFFFFFF  }
0xbc: {  	s28 =	simm.s32 $_size_execute0_lowered;
	s4 =	sadd.s32 s4, s6;
	[dreg:$0x0] =	wrdreg $0x0  }
0xbd: {  	s6 =	sshll.u32 s28, $0x1;
	[dreg:$0x2] =	wrdreg s4  }
0xbe: {  	[dreg:$0x3] =	wrdreg s6  }
0xbf: {  	[dreg:$0x4] =	wrdreg $0xC0  }
0xc0: {  	_ =	task [dreg:s22], $0x5FFFF  }
0xc1: {  	[dreg:$0x1] =	wrdreg $0xFFFFFFFF  }
0xc2: {  	[dreg:$0x0] =	wrdreg $0x60  }
0xc3: {  	[dreg:$0x2] =	wrdreg s24  }
0xc4: {  	[dreg:$0x3] =	wrdreg s17  }
0xc5: {  	[dreg:$0x4] =	wrdreg $0x9  }
0xc6: {  	_ =	task.clear_ibuf [dreg:s22], $0x5FFFF;
	_ =	strace $0x90000049  }
0xc7: {  	s29 =	simm.s32 $0x9;
	_ =	strace $0x8000004B  }
0xc8: {  	_ =	swait.ge [sflag:s29], $0x1  }
0xc9: {  	[sflag:s29] =	ssyncadd.s32 $0xFFFFFFFF  }
0xca: {  	_ =	strace $0x9000004B  }
0xcb: {  	_ =	sfence  }
0xcc: {  	s30 =	sld [smem:$0x0];
	_ =	sdelay $0x2  }
0xcd: {  	s31 =	sshll.u32 s1, $0xD;
	s1 =	sshrl.u32 s1, $0x2  }
0xce: {  	s4 =	sand.u32 $0x4000, s31;
	s1 =	sadd.s32 s1, s30  }
0xcf: {  	s0 =	sor.u32 s4, s0;
	s1 =	sshll.u32 s1, $0x11  }
0xd0: {  	s0 =	sor.u32 s1, s0  }
0xd1: {  	s0 =	sadd.s32 $0x8F2B, s0  }
0xd2: {  	[sflag:s0] =	ssyncadd.remote.s32 $0x1  }
0xd3: {  	_ =	sfence.sel $0xFFFF  }
0xd4: {  	[dreg:$0x0] =	wrdreg $0xFFFFFFFF;
	(pc) =	sbr.abs _section_cstart, $3  }
0xd5: {  	[dreg:$0x1] =	wrdreg $0xFFFFFFFF  }
0xd6: {  	_ =	task.clear_ibuf [dreg:s22], $0x2FFFF;
	_ =	strace $0x9FFFFFFF  }
0xd7: {  	(tm) =	ssettm $0x7FFFFFFF  }
tec
execute0_lowered:
.L_overlay_start_1:
0x0: {  	(tag) =	ssettag $0x1  }
0x1: {  	s0 =	rddreg [dreg:$0x0]  }
0x2: {  	s1 =	rddreg [dreg:$0x1]  }
0x3: {  	s2 =	srdreg.scid;
	s8 =	stileid.u32;
	s12 =	simm.s32 $0x3  }
0x4: {  	s13 =	simm.s32 $0x8C00;
	s14 =	simm.s32 $0x9400;
	s15 =	simm.s32 $0x9C00  }
0x5: {  	s16 =	simm.s32 $0xC400;
	s17 =	simm.s32 $0xCC00;
	s18 =	simm.s32 $0xDC00  }
0x6: {  	s19 =	simm.s32 $0xEC00;
	s11 =	simm.s32 $0xF400;
	s20 =	simm.s32 $0xFC00  }
0x7: {  	s21 =	simm.s32 $0x1;
	s22 =	simm.s32 $0x2;
	s23 =	simm.s32 $0x10400  }
0x8: {  	s24 =	simm.s32 $0x0;
	s4 =	sand.u32 $0x1, s2;
	s2 =	simm.s32 $0x0  }
0x9: {  	s3 =	sshll.u32 s8, $0x8;
	s8 =	sshll.u32 s8, $0xB;
	s5 =	sshll.u32 s4, $0x7  }
0xa: {  	[smem:$0x7FF] =	sst s2;
	s4 =	ssub.s32 $0x2, s4;
	s10 =	sand.u32 $0x7000, s8  }
0xb: {  	s8 =	sadd.s32 $0x242700, s0;
	s5 =	sor.u32 s5, s3;
	_ =	strace $0x8000004A  }
0xc: {  	s9 =	sshrl.u32 s4, $0x1;
	s6 =	sshll.u32 s5, $0x6;
	s5 =	sshrl.u32 s5, $0x3  }
0xd: {  	s3 =	sadd.s32 $0x242600, s0;
	s4 =	ssub.s32 s4, s9;
	s1 =	sadd.s32 s1, s5  }
0xe: {  	s7 =	sadd.s32 s5, s0;
	s31 =	smax.u32 s4, $0x1;
	[dreg:$0x6] =	wrdreg s1  }
0xf: {  	v0 =	vmov s10;
	s10 =	simm.s32 $0xE400;
	s26 =	sadd.s32 $0x2000, s7;
	[dreg:$0x9] =	wrdreg s31  }
0x10: {  	s9 =	simm.s32 $0xD400;
	s28 =	sadd.s32 $0x442800, s7;
	[dreg:$0x3] =	wrdreg s26  }
0x11: {  	s6 =	sadd.s32 s6, s0;
	s7 =	sadd.s32 $0x442600, s7;
	[dreg:$0x4] =	wrdreg s28  }
0x12: {  	v4 =	vlaneseq.u32;
	s4 =	simm.s32 $0xA400;
	s29 =	sadd.s32 $0x442A00, s6;
	[dreg:$0x5] =	wrdreg s7  }
0x13: {  	v1 =	vimm.f32 $0.0e+00;
	vm0 =	vmmov $0xffff;
	v3 =	vshrl.u32 v4, $0x3;
	s5 =	simm.s32 $0xAC00;
	s30 =	sadd.s32 $0x443A00, s6;
	[dreg:$0x7] =	wrdreg s29  }
0x14: {  	v2 =	vand.u32 $0x7, v4;
	v4 =	vor.u32 $0x8, v4;
	v3 =	vmul.u32 $0x8, v3;
	s6 =	simm.s32 $0xB400;
	[dreg:$0x8] =	wrdreg s30;
	s7 =	simm.s32 $0xBC00  }
.LBB2_1:
0x15: {  	s0 =	rddreg [dreg:$0x3]  }
0x16: {  	[tilespmem:s2], [sflag:$0x3] =	stream.linear.gather [hbm4b:s0+s2], $0x80, $0x38;
	[tilespmem:$0x18400] =	vst v63  }
0x17: {  	_ =	swait.ge [sflag:s12], $0x80  }
0x18: {  	[sflag:s12] =	ssyncset.done $0x0  }
0x19: {  	s1 =	simm.s32 $0x80;
	s31 =	rddreg [dreg:$0x6];
	[sflag:s12] =	ssyncadd.s32 $0xFFFFFF80  }
0x1a: {  	[tilespmem:s1], [sflag:$0x3] =	stream.linear.gather [hbm4b:s31+s2], $0x80, $0x38;
	[tilespmem:$0x18400] =	vst v63  }
0x1b: {  	_ =	swait.ge [sflag:s12], $0x80  }
0x1c: {  	[sflag:s12] =	ssyncset.done $0x0  }
0x1d: {  	[sflag:s12] =	ssyncadd.s32 $0xFFFFFF80  }
0x1e: {  	v5 =	vld [tilespmem:$0x0]  }
0x1f: {  	v6 =	vld [tilespmem:$0x80];
	_ =	sdelay $0x1  }
0x20: {  	v7 =	vld [tilespmem:$0x10]  }
0x21: {  	v8 =	vld [tilespmem:$0x90];
	_ =	sdelay $0x1  }
0x22: {  	vm2 =	vgt.s32 v6, v5;
	v9 =	vsub.s32 v6, v5  }
0x23: {  	v9 =	vnsel vm2, $0x1, v9  }
0x24: {  	v10 =	vld [tilespmem:$0x20];
	v9 =	vcvt.s32.f32 v9  }
0x25: {  	v11 =	vld [tilespmem:$0xA0];
	vm3 =	vgt.s32 v8, v7;
	v53 =	vsub.s32 v8, v7  }
0x26: {  	(erf) = vrcp.f32 v9;
	v9 =	vnsel vm3, $0x1, v53  }
0x27: {  	v9 =	vcvt.s32.f32 v9;
	_ =	sdelay $0x1  }
0x28: {  	v12 =	vld [tilespmem:$0x30];
	(erf) = vrcp.f32 v9  }
0x29: {  	v13 =	vld [tilespmem:$0xB0];
	vm4 =	vgt.s32 v11, v10;
	v54 =	vsub.s32 v11, v10  }
0x2a: {  	v14 =	vld [tilespmem:$0x40];
	v9 =	vnsel vm4, $0x1, v54  }
0x2b: {  	v15 =	vld [tilespmem:$0xC0];
	v9 =	vcvt.s32.f32 v9;
	_ =	sdelay $0x1  }
0x2c: {  	(erf) = vrcp.f32 v9  }
0x2d: {  	v17 =	vld [tilespmem:$0x50];
	vm1 =	vgt.s32 v13, v12;
	v55 =	vsub.s32 v13, v12;
	v6 =	vadd.s32 v0, v6  }
0x2e: {  	v57 =	vld [tilespmem:$0xD0];
	v5 =	vadd.s32 v0, v5;
	v56 =	vsel vm2, $0x3F800000, v1;
	v9 =	vnsel vm1, $0x1, v55  }
0x2f: {  	[tilespmem:$0x100] =	vst v5;
	vm2 =	vgt.s32 v15, v14;
	v5 =	vsub.s32 v15, v14;
	v9 =	vcvt.s32.f32 v9;
	v16 =	vpop (erf)  }
0x30: {  	v58 =	vld [tilespmem:$0x60];
	[tilespmem:$0x200] =	vst v6;
	v5 =	vnsel vm2, $0x1, v5;
	v6 =	vpop (erf)  }
0x31: {  	v59 =	vld [tilespmem:$0xE0];
	v5 =	vcvt.s32.f32 v5;
	(erf) = vrcp.f32 v9;
	[tilespmem:$0x310] =	vst v6;
	v6 =	vsel vm3, $0x3F800000, v1  }
0x32: {  	v60 =	vadd.s32 v0, v11;
	[tilespmem:$0x390] =	vst v6;
	v6 =	vadd.s32 v0, v7  }
0x33: {  	[tilespmem:$0x220] =	vst v60;
	(erf) = vrcp.f32 v5;
	v5 =	vsub.s32 v57, v17;
	vm3 =	vgt.s32 v57, v17  }
0x34: {  	v7 =	vadd.s32 v0, v8;
	v5 =	vnsel vm3, $0x1, v5;
	[tilespmem:$0x110] =	vst v6  }
0x35: {  	[tilespmem:$0x210] =	vst v7;
	v5 =	vcvt.s32.f32 v5;
	v6 =	vpop (erf)  }
0x36: {  	v61 =	vld [tilespmem:$0xF0];
	vm15 =	vgt.s32 v59, v58;
	v62 =	vadd.s32 v0, v13;
	[tilespmem:$0x320] =	vst v6;
	v6 =	vsel vm4, $0x3F800000, v1  }
0x37: {  	v7 =	vld [tilespmem:$0x70];
	(erf) = vrcp.f32 v5;
	v5 =	vsub.s32 v59, v58;
	[tilespmem:$0x3A0] =	vst v6;
	v6 =	vadd.s32 v0, v10  }
0x38: {  	[tilespmem:$0x230] =	vst v62;
	v5 =	vnsel vm15, $0x1, v5  }
0x39: {  	[tilespmem:$0x380] =	vst v56;
	v5 =	vcvt.s32.f32 v5  }
0x3a: {  	[tilespmem:$0x120] =	vst v6;
	v6 =	vpop (erf)  }
0x3b: {  	v63 =	vsel vm2, $0x3F800000, v1;
	(erf) = vrcp.f32 v5;
	[tilespmem:$0x330] =	vst v6;
	v6 =	vsel vm1, $0x3F800000, v1  }
0x3c: {  	v5 =	vsub.s32 v61, v7;
	vm1 =	vgt.s32 v61, v7;
	[tilespmem:$0x3B0] =	vst v6;
	v6 =	vadd.s32 v0, v12  }
0x3d: {  	[tilespmem:$0x3C0] =	vst v63;
	v5 =	vnsel vm1, $0x1, v5  }
0x3e: {  	[tilespmem:$0x300] =	vst v16;
	v5 =	vcvt.s32.f32 v5  }
0x3f: {  	[tilespmem:$0x130] =	vst v6;
	v6 =	vpop (erf)  }
0x40: {  	[tilespmem:$0x340] =	vst v6;
	v6 =	vadd.s32 v0, v14  }
0x41: {  	(erf) = vrcp.f32 v5;
	[tilespmem:$0x180] =	vst v6;
	v6 =	vadd.s32 v0, v15  }
0x42: {  	v5 =	vpop (erf);
	[tilespmem:$0x280] =	vst v6  }
0x43: {  	[tilespmem:$0x350] =	vst v5;
	v5 =	vadd.s32 v0, v17  }
0x44: {  	[tilespmem:$0x190] =	vst v5;
	v5 =	vadd.s32 v0, v57  }
0x45: {  	v6 =	vsel vm3, $0x3F800000, v1;
	[tilespmem:$0x290] =	vst v5;
	v5 =	vsel vm15, $0x3F800000, v1  }
0x46: {  	[tilespmem:$0x3E0] =	vst v5;
	v5 =	vadd.s32 v0, v58  }
0x47: {  	[tilespmem:$0x1A0] =	vst v5;
	v5 =	vadd.s32 v0, v59  }
0x48: {  	[tilespmem:$0x3D0] =	vst v6;
	v6 =	vpop (erf)  }
0x49: {  	[tilespmem:$0x360] =	vst v6  }
0x4a: {  	[tilespmem:$0x2A0] =	vst v5;
	v5 =	vpop (erf)  }
0x4b: {  	[tilespmem:$0x370] =	vst v5;
	v5 =	vsel vm1, $0x3F800000, v1  }
0x4c: {  	[tilespmem:$0x3F0] =	vst v5;
	v5 =	vadd.s32 v0, v7  }
0x4d: {  	[tilespmem:$0x1B0] =	vst v5;
	v5 =	vadd.s32 v0, v61  }
0x4e: {  	s25 =	simm.s32 $0x300;
	s1 =	rddreg [dreg:$0x4];
	[tilespmem:$0x2B0] =	vst v5  }
0x4f: {  	[hbm4b:s1+s2] =	stream.linear.scatter [tilespmem:s25], [sflag:$0x3], $0x80, $0x38;
	[tilespmem:$0x18400] =	vst v63  }
0x50: {  	_ =	swait.ge [sflag:s12], $0x80  }
0x51: {  	[sflag:s12] =	ssyncset.done $0x0  }
0x52: {  	s28 =	simm.s32 $0x380;
	s26 =	rddreg [dreg:$0x5];
	[sflag:s12] =	ssyncadd.s32 $0xFFFFFF80  }
0x53: {  	[hbm4b:s26+s2] =	stream.linear.scatter [tilespmem:s28], [sflag:$0x3], $0x80, $0x38;
	[tilespmem:$0x18400] =	vst v63  }
0x54: {  	_ =	swait.ge [sflag:s12], $0x80  }
0x55: {  	[sflag:s12] =	ssyncset.done $0x0  }
0x56: {  	[sflag:s12] =	ssyncadd.s32 $0xFFFFFF80  }
0x57: {  	v5 =	vld [tilespmem:$0x100];
	_ =	sdelay $0x4  }
0x58: {  	v6 =	vshll.u32 v5, $0x2  }
0x59: {  	v5 =	vand.u32 $0x7, v5;
	v6 =	vand.u32 $0xFFFFFFE0, v6  }
0x5a: {  	v5 =	vor.u32 v5, v6  }
0x5b: {  	v6 =	vperm.xlane v5, v2;
	_ =	sdelay $0x1  }
0x5c: {  	v6 =	vadd.s32 v3, v6;
	_ =	sdelay $0x1  }
0x5d: {  	v5 =	vperm.xlane v5, v4;
	_ =	sdelay $0x1  }
0x5e: {  	s29 =	simm.s32 $0x400;
	v5 =	vadd.s32 v3, v5  }
0x5f: {  	[tilespmem:s29], [sflag:$0x1] =	stream.indirect_vreg.gather [hbm4b:s3+s2], $0x80, v6, vm0, $0xb8;
	[tilespmem:$0x18400] =	vst v63  }
0x60: {  	s30 =	simm.s32 $0xC00  }
0x61: {  	[tilespmem:s30], [sflag:$0x1] =	stream.indirect_vreg.gather [hbm4b:s8+s2], $0x80, v6, vm0, $0xb8;
	[tilespmem:$0x18400] =	vst v63  }
0x62: {  	s31 =	simm.s32 $0x1400  }
0x63: {  	[tilespmem:s31], [sflag:$0x1] =	stream.indirect_vreg.gather [hbm4b:s3+s2], $0x80, v5, vm0, $0xb8;
	[tilespmem:$0x18400] =	vst v63  }
0x64: {  	s1 =	simm.s32 $0x1C00  }
0x65: {  	[tilespmem:s1], [sflag:$0x1] =	stream.indirect_vreg.gather [hbm4b:s8+s2], $0x80, v5, vm0, $0xb8;
	[tilespmem:$0x18400] =	vst v63  }
0x66: {  	v5 =	vld [tilespmem:$0x110];
	_ =	sdelay $0x4  }
0x67: {  	v6 =	vshll.u32 v5, $0x2  }
0x68: {  	v5 =	vand.u32 $0x7, v5;
	v6 =	vand.u32 $0xFFFFFFE0, v6  }
0x69: {  	v5 =	vor.u32 v5, v6  }
0x6a: {  	v6 =	vperm.xlane v5, v2;
	_ =	sdelay $0x1  }
0x6b: {  	v6 =	vadd.s32 v3, v6;
	_ =	sdelay $0x1  }
0x6c: {  	v5 =	vperm.xlane v5, v4;
	_ =	sdelay $0x1  }
0x6d: {  	s25 =	simm.s32 $0x2400;
	v5 =	vadd.s32 v3, v5  }
0x6e: {  	[tilespmem:s25], [sflag:$0x1] =	stream.indirect_vreg.gather [hbm4b:s3+s2], $0x80, v6, vm0, $0xb8;
	[tilespmem:$0x18400] =	vst v63  }
0x6f: {  	s26 =	simm.s32 $0x2C00  }
0x70: {  	[tilespmem:s26], [sflag:$0x1] =	stream.indirect_vreg.gather [hbm4b:s8+s2], $0x80, v6, vm0, $0xb8;
	[tilespmem:$0x18400] =	vst v63  }
0x71: {  	s28 =	simm.s32 $0x3400  }
0x72: {  	[tilespmem:s28], [sflag:$0x1] =	stream.indirect_vreg.gather [hbm4b:s3+s2], $0x80, v5, vm0, $0xb8;
	[tilespmem:$0x18400] =	vst v63  }
0x73: {  	s29 =	simm.s32 $0x3C00  }
0x74: {  	[tilespmem:s29], [sflag:$0x1] =	stream.indirect_vreg.gather [hbm4b:s8+s2], $0x80, v5, vm0, $0xb8;
	[tilespmem:$0x18400] =	vst v63  }
0x75: {  	v5 =	vld [tilespmem:$0x120];
	_ =	sdelay $0x4  }
0x76: {  	v6 =	vshll.u32 v5, $0x2  }
0x77: {  	v5 =	vand.u32 $0x7, v5;
	v6 =	vand.u32 $0xFFFFFFE0, v6  }
0x78: {  	v5 =	vor.u32 v5, v6  }
0x79: {  	v6 =	vperm.xlane v5, v2;
	_ =	sdelay $0x1  }
0x7a: {  	v6 =	vadd.s32 v3, v6;
	_ =	sdelay $0x1  }
0x7b: {  	v5 =	vperm.xlane v5, v4;
	_ =	sdelay $0x1  }
0x7c: {  	s30 =	simm.s32 $0x4400;
	v5 =	vadd.s32 v3, v5  }
0x7d: {  	[tilespmem:s30], [sflag:$0x1] =	stream.indirect_vreg.gather [hbm4b:s3+s2], $0x80, v6, vm0, $0xb8;
	[tilespmem:$0x18400] =	vst v63  }
0x7e: {  	s31 =	simm.s32 $0x4C00  }
0x7f: {  	[tilespmem:s31], [sflag:$0x1] =	stream.indirect_vreg.gather [hbm4b:s8+s2], $0x80, v6, vm0, $0xb8;
	[tilespmem:$0x18400] =	vst v63  }
0x80: {  	s1 =	simm.s32 $0x5400  }
0x81: {  	[tilespmem:s1], [sflag:$0x1] =	stream.indirect_vreg.gather [hbm4b:s3+s2], $0x80, v5, vm0, $0xb8;
	[tilespmem:$0x18400] =	vst v63  }
0x82: {  	s25 =	simm.s32 $0x5C00  }
0x83: {  	[tilespmem:s25], [sflag:$0x1] =	stream.indirect_vreg.gather [hbm4b:s8+s2], $0x80, v5, vm0, $0xb8;
	[tilespmem:$0x18400] =	vst v63  }
0x84: {  	v5 =	vld [tilespmem:$0x130];
	_ =	sdelay $0x4  }
0x85: {  	v6 =	vshll.u32 v5, $0x2  }
0x86: {  	v5 =	vand.u32 $0x7, v5;
	v6 =	vand.u32 $0xFFFFFFE0, v6  }
0x87: {  	v5 =	vor.u32 v5, v6  }
0x88: {  	v6 =	vperm.xlane v5, v2;
	_ =	sdelay $0x1  }
0x89: {  	v6 =	vadd.s32 v3, v6;
	_ =	sdelay $0x1  }
0x8a: {  	v5 =	vperm.xlane v5, v4;
	_ =	sdelay $0x1  }
0x8b: {  	s26 =	simm.s32 $0x6400;
	v5 =	vadd.s32 v3, v5  }
0x8c: {  	[tilespmem:s26], [sflag:$0x1] =	stream.indirect_vreg.gather [hbm4b:s3+s2], $0x80, v6, vm0, $0xb8;
	[tilespmem:$0x18400] =	vst v63  }
0x8d: {  	s28 =	simm.s32 $0x6C00  }
0x8e: {  	[tilespmem:s28], [sflag:$0x1] =	stream.indirect_vreg.gather [hbm4b:s8+s2], $0x80, v6, vm0, $0xb8;
	[tilespmem:$0x18400] =	vst v63  }
0x8f: {  	s29 =	simm.s32 $0x7400  }
0x90: {  	[tilespmem:s29], [sflag:$0x1] =	stream.indirect_vreg.gather [hbm4b:s3+s2], $0x80, v5, vm0, $0xb8;
	[tilespmem:$0x18400] =	vst v63  }
0x91: {  	s30 =	simm.s32 $0x7C00  }
0x92: {  	[tilespmem:s30], [sflag:$0x1] =	stream.indirect_vreg.gather [hbm4b:s8+s2], $0x80, v5, vm0, $0xb8;
	[tilespmem:$0x18400] =	vst v63  }
0x93: {  	v5 =	vld [tilespmem:$0x200];
	_ =	sdelay $0x4  }
0x94: {  	v6 =	vshll.u32 v5, $0x2  }
0x95: {  	v5 =	vand.u32 $0x7, v5;
	v6 =	vand.u32 $0xFFFFFFE0, v6  }
0x96: {  	v5 =	vor.u32 v5, v6  }
0x97: {  	v6 =	vperm.xlane v5, v2;
	_ =	sdelay $0x1  }
0x98: {  	v6 =	vadd.s32 v3, v6;
	_ =	sdelay $0x1  }
0x99: {  	v5 =	vperm.xlane v5, v4;
	_ =	sdelay $0x1  }
0x9a: {  	s31 =	simm.s32 $0x8400;
	v5 =	vadd.s32 v3, v5  }
0x9b: {  	[tilespmem:s31], [sflag:$0x2] =	stream.indirect_vreg.gather [hbm4b:s3+s2], $0x80, v6, vm0, $0xb8;
	[tilespmem:$0x18400] =	vst v63  }
0x9c: {  	_ = 	snop  }
0x9d: {  	[tilespmem:s13], [sflag:$0x2] =	stream.indirect_vreg.gather [hbm4b:s8+s2], $0x80, v6, vm0, $0xb8;
	[tilespmem:$0x18400] =	vst v63  }
0x9e: {  	_ = 	snop  }
0x9f: {  	[tilespmem:s14], [sflag:$0x2] =	stream.indirect_vreg.gather [hbm4b:s3+s2], $0x80, v5, vm0, $0xb8;
	[tilespmem:$0x18400] =	vst v63  }
0xa0: {  	_ = 	snop  }
0xa1: {  	[tilespmem:s15], [sflag:$0x2] =	stream.indirect_vreg.gather [hbm4b:s8+s2], $0x80, v5, vm0, $0xb8;
	[tilespmem:$0x18400] =	vst v63  }
0xa2: {  	v5 =	vld [tilespmem:$0x210];
	_ =	sdelay $0x4  }
0xa3: {  	v6 =	vshll.u32 v5, $0x2  }
0xa4: {  	v5 =	vand.u32 $0x7, v5;
	v6 =	vand.u32 $0xFFFFFFE0, v6  }
0xa5: {  	v5 =	vor.u32 v5, v6  }
0xa6: {  	v6 =	vperm.xlane v5, v2;
	_ =	sdelay $0x1  }
0xa7: {  	v6 =	vadd.s32 v3, v6;
	_ =	sdelay $0x1  }
0xa8: {  	v5 =	vperm.xlane v5, v4;
	_ =	sdelay $0x1  }
0xa9: {  	v5 =	vadd.s32 v3, v5  }
0xaa: {  	[tilespmem:s4], [sflag:$0x2] =	stream.indirect_vreg.gather [hbm4b:s3+s2], $0x80, v6, vm0, $0xb8;
	[tilespmem:$0x18400] =	vst v63  }
0xab: {  	_ = 	snop  }
0xac: {  	[tilespmem:s5], [sflag:$0x2] =	stream.indirect_vreg.gather [hbm4b:s8+s2], $0x80, v6, vm0, $0xb8;
	[tilespmem:$0x18400] =	vst v63  }
0xad: {  	_ = 	snop  }
0xae: {  	[tilespmem:s6], [sflag:$0x2] =	stream.indirect_vreg.gather [hbm4b:s3+s2], $0x80, v5, vm0, $0xb8;
	[tilespmem:$0x18400] =	vst v63  }
0xaf: {  	_ = 	snop  }
0xb0: {  	[tilespmem:s7], [sflag:$0x2] =	stream.indirect_vreg.gather [hbm4b:s8+s2], $0x80, v5, vm0, $0xb8;
	[tilespmem:$0x18400] =	vst v63  }
0xb1: {  	v5 =	vld [tilespmem:$0x220];
	_ =	sdelay $0x4  }
0xb2: {  	v6 =	vshll.u32 v5, $0x2  }
0xb3: {  	v5 =	vand.u32 $0x7, v5;
	v6 =	vand.u32 $0xFFFFFFE0, v6  }
0xb4: {  	v5 =	vor.u32 v5, v6  }
0xb5: {  	v6 =	vperm.xlane v5, v2;
	_ =	sdelay $0x1  }
0xb6: {  	v6 =	vadd.s32 v3, v6;
	_ =	sdelay $0x1  }
0xb7: {  	v5 =	vperm.xlane v5, v4;
	_ =	sdelay $0x1  }
0xb8: {  	v5 =	vadd.s32 v3, v5  }
0xb9: {  	[tilespmem:s16], [sflag:$0x2] =	stream.indirect_vreg.gather [hbm4b:s3+s2], $0x80, v6, vm0, $0xb8;
	[tilespmem:$0x18400] =	vst v63  }
0xba: {  	_ = 	snop  }
0xbb: {  	[tilespmem:s17], [sflag:$0x2] =	stream.indirect_vreg.gather [hbm4b:s8+s2], $0x80, v6, vm0, $0xb8;
	[tilespmem:$0x18400] =	vst v63  }
0xbc: {  	_ = 	snop  }
0xbd: {  	[tilespmem:s9], [sflag:$0x2] =	stream.indirect_vreg.gather [hbm4b:s3+s2], $0x80, v5, vm0, $0xb8;
	[tilespmem:$0x18400] =	vst v63  }
0xbe: {  	_ = 	snop  }
0xbf: {  	[tilespmem:s18], [sflag:$0x2] =	stream.indirect_vreg.gather [hbm4b:s8+s2], $0x80, v5, vm0, $0xb8;
	[tilespmem:$0x18400] =	vst v63  }
0xc0: {  	v5 =	vld [tilespmem:$0x230];
	_ =	sdelay $0x4  }
0xc1: {  	v6 =	vshll.u32 v5, $0x2  }
0xc2: {  	v5 =	vand.u32 $0x7, v5;
	v6 =	vand.u32 $0xFFFFFFE0, v6  }
0xc3: {  	v5 =	vor.u32 v5, v6  }
0xc4: {  	v6 =	vperm.xlane v5, v2;
	_ =	sdelay $0x1  }
0xc5: {  	v6 =	vadd.s32 v3, v6;
	_ =	sdelay $0x1  }
0xc6: {  	v5 =	vperm.xlane v5, v4;
	_ =	sdelay $0x1  }
0xc7: {  	v5 =	vadd.s32 v3, v5  }
0xc8: {  	[tilespmem:s10], [sflag:$0x2] =	stream.indirect_vreg.gather [hbm4b:s3+s2], $0x80, v6, vm0, $0xb8;
	[tilespmem:$0x18400] =	vst v63  }
0xc9: {  	_ = 	snop  }
0xca: {  	[tilespmem:s19], [sflag:$0x2] =	stream.indirect_vreg.gather [hbm4b:s8+s2], $0x80, v6, vm0, $0xb8;
	[tilespmem:$0x18400] =	vst v63  }
0xcb: {  	_ = 	snop  }
0xcc: {  	[tilespmem:s11], [sflag:$0x2] =	stream.indirect_vreg.gather [hbm4b:s3+s2], $0x80, v5, vm0, $0xb8;
	[tilespmem:$0x18400] =	vst v63  }
0xcd: {  	_ = 	snop  }
0xce: {  	[tilespmem:s20], [sflag:$0x2] =	stream.indirect_vreg.gather [hbm4b:s8+s2], $0x80, v5, vm0, $0xb8;
	[tilespmem:$0x18400] =	vst v63  }
0xcf: {  	_ =	swait.ge [sflag:s21], $0x8000  }
0xd0: {  	[sflag:s21] =	ssyncset.done $0x0  }
0xd1: {  	[sflag:s21] =	ssyncadd.s32 $0xFFFF8000  }
0xd2: {  	_ =	swait.ge [sflag:s22], $0x8000  }
0xd3: {  	[sflag:s22] =	ssyncset.done $0x0  }
0xd4: {  	s25 =	simm.s32 $0x0;
	[sflag:s22] =	ssyncadd.s32 $0xFFFF8000  }
.LBB2_2:
0xd5: {  	s26 =	sshll.u32 s25, $0x9;
	s28 =	sshll.u32 s25, $0x7  }
0xd6: {  	s29 =	simm.s32 $0x0;
	s26 =	sand.u32 $0x7000, s26;
	s28 =	sand.u32 $0x380, s28  }
0xd7: {  	s26 =	sor.u32 s26, s28;
	s28 =	sand.u32 $0xC00, s29  }
0xd8: {  	s29 =	sand.u32 $0x70, s29;
	s28 =	sor.u32 s28, s26  }
0xd9: {  	s28 =	sor.u32 s29, s28  }
0xda: {  	v5 =	vld [tilespmem:s28+$0x8400]  }
0xdb: {  	v6 =	vld [tilespmem:s28+$0x400]  }
0xdc: {  	s30 =	simm.s32 $0x80;
	s29 =	simm.s32 $0x10  }
.LBB2_3:
0xdd: {  	s31 =	sand.u32 $0x70, s29;
	s0 =	sand.u32 $0xC00, s30;
	p0 =	sne.s32 s29, $0x1F0  }
.Ltmp0:
0xde: {  	s29 =	sadd.s32 $0x10, s29;
	s0 =	sor.u32 s0, s26;
	(pc) =	sbr.rel @p0 .LBB2_3-.Ltmp0, $4  }
0xdf: {  	s0 =	sor.u32 s31, s0  }
0xe0: {  	v7 =	vsub.f32 v5, v6;
	v5 =	vld [tilespmem:s0+$0x8400]  }
0xe1: {  	v6 =	vld [tilespmem:s0+$0x400]  }
0xe2: {  	s30 =	sadd.s32 $0x80, s30;
	[tilespmem:s28+$0x10400] =	vst v7;
	s28 =	smov.u32 s0  }
0xe3: {  	s25 =	sadd.s32 $0x1, s25  }
0xe4: {  	p0 =	sne.s32 s25, $0x40  }
.Ltmp1:
0xe5: {  	_ = 	snop;
	(pc) =	sbr.rel @p0 .LBB2_2-.Ltmp1, $3  }
0xe6: {  	_ = 	snop  }
0xe7: {  	v5 =	vsub.f32 v5, v6;
	_ =	sdelay $0x1  }
0xe8: {  	[tilespmem:s28+$0x10400] =	vst v5  }
0xe9: {  	s25 =	simm.s32 $0x0;
	s0 =	rddreg [dreg:$0x7]  }
0xea: {  	[hbm4b:s0+s25] =	stream.linear.scatter [tilespmem:s23], [sflag:$0x3], $0x8000, $0x38;
	[tilespmem:$0x18400] =	vst v63  }
0xeb: {  	_ =	swait.ge [sflag:s12], $0x8000  }
0xec: {  	[sflag:s12] =	ssyncset.done $0x0  }
0xed: {  	[sflag:s12] =	ssyncadd.s32 $0xFFFF8000  }
0xee: {  	v5 =	vld [tilespmem:$0x180];
	_ =	sdelay $0x4  }
0xef: {  	v6 =	vshll.u32 v5, $0x2  }
0xf0: {  	v5 =	vand.u32 $0x7, v5;
	v6 =	vand.u32 $0xFFFFFFE0, v6  }
0xf1: {  	v5 =	vor.u32 v5, v6  }
0xf2: {  	v6 =	vperm.xlane v5, v2;
	_ =	sdelay $0x1  }
0xf3: {  	v6 =	vadd.s32 v3, v6;
	_ =	sdelay $0x1  }
0xf4: {  	v5 =	vperm.xlane v5, v4;
	_ =	sdelay $0x1  }
0xf5: {  	s26 =	simm.s32 $0x400;
	v5 =	vadd.s32 v3, v5  }
0xf6: {  	[tilespmem:s26], [sflag:$0x1] =	stream.indirect_vreg.gather [hbm4b:s3+s25], $0x80, v6, vm0, $0xb8;
	[tilespmem:$0x18400] =	vst v63  }
0xf7: {  	s28 =	simm.s32 $0xC00  }
0xf8: {  	[tilespmem:s28], [sflag:$0x1] =	stream.indirect_vreg.gather [hbm4b:s8+s25], $0x80, v6, vm0, $0xb8;
	[tilespmem:$0x18400] =	vst v63  }
0xf9: {  	s29 =	simm.s32 $0x1400  }
0xfa: {  	[tilespmem:s29], [sflag:$0x1] =	stream.indirect_vreg.gather [hbm4b:s3+s25], $0x80, v5, vm0, $0xb8;
	[tilespmem:$0x18400] =	vst v63  }
0xfb: {  	s30 =	simm.s32 $0x1C00  }
0xfc: {  	[tilespmem:s30], [sflag:$0x1] =	stream.indirect_vreg.gather [hbm4b:s8+s25], $0x80, v5, vm0, $0xb8;
	[tilespmem:$0x18400] =	vst v63  }
0xfd: {  	v5 =	vld [tilespmem:$0x190];
	_ =	sdelay $0x4  }
0xfe: {  	v6 =	vshll.u32 v5, $0x2  }
0xff: {  	v5 =	vand.u32 $0x7, v5;
	v6 =	vand.u32 $0xFFFFFFE0, v6  }
0x100: {  	v5 =	vor.u32 v5, v6  }
0x101: {  	v6 =	vperm.xlane v5, v2;
	_ =	sdelay $0x1  }
0x102: {  	v6 =	vadd.s32 v3, v6;
	_ =	sdelay $0x1  }
0x103: {  	v5 =	vperm.xlane v5, v4;
	_ =	sdelay $0x1  }
0x104: {  	s31 =	simm.s32 $0x2400;
	v5 =	vadd.s32 v3, v5  }
0x105: {  	[tilespmem:s31], [sflag:$0x1] =	stream.indirect_vreg.gather [hbm4b:s3+s25], $0x80, v6, vm0, $0xb8;
	[tilespmem:$0x18400] =	vst v63  }
0x106: {  	s1 =	simm.s32 $0x2C00  }
0x107: {  	[tilespmem:s1], [sflag:$0x1] =	stream.indirect_vreg.gather [hbm4b:s8+s25], $0x80, v6, vm0, $0xb8;
	[tilespmem:$0x18400] =	vst v63  }
0x108: {  	s26 =	simm.s32 $0x3400  }
0x109: {  	[tilespmem:s26], [sflag:$0x1] =	stream.indirect_vreg.gather [hbm4b:s3+s25], $0x80, v5, vm0, $0xb8;
	[tilespmem:$0x18400] =	vst v63  }
0x10a: {  	s28 =	simm.s32 $0x3C00  }
0x10b: {  	[tilespmem:s28], [sflag:$0x1] =	stream.indirect_vreg.gather [hbm4b:s8+s25], $0x80, v5, vm0, $0xb8;
	[tilespmem:$0x18400] =	vst v63  }
0x10c: {  	v5 =	vld [tilespmem:$0x1A0];
	_ =	sdelay $0x4  }
0x10d: {  	v6 =	vshll.u32 v5, $0x2  }
0x10e: {  	v5 =	vand.u32 $0x7, v5;
	v6 =	vand.u32 $0xFFFFFFE0, v6  }
0x10f: {  	v5 =	vor.u32 v5, v6  }
0x110: {  	v6 =	vperm.xlane v5, v2;
	_ =	sdelay $0x1  }
0x111: {  	v6 =	vadd.s32 v3, v6;
	_ =	sdelay $0x1  }
0x112: {  	v5 =	vperm.xlane v5, v4;
	_ =	sdelay $0x1  }
0x113: {  	s29 =	simm.s32 $0x4400;
	v5 =	vadd.s32 v3, v5  }
0x114: {  	[tilespmem:s29], [sflag:$0x1] =	stream.indirect_vreg.gather [hbm4b:s3+s25], $0x80, v6, vm0, $0xb8;
	[tilespmem:$0x18400] =	vst v63  }
0x115: {  	s30 =	simm.s32 $0x4C00  }
0x116: {  	[tilespmem:s30], [sflag:$0x1] =	stream.indirect_vreg.gather [hbm4b:s8+s25], $0x80, v6, vm0, $0xb8;
	[tilespmem:$0x18400] =	vst v63  }
0x117: {  	s31 =	simm.s32 $0x5400  }
0x118: {  	[tilespmem:s31], [sflag:$0x1] =	stream.indirect_vreg.gather [hbm4b:s3+s25], $0x80, v5, vm0, $0xb8;
	[tilespmem:$0x18400] =	vst v63  }
0x119: {  	s1 =	simm.s32 $0x5C00  }
0x11a: {  	[tilespmem:s1], [sflag:$0x1] =	stream.indirect_vreg.gather [hbm4b:s8+s25], $0x80, v5, vm0, $0xb8;
	[tilespmem:$0x18400] =	vst v63  }
0x11b: {  	v5 =	vld [tilespmem:$0x1B0];
	_ =	sdelay $0x4  }
0x11c: {  	v6 =	vshll.u32 v5, $0x2  }
0x11d: {  	v5 =	vand.u32 $0x7, v5;
	v6 =	vand.u32 $0xFFFFFFE0, v6  }
0x11e: {  	v5 =	vor.u32 v5, v6  }
0x11f: {  	v6 =	vperm.xlane v5, v2;
	_ =	sdelay $0x1  }
0x120: {  	v6 =	vadd.s32 v3, v6;
	_ =	sdelay $0x1  }
0x121: {  	v5 =	vperm.xlane v5, v4;
	_ =	sdelay $0x1  }
0x122: {  	s26 =	simm.s32 $0x6400;
	v5 =	vadd.s32 v3, v5  }
0x123: {  	[tilespmem:s26], [sflag:$0x1] =	stream.indirect_vreg.gather [hbm4b:s3+s25], $0x80, v6, vm0, $0xb8;
	[tilespmem:$0x18400] =	vst v63  }
0x124: {  	s28 =	simm.s32 $0x6C00  }
0x125: {  	[tilespmem:s28], [sflag:$0x1] =	stream.indirect_vreg.gather [hbm4b:s8+s25], $0x80, v6, vm0, $0xb8;
	[tilespmem:$0x18400] =	vst v63  }
0x126: {  	s29 =	simm.s32 $0x7400  }
0x127: {  	[tilespmem:s29], [sflag:$0x1] =	stream.indirect_vreg.gather [hbm4b:s3+s25], $0x80, v5, vm0, $0xb8;
	[tilespmem:$0x18400] =	vst v63  }
0x128: {  	s30 =	simm.s32 $0x7C00  }
0x129: {  	[tilespmem:s30], [sflag:$0x1] =	stream.indirect_vreg.gather [hbm4b:s8+s25], $0x80, v5, vm0, $0xb8;
	[tilespmem:$0x18400] =	vst v63  }
0x12a: {  	v5 =	vld [tilespmem:$0x280];
	_ =	sdelay $0x4  }
0x12b: {  	v6 =	vshll.u32 v5, $0x2  }
0x12c: {  	v5 =	vand.u32 $0x7, v5;
	v6 =	vand.u32 $0xFFFFFFE0, v6  }
0x12d: {  	v5 =	vor.u32 v5, v6  }
0x12e: {  	v6 =	vperm.xlane v5, v2;
	_ =	sdelay $0x1  }
0x12f: {  	v6 =	vadd.s32 v3, v6;
	_ =	sdelay $0x1  }
0x130: {  	v5 =	vperm.xlane v5, v4;
	_ =	sdelay $0x1  }
0x131: {  	s31 =	simm.s32 $0x8400;
	v5 =	vadd.s32 v3, v5  }
0x132: {  	[tilespmem:s31], [sflag:$0x2] =	stream.indirect_vreg.gather [hbm4b:s3+s25], $0x80, v6, vm0, $0xb8;
	[tilespmem:$0x18400] =	vst v63  }
0x133: {  	_ = 	snop  }
0x134: {  	[tilespmem:s13], [sflag:$0x2] =	stream.indirect_vreg.gather [hbm4b:s8+s25], $0x80, v6, vm0, $0xb8;
	[tilespmem:$0x18400] =	vst v63  }
0x135: {  	_ = 	snop  }
0x136: {  	[tilespmem:s14], [sflag:$0x2] =	stream.indirect_vreg.gather [hbm4b:s3+s25], $0x80, v5, vm0, $0xb8;
	[tilespmem:$0x18400] =	vst v63  }
0x137: {  	_ = 	snop  }
0x138: {  	[tilespmem:s15], [sflag:$0x2] =	stream.indirect_vreg.gather [hbm4b:s8+s25], $0x80, v5, vm0, $0xb8;
	[tilespmem:$0x18400] =	vst v63  }
0x139: {  	v5 =	vld [tilespmem:$0x290];
	_ =	sdelay $0x4  }
0x13a: {  	v6 =	vshll.u32 v5, $0x2  }
0x13b: {  	v5 =	vand.u32 $0x7, v5;
	v6 =	vand.u32 $0xFFFFFFE0, v6  }
0x13c: {  	v5 =	vor.u32 v5, v6  }
0x13d: {  	v6 =	vperm.xlane v5, v2;
	_ =	sdelay $0x1  }
0x13e: {  	v6 =	vadd.s32 v3, v6;
	_ =	sdelay $0x1  }
0x13f: {  	v5 =	vperm.xlane v5, v4;
	_ =	sdelay $0x1  }
0x140: {  	v5 =	vadd.s32 v3, v5  }
0x141: {  	[tilespmem:s4], [sflag:$0x2] =	stream.indirect_vreg.gather [hbm4b:s3+s25], $0x80, v6, vm0, $0xb8;
	[tilespmem:$0x18400] =	vst v63  }
0x142: {  	_ = 	snop  }
0x143: {  	[tilespmem:s5], [sflag:$0x2] =	stream.indirect_vreg.gather [hbm4b:s8+s25], $0x80, v6, vm0, $0xb8;
	[tilespmem:$0x18400] =	vst v63  }
0x144: {  	_ = 	snop  }
0x145: {  	[tilespmem:s6], [sflag:$0x2] =	stream.indirect_vreg.gather [hbm4b:s3+s25], $0x80, v5, vm0, $0xb8;
	[tilespmem:$0x18400] =	vst v63  }
0x146: {  	_ = 	snop  }
0x147: {  	[tilespmem:s7], [sflag:$0x2] =	stream.indirect_vreg.gather [hbm4b:s8+s25], $0x80, v5, vm0, $0xb8;
	[tilespmem:$0x18400] =	vst v63  }
0x148: {  	v5 =	vld [tilespmem:$0x2A0];
	_ =	sdelay $0x4  }
0x149: {  	v6 =	vshll.u32 v5, $0x2  }
0x14a: {  	v5 =	vand.u32 $0x7, v5;
	v6 =	vand.u32 $0xFFFFFFE0, v6  }
0x14b: {  	v5 =	vor.u32 v5, v6  }
0x14c: {  	v6 =	vperm.xlane v5, v2;
	_ =	sdelay $0x1  }
0x14d: {  	v6 =	vadd.s32 v3, v6;
	_ =	sdelay $0x1  }
0x14e: {  	v5 =	vperm.xlane v5, v4;
	_ =	sdelay $0x1  }
0x14f: {  	v5 =	vadd.s32 v3, v5  }
0x150: {  	[tilespmem:s16], [sflag:$0x2] =	stream.indirect_vreg.gather [hbm4b:s3+s25], $0x80, v6, vm0, $0xb8;
	[tilespmem:$0x18400] =	vst v63  }
0x151: {  	_ = 	snop  }
0x152: {  	[tilespmem:s17], [sflag:$0x2] =	stream.indirect_vreg.gather [hbm4b:s8+s25], $0x80, v6, vm0, $0xb8;
	[tilespmem:$0x18400] =	vst v63  }
0x153: {  	_ = 	snop  }
0x154: {  	[tilespmem:s9], [sflag:$0x2] =	stream.indirect_vreg.gather [hbm4b:s3+s25], $0x80, v5, vm0, $0xb8;
	[tilespmem:$0x18400] =	vst v63  }
0x155: {  	_ = 	snop  }
0x156: {  	[tilespmem:s18], [sflag:$0x2] =	stream.indirect_vreg.gather [hbm4b:s8+s25], $0x80, v5, vm0, $0xb8;
	[tilespmem:$0x18400] =	vst v63  }
0x157: {  	v5 =	vld [tilespmem:$0x2B0];
	_ =	sdelay $0x4  }
0x158: {  	v6 =	vshll.u32 v5, $0x2  }
0x159: {  	v5 =	vand.u32 $0x7, v5;
	v6 =	vand.u32 $0xFFFFFFE0, v6  }
0x15a: {  	v5 =	vor.u32 v5, v6  }
0x15b: {  	v6 =	vperm.xlane v5, v2;
	_ =	sdelay $0x1  }
0x15c: {  	v6 =	vadd.s32 v3, v6;
	_ =	sdelay $0x1  }
0x15d: {  	v5 =	vperm.xlane v5, v4;
	_ =	sdelay $0x1  }
0x15e: {  	v5 =	vadd.s32 v3, v5  }
0x15f: {  	[tilespmem:s10], [sflag:$0x2] =	stream.indirect_vreg.gather [hbm4b:s3+s25], $0x80, v6, vm0, $0xb8;
	[tilespmem:$0x18400] =	vst v63  }
0x160: {  	_ = 	snop  }
0x161: {  	[tilespmem:s19], [sflag:$0x2] =	stream.indirect_vreg.gather [hbm4b:s8+s25], $0x80, v6, vm0, $0xb8;
	[tilespmem:$0x18400] =	vst v63  }
0x162: {  	_ = 	snop  }
0x163: {  	[tilespmem:s11], [sflag:$0x2] =	stream.indirect_vreg.gather [hbm4b:s3+s25], $0x80, v5, vm0, $0xb8;
	[tilespmem:$0x18400] =	vst v63  }
0x164: {  	_ = 	snop  }
0x165: {  	[tilespmem:s20], [sflag:$0x2] =	stream.indirect_vreg.gather [hbm4b:s8+s25], $0x80, v5, vm0, $0xb8;
	[tilespmem:$0x18400] =	vst v63  }
0x166: {  	_ =	swait.ge [sflag:s21], $0x8000  }
0x167: {  	[sflag:s21] =	ssyncset.done $0x0  }
0x168: {  	[sflag:s21] =	ssyncadd.s32 $0xFFFF8000  }
0x169: {  	_ =	swait.ge [sflag:s22], $0x8000  }
0x16a: {  	[sflag:s22] =	ssyncset.done $0x0  }
0x16b: {  	s26 =	simm.s32 $0x0;
	[sflag:s22] =	ssyncadd.s32 $0xFFFF8000  }
.LBB2_6:
0x16c: {  	s0 =	sshll.u32 s26, $0x9;
	s28 =	sshll.u32 s26, $0x7  }
0x16d: {  	s0 =	sand.u32 $0x7000, s0;
	s28 =	sand.u32 $0x380, s28  }
0x16e: {  	s1 =	sand.u32 $0xC00, s25;
	s28 =	sor.u32 s0, s28  }
0x16f: {  	s29 =	sand.u32 $0x70, s25;
	s0 =	sor.u32 s1, s28  }
0x170: {  	s29 =	sor.u32 s29, s0  }
0x171: {  	v5 =	vld [tilespmem:s29+$0x8400]  }
0x172: {  	v6 =	vld [tilespmem:s29+$0x400]  }
0x173: {  	s30 =	simm.s32 $0x10;
	s31 =	simm.s32 $0x80  }
.LBB2_7:
0x174: {  	s0 =	sand.u32 $0x70, s30;
	s1 =	sand.u32 $0xC00, s31;
	p0 =	sne.s32 s30, $0x1F0  }
.Ltmp2:
0x175: {  	s30 =	sadd.s32 $0x10, s30;
	s1 =	sor.u32 s1, s28;
	(pc) =	sbr.rel @p0 .LBB2_7-.Ltmp2, $4  }
0x176: {  	s0 =	sor.u32 s0, s1  }
0x177: {  	v7 =	vsub.f32 v5, v6;
	v5 =	vld [tilespmem:s0+$0x8400]  }
0x178: {  	v6 =	vld [tilespmem:s0+$0x400]  }
0x179: {  	s31 =	sadd.s32 $0x80, s31;
	[tilespmem:s29+$0x10400] =	vst v7;
	s29 =	smov.u32 s0  }
0x17a: {  	s26 =	sadd.s32 $0x1, s26  }
0x17b: {  	p0 =	sne.s32 s26, $0x40  }
.Ltmp3:
0x17c: {  	_ = 	snop;
	(pc) =	sbr.rel @p0 .LBB2_6-.Ltmp3, $3  }
0x17d: {  	_ = 	snop  }
0x17e: {  	v5 =	vsub.f32 v5, v6;
	_ =	sdelay $0x1  }
0x17f: {  	[tilespmem:s29+$0x10400] =	vst v5  }
0x180: {  	s0 =	rddreg [dreg:$0x8]  }
0x181: {  	[hbm4b:s0+s2] =	stream.linear.scatter [tilespmem:s23], [sflag:$0x3], $0x8000, $0x38;
	[tilespmem:$0x18400] =	vst v63  }
0x182: {  	_ =	swait.ge [sflag:s12], $0x8000  }
0x183: {  	s24 =	sadd.s32 $0x1, s24;
	s31 =	rddreg [dreg:$0x9]  }
0x184: {  	p0 =	sne.s32 s24, s31  }
.Ltmp4:
0x185: {  	_ = 	snop;
	(pc) =	sbr.rel @p0 .LBB2_1-.Ltmp4, $3  }
0x186: {  	_ =	sdelay $0x1  }
0x187: {  	[sflag:s12] =	ssyncset.done $0x0  }
0x188: {  	[sflag:s12] =	ssyncadd.s32 $0xFFFF8000  }
0x189: {  	_ =	sfence.sel $0x180000  }
0x18a: {  	[bflag:$0x0] =	sbarrier.arrive $0xFFFF  }
0x18b: {  	_ =	strace $0x9000004A  }
0x18c: {  	s0 =	stileid.u32;
	[bflag:$0x2] =	sbarrier.arrive $0xFFFF  }
0x18d: {  	p0 =	sne.s32 s0, $0x0;
	s0 =	rddreg [dreg:$0x2]  }
0x18e: {  	s0 =	sadd.s32 @!p0 $0x100000, s0  }
0x18f: {  	[sflag:s0] =	ssyncadd.tile.s32 @!p0 $0x1;
	_ =	shalt  }
.Lfunc_end2:
_tile_overlayer_lowered:
.L_overlay_start_2:
0x190: {  	(tag) =	ssettag $0x2  }
0x191: {  	s0 =	rddreg [dreg:$0x0];
	s2 =	stileid.u32  }
0x192: {  	s1 =	rddreg [dreg:$0x1];
	p0 =	sne.s32 s2, $0x0  }
0x193: {  	s3 =	rddreg [dreg:$0x2];
	[bflag:$0x3] =	sbarrier.arrive $0xFFFF;
	s2 =	simm.s32 @!p0 $0x1C03  }
0x194: {  	[timem:s3], [sflag:s2] =	dma.local @!p0 [hbm:s0], s1  }
0x195: {  	s0 =	simm.s32 @!p0 $0x3  }
0x196: {  	_ =	swait.ge @!p0 [sflag:s0], s1  }
0x197: {  	s1 =	ssub.s32 @!p0 $0x0, s1;
	[sflag:s0] =	ssyncset.done @!p0 $0x0  }
0x198: {  	[sflag:s0] =	ssyncadd.s32 @!p0 s1  }
0x199: {  	[bflag:$0x3] =	sbarrier.arrive $0xFFFF  }
0x19a: {  	_ =	shalt  }

</sc_bundles>
